<compile_context>
chip_gen: v7x
topology: tpu7x:2x2x1
jax: 0.10.2.dev20260603
libtpu: 0.0.44.dev20260713+nightly
codegen_flags: <defaults>
</compile_context>

<pallas_src>
import functools

import jax
import jax.numpy as jnp
from jax import lax
from jax.experimental import pallas as pl
from jax.experimental.pallas import tpu as pltpu
from jax.experimental.pallas import tpu_sc as plsc

N = 10000
E = 320000
D = 128

NC = 2
NS = 16
NW = NC * NS
EPW = E // NW
KC = 80
NCH = EPW // KC
NP = 10240
NPT = NP // NS
NPZ = 128
NPP = NP // 16

_BN = 2000
_BE = 4000


def _silu(v):
    return v * jax.nn.sigmoid(v)



def _prep_body(h_ref, we1_ref, be1_ref, wc1_ref, bc1_ref, we3_ref, be3_ref,
               a_ref, b_ref, wc1p_ref, bc1p_ref):
    hh = h_ref[...]
    w = we1_ref[...]
    a_ref[...] = jnp.dot(hh, w[:D, :], preferred_element_type=jnp.float32) + be1_ref[...]
    b_ref[...] = jnp.dot(hh, w[D:2 * D, :], preferred_element_type=jnp.float32)
    wc1p_ref[...] = jnp.dot(we3_ref[...], wc1_ref[...], preferred_element_type=jnp.float32)
    bc1p_ref[...] = jnp.dot(be3_ref[...], wc1_ref[...], preferred_element_type=jnp.float32) + bc1_ref[...]


def _prep_call(h, we1ab, be1, wc1, bc1, we3, be3):
    grid = N // _BN
    return pl.pallas_call(
        _prep_body,
        grid=(grid,),
        in_specs=[
            pl.BlockSpec((_BN, D), lambda i: (i, 0)),
            pl.BlockSpec((2 * D, D), lambda i: (0, 0)),
            pl.BlockSpec((1, D), lambda i: (0, 0)),
            pl.BlockSpec((D, D), lambda i: (0, 0)),
            pl.BlockSpec((1, D), lambda i: (0, 0)),
            pl.BlockSpec((D, D), lambda i: (0, 0)),
            pl.BlockSpec((1, D), lambda i: (0, 0)),
        ],
        out_specs=[
            pl.BlockSpec((_BN, D), lambda i: (i, 0)),
            pl.BlockSpec((_BN, D), lambda i: (i, 0)),
            pl.BlockSpec((D, D), lambda i: (0, 0)),
            pl.BlockSpec((1, D), lambda i: (0, 0)),
        ],
        out_shape=[
            jax.ShapeDtypeStruct((N, D), jnp.float32),
            jax.ShapeDtypeStruct((N, D), jnp.float32),
            jax.ShapeDtypeStruct((D, D), jnp.float32),
            jax.ShapeDtypeStruct((1, D), jnp.float32),
        ],
    )(h, we1ab, be1, wc1, bc1, we3, be3)



def _gather_body(ah, bh, xpf, pair, gh_out, gx_out,
                 isvA, idvA, gaA, gbA, gxvA, ipvA,
                 isvB, idvB, gaB, gbB, gxvB, ipvB,
                 xtab, semA, semB):
    wid = lax.axis_index("s") * NC + lax.axis_index("c")
    pltpu.sync_copy(xpf, xtab)
    lane16 = lax.iota(jnp.int32, 16)
    ebase = wid * EPW

    def zr_mk(gxv):
        def zr(r, c):
            gxv[r, pl.ds(0, 16)] = jnp.zeros((16,), jnp.float32)
            return c
        return zr

    lax.fori_loop(0, KC, zr_mk(gxvA), 0)
    lax.fori_loop(0, KC, zr_mk(gxvB), 0)

    def load_idx(i, ipv, isv, idv):
        pltpu.sync_copy(pair.at[pl.ds(ebase + i * KC, KC)], ipv)

        def dec(g, c):
            p16 = ipv[pl.ds(g * 16, 16)]
            isv[pl.ds(g * 16, 16)] = jax.lax.shift_right_logical(p16, 14)
            idv[pl.ds(g * 16, 16)] = jax.lax.bitwise_and(p16, 16383)
            return c

        lax.fori_loop(0, KC // 16, dec, 0)

    def start(isv, idv, ga, gb, sem):
        c1 = pltpu.async_copy(ah.at[isv], ga, sem)
        c2 = pltpu.async_copy(bh.at[idv], gb, sem)
        return c1, c2, sem

    def finish(i, cs, isv, idv, ga, gb, gxv):
        def grp(g, c):
            sv = isv[pl.ds(g * 16, 16)]
            s16 = sv * 4
            d16 = idv[pl.ds(g * 16, 16)] * 4
            rows = lane16 + g * 16
            for comp in range(3):
                cv = jnp.full((16,), comp, jnp.int32)
                vs = plsc.load_gather(xtab, [s16 + comp])
                vd = plsc.load_gather(xtab, [d16 + comp])
                plsc.store_scatter(gxv, [rows, cv], vs - vd)
            offf = (jax.lax.bitwise_and(sv, 15) * 8).astype(jnp.float32)
            plsc.store_scatter(gxv, [rows, jnp.full((16,), 3, jnp.int32)], offf)
            return c

        lax.fori_loop(0, KC // 16, grp, 0)
        cs[0].wait()
        cs[1].wait()

        def row(r, c):
            for g in range(D // 16):
                ga[r, pl.ds(16 * g, 16)] = ga[r, pl.ds(16 * g, 16)] + gb[r, pl.ds(16 * g, 16)]
            return c

        lax.fori_loop(0, KC, row, 0)
        s1 = pltpu.async_copy(ga, gh_out.at[pl.ds(ebase + i * KC, KC)], cs[2])
        s2 = pltpu.async_copy(gxv, gx_out.at[pl.ds(ebase + i * KC, KC)], cs[2])
        s1.wait()
        s2.wait()

    load_idx(0, ipvA, isvA, idvA)
    csA = start(isvA, idvA, gaA, gbA, semA)

    def pairloop(j, carry):
        i1 = 2 * j + 1
        i2 = 2 * j + 2
        load_idx(i1, ipvB, isvB, idvB)
        csB = start(isvB, idvB, gaB, gbB, semB)
        finish(2 * j, csA, isvA, idvA, gaA, gbA, gxvA)
        load_idx(i2, ipvA, isvA, idvA)
        csA2 = start(isvA, idvA, gaA, gbA, semA)
        finish(i1, csB, isvB, idvB, gaB, gbB, gxvB)
        return carry

    lax.fori_loop(0, (NCH - 1) // 2, pairloop, 0)
    finish(NCH - 1, csA, isvA, idvA, gaA, gbA, gxvA)


def _gather_call(ah, bh, xpf, pair):
    mesh = plsc.VectorSubcoreMesh(core_axis_name="c", subcore_axis_name="s")
    bufset = [
        pltpu.VMEM((KC,), jnp.int32),
        pltpu.VMEM((KC,), jnp.int32),
        pltpu.VMEM((KC, D), jnp.float32),
        pltpu.VMEM((KC, D), jnp.float32),
        pltpu.VMEM((KC, 16), jnp.float32),
        pltpu.VMEM((KC,), jnp.int32),
    ]
    f = functools.partial(
        pl.kernel,
        out_type=(
            jax.ShapeDtypeStruct((E, D), jnp.float32),
            jax.ShapeDtypeStruct((E, 16), jnp.float32),
        ),
        mesh=mesh,
        scratch_types=bufset + bufset + [
            pltpu.VMEM((N * 4,), jnp.float32),
            pltpu.SemaphoreType.DMA,
            pltpu.SemaphoreType.DMA,
        ],
        compiler_params=pltpu.CompilerParams(needs_layout_passes=False),
    )(_gather_body)
    return f(ah, bh, xpf, pair)



def _edge_body(gh_ref, gx_ref, w1row_ref, we2_ref, be2_ref, wc1p_ref,
               bc1p_ref, wc2r_ref, bc2_ref, u_ref, dp_ref):
    gh = gh_ref[...]
    gx = gx_ref[...]
    l16 = lax.broadcasted_iota(jnp.int32, gx.shape, 1)
    d2 = jnp.sum(jnp.where(l16 < 3, gx * gx, 0.0), axis=1, keepdims=True)
    pre1 = gh + d2 * w1row_ref[...]
    t = _silu(pre1)
    u = _silu(jnp.dot(t, we2_ref[...], preferred_element_type=jnp.float32) + be2_ref[...])
    s = _silu(jnp.dot(u, wc1p_ref[...], preferred_element_type=jnp.float32) + bc1p_ref[...])
    cpre = jnp.sum(s * wc2r_ref[...], axis=1, keepdims=True) + bc2_ref[...]
    c = jnp.tanh(cpre)
    u_ref[...] = u
    off = gx[:, 3:4].astype(jnp.int32)
    lanes = lax.broadcasted_iota(jnp.int32, (gx.shape[0], D), 1)
    dpw = jnp.where(lanes == off, gx[:, 0:1] * c, 0.0)
    dpw = dpw + jnp.where(lanes == off + 1, gx[:, 1:2] * c, 0.0)
    dpw = dpw + jnp.where(lanes == off + 2, gx[:, 2:3] * c, 0.0)
    dp_ref[...] = dpw + (lanes == off + 3).astype(jnp.float32)


def _edge_call(gh, gx, w1row, we2, be2, wc1p, bc1p, wc2r, bc2):
    grid = E // _BE
    return pl.pallas_call(
        _edge_body,
        grid=(grid,),
        in_specs=[
            pl.BlockSpec((_BE, D), lambda i: (i, 0)),
            pl.BlockSpec((_BE, 16), lambda i: (i, 0)),
            pl.BlockSpec((1, D), lambda i: (0, 0)),
            pl.BlockSpec((D, D), lambda i: (0, 0)),
            pl.BlockSpec((1, D), lambda i: (0, 0)),
            pl.BlockSpec((D, D), lambda i: (0, 0)),
            pl.BlockSpec((1, D), lambda i: (0, 0)),
            pl.BlockSpec((1, D), lambda i: (0, 0)),
            pl.BlockSpec((1, 1), lambda i: (0, 0)),
        ],
        out_specs=[
            pl.BlockSpec((_BE, D), lambda i: (i, 0)),
            pl.BlockSpec((_BE, D), lambda i: (i, 0)),
        ],
        out_shape=[
            jax.ShapeDtypeStruct((E, D), jnp.float32),
            jax.ShapeDtypeStruct((E, D), jnp.float32),
        ],
    )(gh, gx, w1row, we2, be2, wc1p, bc1p, wc2r, bc2)



def _scatter_body(u, dp, pair, zu, u2_out, d2_out,
                  isvA, isv2A, ipvA, uvA, dvA,
                  isvB, isv2B, ipvB, uvB, dvB,
                  us_s, dsp_s, semA, semB):
    cid = lax.axis_index("c")
    sid = lax.axis_index("s")
    wid = sid * NC + cid
    ebase = wid * EPW

    for j in range(NPT // NPZ):
        pltpu.sync_copy(zu, us_s.at[pl.ds(sid * NPT + j * NPZ, NPZ)])
    pltpu.sync_copy(zu.at[pl.ds(0, NPP // NS)], dsp_s.at[pl.ds(sid * (NPP // NS), NPP // NS)])
    plsc.subcore_barrier()

    def start(i, ipv, uv, dv, sem):
        pltpu.sync_copy(pair.at[pl.ds(ebase + i * KC, KC)], ipv)
        c1 = pltpu.async_copy(u.at[pl.ds(ebase + i * KC, KC)], uv, sem)
        c2 = pltpu.async_copy(dp.at[pl.ds(ebase + i * KC, KC)], dv, sem)
        return c1, c2, sem

    def finish(cs, ipv, isv, isv2, uv, dv):
        def dec(g, c):
            p16 = ipv[pl.ds(g * 16, 16)]
            s16 = jax.lax.shift_right_logical(p16, 14)
            isv[pl.ds(g * 16, 16)] = s16
            isv2[pl.ds(g * 16, 16)] = jax.lax.shift_right_logical(s16, 4)
            return c

        lax.fori_loop(0, KC // 16, dec, 0)
        cs[0].wait()
        cs[1].wait()
        a1 = pltpu.async_copy(uv, us_s.at[isv], cs[2], add=True)
        a2 = pltpu.async_copy(dv, dsp_s.at[isv2], cs[2], add=True)
        a1.wait()
        a2.wait()

    csA = start(0, ipvA, uvA, dvA, semA)

    def pairloop(j, carry):
        csB = start(2 * j + 1, ipvB, uvB, dvB, semB)
        finish(csA, ipvA, isvA, isv2A, uvA, dvA)
        csA2 = start(2 * j + 2, ipvA, uvA, dvA, semA)
        finish(csB, ipvB, isvB, isv2B, uvB, dvB)
        return carry

    lax.fori_loop(0, (NCH - 1) // 2, pairloop, 0)
    finish(csA, ipvA, isvA, isv2A, uvA, dvA)
    plsc.subcore_barrier()

    row0 = sid * NPT
    pltpu.sync_copy(us_s.at[pl.ds(row0, NPT)], u2_out.at[cid, pl.ds(row0, NPT)])
    r2 = sid * (NPP // NS)
    pltpu.sync_copy(dsp_s.at[pl.ds(r2, NPP // NS)], d2_out.at[cid, pl.ds(r2, NPP // NS)])


def _scatter_call(u, dp, pair, zu):
    mesh = plsc.VectorSubcoreMesh(core_axis_name="c", subcore_axis_name="s")
    bufset = [
        pltpu.VMEM((KC,), jnp.int32),
        pltpu.VMEM((KC,), jnp.int32),
        pltpu.VMEM((KC,), jnp.int32),
        pltpu.VMEM((KC, D), jnp.float32),
        pltpu.VMEM((KC, D), jnp.float32),
    ]
    f = functools.partial(
        pl.kernel,
        out_type=(
            jax.ShapeDtypeStruct((NC, NP, D), jnp.float32),
            jax.ShapeDtypeStruct((NC, NPP, D), jnp.float32),
        ),
        mesh=mesh,
        scratch_types=bufset + bufset + [
            pltpu.VMEM_SHARED((NP, D), jnp.float32),
            pltpu.VMEM_SHARED((NPP, D), jnp.float32),
            pltpu.SemaphoreType.DMA,
            pltpu.SemaphoreType.DMA,
        ],
        compiler_params=pltpu.CompilerParams(needs_layout_passes=False),
    )(_scatter_body)
    return f(u, dp, pair, zu)



def _node_body(h_ref, xp_ref, u2_ref, dp2_ref, we3_ref, be3_ref, wn1_ref,
               bn1_ref, wn2_ref, bn2_ref, wn3_ref, bn3_ref, ho_ref, xo_ref):
    hh = h_ref[...]
    uu = u2_ref[0] + u2_ref[1]
    dacc = dp2_ref[0] + dp2_ref[1]
    lanes = lax.broadcasted_iota(jnp.int32, dacc.shape, 1)
    cnt = jnp.sum(jnp.where(lanes == 3, dacc, 0.0), axis=1, keepdims=True)
    m_aggr = jnp.dot(uu, we3_ref[...], preferred_element_type=jnp.float32) + cnt * be3_ref[...]
    wn1 = wn1_ref[...]
    q = _silu(jnp.dot(hh, wn1[:D, :], preferred_element_type=jnp.float32)
              + jnp.dot(m_aggr, wn1[D:2 * D, :], preferred_element_type=jnp.float32)
              + bn1_ref[...])
    q = _silu(jnp.dot(q, wn2_ref[...], preferred_element_type=jnp.float32) + bn2_ref[...])
    ho_ref[...] = hh + jnp.dot(q, wn3_ref[...], preferred_element_type=jnp.float32) + bn3_ref[...]
    xo_ref[...] = xp_ref[...] + jnp.where(lanes < 3, dacc, 0.0)


def _node_call(h, xp, u2, dp2, we3, be3, wn1, bn1, wn2, bn2, wn3, bn3):
    grid = N // _BN
    return pl.pallas_call(
        _node_body,
        grid=(grid,),
        in_specs=[
            pl.BlockSpec((_BN, D), lambda i: (i, 0)),
            pl.BlockSpec((_BN, 8), lambda i: (i, 0)),
            pl.BlockSpec((NC, _BN, D), lambda i: (0, i, 0)),
            pl.BlockSpec((NC, _BN, 8), lambda i: (0, i, 0)),
            pl.BlockSpec((D, D), lambda i: (0, 0)),
            pl.BlockSpec((1, D), lambda i: (0, 0)),
            pl.BlockSpec((2 * D, D), lambda i: (0, 0)),
            pl.BlockSpec((1, D), lambda i: (0, 0)),
            pl.BlockSpec((D, D), lambda i: (0, 0)),
            pl.BlockSpec((1, D), lambda i: (0, 0)),
            pl.BlockSpec((D, D), lambda i: (0, 0)),
            pl.BlockSpec((1, D), lambda i: (0, 0)),
        ],
        out_specs=[
            pl.BlockSpec((_BN, D), lambda i: (i, 0)),
            pl.BlockSpec((_BN, 8), lambda i: (i, 0)),
        ],
        out_shape=[
            jax.ShapeDtypeStruct((N, D), jnp.float32),
            jax.ShapeDtypeStruct((N, 8), jnp.float32),
        ],
    )(h, xp, u2, dp2, we3, be3, wn1, bn1, wn2, bn2, wn3, bn3)



def kernel(x, h, edge_index, We1, be1, We2, be2, We3, be3, Wc1, bc1, Wc2, bc2,
           Wn1, bn1, Wn2, bn2, Wn3, bn3):
    pair = edge_index[0] * 16384 + edge_index[1]
    xp8 = jnp.pad(x, ((0, 0), (0, 5)))
    xpf = jnp.pad(x, ((0, 0), (0, 1))).reshape(-1)
    zu = jnp.zeros((NPZ, D), jnp.float32)

    a_h, b_h, wc1p, bc1p = _prep_call(
        h, We1[:2 * D], be1.reshape(1, D), Wc1, bc1.reshape(1, D), We3,
        be3.reshape(1, D))

    gh, gx = _gather_call(a_h, b_h, xpf, pair)

    u, dp = _edge_call(
        gh, gx, We1[2 * D].reshape(1, D), We2, be2.reshape(1, D), wc1p,
        bc1p, Wc2.reshape(1, D), bc2.reshape(1, 1))

    u2, dpk = _scatter_call(u, dp, pair, zu)
    dp2 = dpk.reshape(NC, NP, 8)

    h_out, xo = _node_call(
        h, xp8, u2, dp2, We3, be3.reshape(1, D), Wn1, bn1.reshape(1, D),
        Wn2, bn2.reshape(1, D), Wn3, bn3.reshape(1, D))

    return (xo[:, :3], h_out)

# --- scband reference (transcript-rebuilt; emitter-appended) ---
"""Pipeline reference for scband-egnnlayer-781684048540 (READ-ONLY COPY).

The authoritative reference and input builder live on the scoring server;
editing this copy changes nothing except your own understanding.
"""

import jax, jax.numpy as jnp
import numpy as np

N = 10000
E = 320000
D = 128

def _silu(v):
    return v * jax.nn.sigmoid(v)

def _mlp3(v, W1, b1, W2, b2, W3, b3):
    v = _silu(v @ W1 + b1)
    v = _silu(v @ W2 + b2)
    return v @ W3 + b3

def setup_inputs(seed: int = 0):
    key = jax.random.key(seed)
    ks = jax.random.split(key, 12)
    def lin(k, i, o):
        k1, k2 = jax.random.split(k)
        s = 1.0 / float(np.sqrt(i))
        return (jax.random.uniform(k1, (i, o), jnp.float32, -s, s),
                jax.random.uniform(k2, (o,), jnp.float32, -s, s))
    inp = {}
    inp["x"] = jax.random.normal(ks[0], (N, 3), jnp.float32)
    inp["h"] = jax.random.normal(ks[1], (N, D), jnp.float32)
    inp["edge_index"] = jax.random.randint(ks[2], (2, E), 0, N, dtype=jnp.int32)
    inp["We1"], inp["be1"] = lin(ks[3], 2 * D + 1, D)
    inp["We2"], inp["be2"] = lin(ks[4], D, D)
    inp["We3"], inp["be3"] = lin(ks[5], D, D)
    inp["Wc1"], inp["bc1"] = lin(ks[6], D, D)
    inp["Wc2"], inp["bc2"] = lin(ks[7], D, 1)
    inp["Wn1"], inp["bn1"] = lin(ks[8], 2 * D, D)
    inp["Wn2"], inp["bn2"] = lin(ks[9], D, D)
    inp["Wn3"], inp["bn3"] = lin(ks[10], D, D)
    return inp

def reference(x, h, edge_index, We1, be1, We2, be2, We3, be3, Wc1, bc1, Wc2, bc2, Wn1, bn1, Wn2, bn2, Wn3, bn3):
    src = edge_index[0]
    dst = edge_index[1]
    rel = x[src] - x[dst]
    d2 = jnp.sum(rel * rel, axis=-1, keepdims=True)
    m_in = jnp.concatenate([h[src], h[dst], d2], axis=-1)
    m_ij = _mlp3(m_in, We1, be1, We2, be2, We3, be3)
    m_aggr = jax.ops.segment_sum(m_ij, src, num_segments=h.shape[0])
    coord_coef = jnp.tanh(_silu(m_ij @ Wc1 + bc1) @ Wc2 + bc2)
    delta = rel * coord_coef
    delta_x = jax.ops.segment_sum(delta, src, num_segments=x.shape[0])
    x_out = x + delta_x
    h_out = h + _mlp3(jnp.concatenate([h, m_aggr], axis=-1), Wn1, bn1, Wn2, bn2, Wn3, bn3)
    return (x_out, h_out)

if __name__ == "__main__":
    import jax
    _d = setup_inputs()
    print(jax.jit(kernel)(*tuple(_d.values())))

</pallas_src>

<mosaic_0001>
#map = affine_map<(d0, d1) -> (0, 0)>
#map1 = affine_map<(d0, d1) -> (0)>
#map2 = affine_map<(d0, d1) -> (0, 0, 0)>
module attributes {stable_mosaic.version = 14 : i64} {
  func.func @_scatter_body(%arg0: i32, %arg1: i32, %arg2: memref<320000x128xf32, #tpu.memory_space<hbm>>, %arg3: memref<320000x128xf32, #tpu.memory_space<hbm>>, %arg4: memref<320000xi32, #tpu.memory_space<hbm>>, %arg5: memref<128x128xf32, #tpu.memory_space<hbm>>, %arg6: memref<2x10240x128xf32, #tpu.memory_space<hbm>>, %arg7: memref<2x640x128xf32, #tpu.memory_space<hbm>>, %arg8: memref<80xi32, #tpu.memory_space<vmem>>, %arg9: memref<80xi32, #tpu.memory_space<vmem>>, %arg10: memref<80xi32, #tpu.memory_space<vmem>>, %arg11: memref<80x128xf32, #tpu.memory_space<vmem>>, %arg12: memref<80x128xf32, #tpu.memory_space<vmem>>, %arg13: memref<80xi32, #tpu.memory_space<vmem>>, %arg14: memref<80xi32, #tpu.memory_space<vmem>>, %arg15: memref<80xi32, #tpu.memory_space<vmem>>, %arg16: memref<80x128xf32, #tpu.memory_space<vmem>>, %arg17: memref<80x128xf32, #tpu.memory_space<vmem>>, %arg18: memref<10240x128xf32, #tpu.memory_space<vmem_shared>>, %arg19: memref<640x128xf32, #tpu.memory_space<vmem_shared>>, %arg20: memref<!tpu.dma_semaphore, #tpu.memory_space<semaphore_mem>>, %arg21: memref<!tpu.dma_semaphore, #tpu.memory_space<semaphore_mem>>) attributes {dimension_semantics = [#tpu.dimension_semantics<core_parallel>, #tpu.dimension_semantics<subcore_parallel>], iteration_bounds = array<i64: 2, 16>, scalar_prefetch = 0 : i64, scratch_operands = 14 : i64, tpu.core_type = #tpu.core_type<sc_vector_subcore>, window_params = [{transform_indices = #map}, {transform_indices = #map}, {transform_indices = #map1}, {transform_indices = #map}, {transform_indices = #map2}, {transform_indices = #map2}]} {
    %mul3A = arith.constant 2 : i32
    %mul3A_0 = arith.muli %arg1, %mul3A : i32
    %add3A = arith.addi %mul3A_0, %arg0 : i32
    %mul3A_1 = arith.constant 10000 : i32
    %mul3A_2 = arith.muli %add3A, %mul3A_1 : i32
    %mul3A_3 = arith.constant 640 : i32
    %mul3A_4 = arith.muli %arg1, %mul3A_3 : i32
    %add3A_5 = arith.constant 0 : i32
    %add3A_6 = arith.addi %mul3A_4, %add3A_5 : i32
    "tpu.region"() ({
      %run_scoped3A = tpu.sem_alloc : memref<!tpu.dma_semaphore, #tpu.memory_space<semaphore_mem>>
      %dma_start3A_73 = arith.constant 0 : i32
      %dma_start3A_74 = tpu.memref_slice %arg18[%add3A_6, %dma_start3A_73] : memref<10240x128xf32, #tpu.memory_space<vmem_shared>> -> memref<128x128xf32, #tpu.memory_space<vmem_shared>>
      tpu.enqueue_dma source(%arg5 : memref<128x128xf32, #tpu.memory_space<hbm>>) target(%dma_start3A_74 : memref<128x128xf32, #tpu.memory_space<vmem_shared>>) target_semaphore(%run_scoped3A : memref<!tpu.dma_semaphore, #tpu.memory_space<semaphore_mem>>)
      %dma_wait3A_75 = arith.constant 0 : i32
      %dma_wait3A_76 = tpu.memref_slice %arg18[%add3A_6, %dma_wait3A_75] : memref<10240x128xf32, #tpu.memory_space<vmem_shared>> -> memref<128x128xf32, #tpu.memory_space<vmem_shared>>
      tpu.wait_dma2 semaphore(%run_scoped3A : memref<!tpu.dma_semaphore, #tpu.memory_space<semaphore_mem>>) src(%arg5 : memref<128x128xf32, #tpu.memory_space<hbm>>) dst(%dma_wait3A_76 : memref<128x128xf32, #tpu.memory_space<vmem_shared>>)
      tpu.yield
    }) : () -> ()
    %mul3A_7 = arith.constant 640 : i32
    %mul3A_8 = arith.muli %arg1, %mul3A_7 : i32
    %add3A_9 = arith.constant 128 : i32
    %add3A_10 = arith.addi %mul3A_8, %add3A_9 : i32
    "tpu.region"() ({
      %run_scoped3A = tpu.sem_alloc : memref<!tpu.dma_semaphore, #tpu.memory_space<semaphore_mem>>
      %dma_start3A_73 = arith.constant 0 : i32
      %dma_start3A_74 = tpu.memref_slice %arg18[%add3A_10, %dma_start3A_73] : memref<10240x128xf32, #tpu.memory_space<vmem_shared>> -> memref<128x128xf32, #tpu.memory_space<vmem_shared>>
      tpu.enqueue_dma source(%arg5 : memref<128x128xf32, #tpu.memory_space<hbm>>) target(%dma_start3A_74 : memref<128x128xf32, #tpu.memory_space<vmem_shared>>) target_semaphore(%run_scoped3A : memref<!tpu.dma_semaphore, #tpu.memory_space<semaphore_mem>>)
      %dma_wait3A_75 = arith.constant 0 : i32
      %dma_wait3A_76 = tpu.memref_slice %arg18[%add3A_10, %dma_wait3A_75] : memref<10240x128xf32, #tpu.memory_space<vmem_shared>> -> memref<128x128xf32, #tpu.memory_space<vmem_shared>>
      tpu.wait_dma2 semaphore(%run_scoped3A : memref<!tpu.dma_semaphore, #tpu.memory_space<semaphore_mem>>) src(%arg5 : memref<128x128xf32, #tpu.memory_space<hbm>>) dst(%dma_wait3A_76 : memref<128x128xf32, #tpu.memory_space<vmem_shared>>)
      tpu.yield
    }) : () -> ()
    %mul3A_11 = arith.constant 640 : i32
    %mul3A_12 = arith.muli %arg1, %mul3A_11 : i32
    %add3A_13 = arith.constant 256 : i32
    %add3A_14 = arith.addi %mul3A_12, %add3A_13 : i32
    "tpu.region"() ({
      %run_scoped3A = tpu.sem_alloc : memref<!tpu.dma_semaphore, #tpu.memory_space<semaphore_mem>>
      %dma_start3A_73 = arith.constant 0 : i32
      %dma_start3A_74 = tpu.memref_slice %arg18[%add3A_14, %dma_start3A_73] : memref<10240x128xf32, #tpu.memory_space<vmem_shared>> -> memref<128x128xf32, #tpu.memory_space<vmem_shared>>
      tpu.enqueue_dma source(%arg5 : memref<128x128xf32, #tpu.memory_space<hbm>>) target(%dma_start3A_74 : memref<128x128xf32, #tpu.memory_space<vmem_shared>>) target_semaphore(%run_scoped3A : memref<!tpu.dma_semaphore, #tpu.memory_space<semaphore_mem>>)
      %dma_wait3A_75 = arith.constant 0 : i32
      %dma_wait3A_76 = tpu.memref_slice %arg18[%add3A_14, %dma_wait3A_75] : memref<10240x128xf32, #tpu.memory_space<vmem_shared>> -> memref<128x128xf32, #tpu.memory_space<vmem_shared>>
      tpu.wait_dma2 semaphore(%run_scoped3A : memref<!tpu.dma_semaphore, #tpu.memory_space<semaphore_mem>>) src(%arg5 : memref<128x128xf32, #tpu.memory_space<hbm>>) dst(%dma_wait3A_76 : memref<128x128xf32, #tpu.memory_space<vmem_shared>>)
      tpu.yield
    }) : () -> ()
    %mul3A_15 = arith.constant 640 : i32
    %mul3A_16 = arith.muli %arg1, %mul3A_15 : i32
    %add3A_17 = arith.constant 384 : i32
    %add3A_18 = arith.addi %mul3A_16, %add3A_17 : i32
    "tpu.region"() ({
      %run_scoped3A = tpu.sem_alloc : memref<!tpu.dma_semaphore, #tpu.memory_space<semaphore_mem>>
      %dma_start3A_73 = arith.constant 0 : i32
      %dma_start3A_74 = tpu.memref_slice %arg18[%add3A_18, %dma_start3A_73] : memref<10240x128xf32, #tpu.memory_space<vmem_shared>> -> memref<128x128xf32, #tpu.memory_space<vmem_shared>>
      tpu.enqueue_dma source(%arg5 : memref<128x128xf32, #tpu.memory_space<hbm>>) target(%dma_start3A_74 : memref<128x128xf32, #tpu.memory_space<vmem_shared>>) target_semaphore(%run_scoped3A : memref<!tpu.dma_semaphore, #tpu.memory_space<semaphore_mem>>)
      %dma_wait3A_75 = arith.constant 0 : i32
      %dma_wait3A_76 = tpu.memref_slice %arg18[%add3A_18, %dma_wait3A_75] : memref<10240x128xf32, #tpu.memory_space<vmem_shared>> -> memref<128x128xf32, #tpu.memory_space<vmem_shared>>
      tpu.wait_dma2 semaphore(%run_scoped3A : memref<!tpu.dma_semaphore, #tpu.memory_space<semaphore_mem>>) src(%arg5 : memref<128x128xf32, #tpu.memory_space<hbm>>) dst(%dma_wait3A_76 : memref<128x128xf32, #tpu.memory_space<vmem_shared>>)
      tpu.yield
    }) : () -> ()
    %mul3A_19 = arith.constant 640 : i32
    %mul3A_20 = arith.muli %arg1, %mul3A_19 : i32
    %add3A_21 = arith.constant 512 : i32
    %add3A_22 = arith.addi %mul3A_20, %add3A_21 : i32
    "tpu.region"() ({
      %run_scoped3A = tpu.sem_alloc : memref<!tpu.dma_semaphore, #tpu.memory_space<semaphore_mem>>
      %dma_start3A_73 = arith.constant 0 : i32
      %dma_start3A_74 = tpu.memref_slice %arg18[%add3A_22, %dma_start3A_73] : memref<10240x128xf32, #tpu.memory_space<vmem_shared>> -> memref<128x128xf32, #tpu.memory_space<vmem_shared>>
      tpu.enqueue_dma source(%arg5 : memref<128x128xf32, #tpu.memory_space<hbm>>) target(%dma_start3A_74 : memref<128x128xf32, #tpu.memory_space<vmem_shared>>) target_semaphore(%run_scoped3A : memref<!tpu.dma_semaphore, #tpu.memory_space<semaphore_mem>>)
      %dma_wait3A_75 = arith.constant 0 : i32
      %dma_wait3A_76 = tpu.memref_slice %arg18[%add3A_22, %dma_wait3A_75] : memref<10240x128xf32, #tpu.memory_space<vmem_shared>> -> memref<128x128xf32, #tpu.memory_space<vmem_shared>>
      tpu.wait_dma2 semaphore(%run_scoped3A : memref<!tpu.dma_semaphore, #tpu.memory_space<semaphore_mem>>) src(%arg5 : memref<128x128xf32, #tpu.memory_space<hbm>>) dst(%dma_wait3A_76 : memref<128x128xf32, #tpu.memory_space<vmem_shared>>)
      tpu.yield
    }) : () -> ()
    %mul3A_23 = arith.constant 40 : i32
    %mul3A_24 = arith.muli %arg1, %mul3A_23 : i32
    "tpu.region"() ({
      %run_scoped3A = tpu.sem_alloc : memref<!tpu.dma_semaphore, #tpu.memory_space<semaphore_mem>>
      %dma_start3A_73 = arith.constant 0 : i32
      %dma_start3A_74 = tpu.memref_slice %arg19[%mul3A_24, %dma_start3A_73] : memref<640x128xf32, #tpu.memory_space<vmem_shared>> -> memref<40x128xf32, #tpu.memory_space<vmem_shared>>
      %dma_start3A_75 = arith.constant 0 : i32
      %dma_start3A_76 = arith.constant 0 : i32
      %dma_start3A_77 = tpu.memref_slice %arg5[%dma_start3A_75, %dma_start3A_76] : memref<128x128xf32, #tpu.memory_space<hbm>> -> memref<40x128xf32, #tpu.memory_space<hbm>>
      tpu.enqueue_dma source(%dma_start3A_77 : memref<40x128xf32, #tpu.memory_space<hbm>>) target(%dma_start3A_74 : memref<40x128xf32, #tpu.memory_space<vmem_shared>>) target_semaphore(%run_scoped3A : memref<!tpu.dma_semaphore, #tpu.memory_space<semaphore_mem>>)
      %dma_wait3A_78 = arith.constant 0 : i32
      %dma_wait3A_79 = tpu.memref_slice %arg19[%mul3A_24, %dma_wait3A_78] : memref<640x128xf32, #tpu.memory_space<vmem_shared>> -> memref<40x128xf32, #tpu.memory_space<vmem_shared>>
      %dma_wait3A_80 = arith.constant 0 : i32
      %dma_wait3A_81 = arith.constant 0 : i32
      %dma_wait3A_82 = tpu.memref_slice %arg5[%dma_wait3A_80, %dma_wait3A_81] : memref<128x128xf32, #tpu.memory_space<hbm>> -> memref<40x128xf32, #tpu.memory_space<hbm>>
      tpu.wait_dma2 semaphore(%run_scoped3A : memref<!tpu.dma_semaphore, #tpu.memory_space<semaphore_mem>>) src(%dma_wait3A_82 : memref<40x128xf32, #tpu.memory_space<hbm>>) dst(%dma_wait3A_79 : memref<40x128xf32, #tpu.memory_space<vmem_shared>>)
      tpu.yield
    }) : () -> ()
    %barrier3A = arith.constant 0 : index
    tpu.barrier barrier_id(%barrier3A)
    %add3A_25 = arith.constant 0 : i32
    %add3A_26 = arith.addi %mul3A_2, %add3A_25 : i32
    "tpu.region"() ({
      %run_scoped3A = tpu.sem_alloc : memref<!tpu.dma_semaphore, #tpu.memory_space<semaphore_mem>>
      %dma_start3A_73 = tpu.memref_slice %arg4[%add3A_26] : memref<320000xi32, #tpu.memory_space<hbm>> -> memref<80xi32, #tpu.memory_space<hbm>>
      %dma_start3A_74 = tpu.memref_slice %arg4[%add3A_26] : memref<320000xi32, #tpu.memory_space<hbm>> -> memref<80xi32, #tpu.memory_space<hbm>>
      tpu.enqueue_dma source(%dma_start3A_74 : memref<80xi32, #tpu.memory_space<hbm>>) target(%arg10 : memref<80xi32, #tpu.memory_space<vmem>>) target_semaphore(%run_scoped3A : memref<!tpu.dma_semaphore, #tpu.memory_space<semaphore_mem>>)
      %dma_wait3A_75 = tpu.memref_slice %arg4[%add3A_26] : memref<320000xi32, #tpu.memory_space<hbm>> -> memref<80xi32, #tpu.memory_space<hbm>>
      %dma_wait3A_76 = tpu.memref_slice %arg4[%add3A_26] : memref<320000xi32, #tpu.memory_space<hbm>> -> memref<80xi32, #tpu.memory_space<hbm>>
      tpu.wait_dma2 semaphore(%run_scoped3A : memref<!tpu.dma_semaphore, #tpu.memory_space<semaphore_mem>>) src(%dma_wait3A_76 : memref<80xi32, #tpu.memory_space<hbm>>) dst(%arg10 : memref<80xi32, #tpu.memory_space<vmem>>)
      tpu.yield
    }) : () -> ()
    %add3A_27 = arith.constant 0 : i32
    %add3A_28 = arith.addi %mul3A_2, %add3A_27 : i32
    %dma_start3A = arith.constant 0 : i32
    %dma_start3A_29 = tpu.memref_slice %arg2[%add3A_28, %dma_start3A] : memref<320000x128xf32, #tpu.memory_space<hbm>> -> memref<80x128xf32, #tpu.memory_space<hbm>>
    %dma_start3A_30 = arith.constant 0 : i32
    %dma_start3A_31 = tpu.memref_slice %arg2[%add3A_28, %dma_start3A_30] : memref<320000x128xf32, #tpu.memory_space<hbm>> -> memref<80x128xf32, #tpu.memory_space<hbm>>
    tpu.enqueue_dma source(%dma_start3A_31 : memref<80x128xf32, #tpu.memory_space<hbm>>) target(%arg11 : memref<80x128xf32, #tpu.memory_space<vmem>>) target_semaphore(%arg20 : memref<!tpu.dma_semaphore, #tpu.memory_space<semaphore_mem>>)
    %add3A_32 = arith.constant 0 : i32
    %add3A_33 = arith.addi %mul3A_2, %add3A_32 : i32
    %dma_start3A_34 = arith.constant 0 : i32
    %dma_start3A_35 = tpu.memref_slice %arg3[%add3A_33, %dma_start3A_34] : memref<320000x128xf32, #tpu.memory_space<hbm>> -> memref<80x128xf32, #tpu.memory_space<hbm>>
    %dma_start3A_36 = arith.constant 0 : i32
    %dma_start3A_37 = tpu.memref_slice %arg3[%add3A_33, %dma_start3A_36] : memref<320000x128xf32, #tpu.memory_space<hbm>> -> memref<80x128xf32, #tpu.memory_space<hbm>>
    tpu.enqueue_dma source(%dma_start3A_37 : memref<80x128xf32, #tpu.memory_space<hbm>>) target(%arg12 : memref<80x128xf32, #tpu.memory_space<vmem>>) target_semaphore(%arg20 : memref<!tpu.dma_semaphore, #tpu.memory_space<semaphore_mem>>)
    %scan3A = arith.constant 0 : i32
    %scan3A_38 = arith.constant 0 : i32
    %scan3A_39 = arith.constant 62 : i32
    %scan3A_40 = arith.addi %scan3A_38, %scan3A_39 : i32
    %scan3A_41 = arith.constant 1 : i32
    scf.for %scan3A_73 = %scan3A_38 to %scan3A_40 step %scan3A_41  : i32 {
      %mul3A_74 = arith.constant 2 : i32
      %mul3A_75 = arith.muli %mul3A_74, %scan3A_73 : i32
      %add3A_76 = arith.constant 1 : i32
      %add3A_77 = arith.addi %mul3A_75, %add3A_76 : i32
      %mul3A_78 = arith.constant 80 : i32
      %mul3A_79 = arith.muli %add3A_77, %mul3A_78 : i32
      %add3A_80 = arith.addi %mul3A_2, %mul3A_79 : i32
      "tpu.region"() ({
        %run_scoped3A = tpu.sem_alloc : memref<!tpu.dma_semaphore, #tpu.memory_space<semaphore_mem>>
        %dma_start3A_168 = tpu.memref_slice %arg4[%add3A_80] : memref<320000xi32, #tpu.memory_space<hbm>> -> memref<80xi32, #tpu.memory_space<hbm>>
        %dma_start3A_169 = tpu.memref_slice %arg4[%add3A_80] : memref<320000xi32, #tpu.memory_space<hbm>> -> memref<80xi32, #tpu.memory_space<hbm>>
        tpu.enqueue_dma source(%dma_start3A_169 : memref<80xi32, #tpu.memory_space<hbm>>) target(%arg15 : memref<80xi32, #tpu.memory_space<vmem>>) target_semaphore(%run_scoped3A : memref<!tpu.dma_semaphore, #tpu.memory_space<semaphore_mem>>)
        %dma_wait3A_170 = tpu.memref_slice %arg4[%add3A_80] : memref<320000xi32, #tpu.memory_space<hbm>> -> memref<80xi32, #tpu.memory_space<hbm>>
        %dma_wait3A_171 = tpu.memref_slice %arg4[%add3A_80] : memref<320000xi32, #tpu.memory_space<hbm>> -> memref<80xi32, #tpu.memory_space<hbm>>
        tpu.wait_dma2 semaphore(%run_scoped3A : memref<!tpu.dma_semaphore, #tpu.memory_space<semaphore_mem>>) src(%dma_wait3A_171 : memref<80xi32, #tpu.memory_space<hbm>>) dst(%arg15 : memref<80xi32, #tpu.memory_space<vmem>>)
        tpu.yield
      }) : () -> ()
      %mul3A_81 = arith.constant 80 : i32
      %mul3A_82 = arith.muli %add3A_77, %mul3A_81 : i32
      %add3A_83 = arith.addi %mul3A_2, %mul3A_82 : i32
      %dma_start3A_84 = arith.constant 0 : i32
      %dma_start3A_85 = tpu.memref_slice %arg2[%add3A_83, %dma_start3A_84] : memref<320000x128xf32, #tpu.memory_space<hbm>> -> memref<80x128xf32, #tpu.memory_space<hbm>>
      %dma_start3A_86 = arith.constant 0 : i32
      %dma_start3A_87 = tpu.memref_slice %arg2[%add3A_83, %dma_start3A_86] : memref<320000x128xf32, #tpu.memory_space<hbm>> -> memref<80x128xf32, #tpu.memory_space<hbm>>
      tpu.enqueue_dma source(%dma_start3A_87 : memref<80x128xf32, #tpu.memory_space<hbm>>) target(%arg16 : memref<80x128xf32, #tpu.memory_space<vmem>>) target_semaphore(%arg21 : memref<!tpu.dma_semaphore, #tpu.memory_space<semaphore_mem>>)
      %mul3A_88 = arith.constant 80 : i32
      %mul3A_89 = arith.muli %add3A_77, %mul3A_88 : i32
      %add3A_90 = arith.addi %mul3A_2, %mul3A_89 : i32
      %dma_start3A_91 = arith.constant 0 : i32
      %dma_start3A_92 = tpu.memref_slice %arg3[%add3A_90, %dma_start3A_91] : memref<320000x128xf32, #tpu.memory_space<hbm>> -> memref<80x128xf32, #tpu.memory_space<hbm>>
      %dma_start3A_93 = arith.constant 0 : i32
      %dma_start3A_94 = tpu.memref_slice %arg3[%add3A_90, %dma_start3A_93] : memref<320000x128xf32, #tpu.memory_space<hbm>> -> memref<80x128xf32, #tpu.memory_space<hbm>>
      tpu.enqueue_dma source(%dma_start3A_94 : memref<80x128xf32, #tpu.memory_space<hbm>>) target(%arg17 : memref<80x128xf32, #tpu.memory_space<vmem>>) target_semaphore(%arg21 : memref<!tpu.dma_semaphore, #tpu.memory_space<semaphore_mem>>)
      %scan3A_95 = arith.constant 0 : i32
      %scan3A_96 = arith.constant 0 : i32
      %scan3A_97 = arith.constant 5 : i32
      %scan3A_98 = arith.addi %scan3A_96, %scan3A_97 : i32
      %scan3A_99 = arith.constant 1 : i32
      scf.for %scan3A_168 = %scan3A_96 to %scan3A_98 step %scan3A_99  : i32 {
        %mul3A_169 = arith.constant 16 : i32
        %mul3A_170 = arith.muli %scan3A_168, %mul3A_169 : i32
        %get3A = arith.index_cast %mul3A_170 : i32 to index
        %get3A_171 = tpu.vector_load %arg10[%get3A] {strides = array<i32>} : memref<80xi32, #tpu.memory_space<vmem>>, vector<16xi32>,
        %shift_right_logical3A = arith.constant 14 : i32
        %shift_right_logical3A_172 = vector.broadcast %shift_right_logical3A : i32 to vector<16xi32>
        %shift_right_logical3A_173 = arith.shrui %get3A_171, %shift_right_logical3A_172 : vector<16xi32>
        %mul3A_174 = arith.constant 16 : i32
        %mul3A_175 = arith.muli %scan3A_168, %mul3A_174 : i32
        %swap3A = arith.index_cast %mul3A_175 : i32 to index
        %swap3A_176 = tpu.vector_load %arg8[%swap3A] {strides = array<i32>} : memref<80xi32, #tpu.memory_space<vmem>>, vector<16xi32>,
        tpu.vector_store %arg8[%swap3A], %shift_right_logical3A_173 {strides = array<i32>} : memref<80xi32, #tpu.memory_space<vmem>>, vector<16xi32>,
        %shift_right_logical3A_177 = arith.constant 4 : i32
        %shift_right_logical3A_178 = vector.broadcast %shift_right_logical3A_177 : i32 to vector<16xi32>
        %shift_right_logical3A_179 = arith.shrui %shift_right_logical3A_173, %shift_right_logical3A_178 : vector<16xi32>
        %mul3A_180 = arith.constant 16 : i32
        %mul3A_181 = arith.muli %scan3A_168, %mul3A_180 : i32
        %swap3A_182 = arith.index_cast %mul3A_181 : i32 to index
        %swap3A_183 = tpu.vector_load %arg9[%swap3A_182] {strides = array<i32>} : memref<80xi32, #tpu.memory_space<vmem>>, vector<16xi32>,
        tpu.vector_store %arg9[%swap3A_182], %shift_right_logical3A_179 {strides = array<i32>} : memref<80xi32, #tpu.memory_space<vmem>>, vector<16xi32>,
      }
      %scan3A_100 = arith.constant 5 : i32
      %dma_wait3A_101 = arith.constant 0 : i32
      %dma_wait3A_102 = tpu.memref_slice %arg2[%add3A_28, %dma_wait3A_101] : memref<320000x128xf32, #tpu.memory_space<hbm>> -> memref<80x128xf32, #tpu.memory_space<hbm>>
      %dma_wait3A_103 = arith.constant 0 : i32
      %dma_wait3A_104 = tpu.memref_slice %arg2[%add3A_28, %dma_wait3A_103] : memref<320000x128xf32, #tpu.memory_space<hbm>> -> memref<80x128xf32, #tpu.memory_space<hbm>>
      tpu.wait_dma2 semaphore(%arg20 : memref<!tpu.dma_semaphore, #tpu.memory_space<semaphore_mem>>) src(%dma_wait3A_104 : memref<80x128xf32, #tpu.memory_space<hbm>>) dst(%arg11 : memref<80x128xf32, #tpu.memory_space<vmem>>)
      %dma_wait3A_105 = arith.constant 0 : i32
      %dma_wait3A_106 = tpu.memref_slice %arg3[%add3A_33, %dma_wait3A_105] : memref<320000x128xf32, #tpu.memory_space<hbm>> -> memref<80x128xf32, #tpu.memory_space<hbm>>
      %dma_wait3A_107 = arith.constant 0 : i32
      %dma_wait3A_108 = tpu.memref_slice %arg3[%add3A_33, %dma_wait3A_107] : memref<320000x128xf32, #tpu.memory_space<hbm>> -> memref<80x128xf32, #tpu.memory_space<hbm>>
      tpu.wait_dma2 semaphore(%arg20 : memref<!tpu.dma_semaphore, #tpu.memory_space<semaphore_mem>>) src(%dma_wait3A_108 : memref<80x128xf32, #tpu.memory_space<hbm>>) dst(%arg12 : memref<80x128xf32, #tpu.memory_space<vmem>>)
      %dma_start3A_109 = arith.constant 0 : i32
      %dma_start3A_110 = arith.constant 0 : i32
      %dma_start3A_111 = tpu.memref_slice %arg18[%dma_start3A_109, %dma_start3A_110] : memref<10240x128xf32, #tpu.memory_space<vmem_shared>> -> memref<10240x128xf32, #tpu.memory_space<vmem_shared>>
      tpu.enqueue_indirect_dma source(%arg11 : memref<80x128xf32, #tpu.memory_space<vmem>>) target(%dma_start3A_111 : memref<10240x128xf32, #tpu.memory_space<vmem_shared>>) offsets(%arg8 : memref<80xi32, #tpu.memory_space<vmem>>) semaphore(%arg20 : memref<!tpu.dma_semaphore, #tpu.memory_space<semaphore_mem>>) {add = true}
      %dma_start3A_112 = arith.constant 0 : i32
      %dma_start3A_113 = arith.constant 0 : i32
      %dma_start3A_114 = tpu.memref_slice %arg19[%dma_start3A_112, %dma_start3A_113] : memref<640x128xf32, #tpu.memory_space<vmem_shared>> -> memref<640x128xf32, #tpu.memory_space<vmem_shared>>
      tpu.enqueue_indirect_dma source(%arg12 : memref<80x128xf32, #tpu.memory_space<vmem>>) target(%dma_start3A_114 : memref<640x128xf32, #tpu.memory_space<vmem_shared>>) offsets(%arg9 : memref<80xi32, #tpu.memory_space<vmem>>) semaphore(%arg20 : memref<!tpu.dma_semaphore, #tpu.memory_space<semaphore_mem>>) {add = true}
      %dma_wait3A_115 = arith.constant 0 : i32
      %dma_wait3A_116 = arith.constant 0 : i32
      %dma_wait3A_117 = tpu.memref_slice %arg18[%dma_wait3A_115, %dma_wait3A_116] : memref<10240x128xf32, #tpu.memory_space<vmem_shared>> -> memref<10240x128xf32, #tpu.memory_space<vmem_shared>>
      tpu.wait_indirect_dma semaphore(%arg20 : memref<!tpu.dma_semaphore, #tpu.memory_space<semaphore_mem>>) src(%arg11 : memref<80x128xf32, #tpu.memory_space<vmem>>) dst(%dma_wait3A_117 : memref<10240x128xf32, #tpu.memory_space<vmem_shared>>)
      %dma_wait3A_118 = arith.constant 0 : i32
      %dma_wait3A_119 = arith.constant 0 : i32
      %dma_wait3A_120 = tpu.memref_slice %arg19[%dma_wait3A_118, %dma_wait3A_119] : memref<640x128xf32, #tpu.memory_space<vmem_shared>> -> memref<640x128xf32, #tpu.memory_space<vmem_shared>>
      tpu.wait_indirect_dma semaphore(%arg20 : memref<!tpu.dma_semaphore, #tpu.memory_space<semaphore_mem>>) src(%arg12 : memref<80x128xf32, #tpu.memory_space<vmem>>) dst(%dma_wait3A_120 : memref<640x128xf32, #tpu.memory_space<vmem_shared>>)
      %mul3A_121 = arith.constant 2 : i32
      %mul3A_122 = arith.muli %mul3A_121, %scan3A_73 : i32
      %add3A_123 = arith.constant 2 : i32
      %add3A_124 = arith.addi %mul3A_122, %add3A_123 : i32
      %mul3A_125 = arith.constant 80 : i32
      %mul3A_126 = arith.muli %add3A_124, %mul3A_125 : i32
      %add3A_127 = arith.addi %mul3A_2, %mul3A_126 : i32
      "tpu.region"() ({
        %run_scoped3A = tpu.sem_alloc : memref<!tpu.dma_semaphore, #tpu.memory_space<semaphore_mem>>
        %dma_start3A_168 = tpu.memref_slice %arg4[%add3A_127] : memref<320000xi32, #tpu.memory_space<hbm>> -> memref<80xi32, #tpu.memory_space<hbm>>
        %dma_start3A_169 = tpu.memref_slice %arg4[%add3A_127] : memref<320000xi32, #tpu.memory_space<hbm>> -> memref<80xi32, #tpu.memory_space<hbm>>
        tpu.enqueue_dma source(%dma_start3A_169 : memref<80xi32, #tpu.memory_space<hbm>>) target(%arg10 : memref<80xi32, #tpu.memory_space<vmem>>) target_semaphore(%run_scoped3A : memref<!tpu.dma_semaphore, #tpu.memory_space<semaphore_mem>>)
        %dma_wait3A_170 = tpu.memref_slice %arg4[%add3A_127] : memref<320000xi32, #tpu.memory_space<hbm>> -> memref<80xi32, #tpu.memory_space<hbm>>
        %dma_wait3A_171 = tpu.memref_slice %arg4[%add3A_127] : memref<320000xi32, #tpu.memory_space<hbm>> -> memref<80xi32, #tpu.memory_space<hbm>>
        tpu.wait_dma2 semaphore(%run_scoped3A : memref<!tpu.dma_semaphore, #tpu.memory_space<semaphore_mem>>) src(%dma_wait3A_171 : memref<80xi32, #tpu.memory_space<hbm>>) dst(%arg10 : memref<80xi32, #tpu.memory_space<vmem>>)
        tpu.yield
      }) : () -> ()
      %mul3A_128 = arith.constant 80 : i32
      %mul3A_129 = arith.muli %add3A_124, %mul3A_128 : i32
      %add3A_130 = arith.addi %mul3A_2, %mul3A_129 : i32
      %dma_start3A_131 = arith.constant 0 : i32
      %dma_start3A_132 = tpu.memref_slice %arg2[%add3A_130, %dma_start3A_131] : memref<320000x128xf32, #tpu.memory_space<hbm>> -> memref<80x128xf32, #tpu.memory_space<hbm>>
      %dma_start3A_133 = arith.constant 0 : i32
      %dma_start3A_134 = tpu.memref_slice %arg2[%add3A_130, %dma_start3A_133] : memref<320000x128xf32, #tpu.memory_space<hbm>> -> memref<80x128xf32, #tpu.memory_space<hbm>>
      tpu.enqueue_dma source(%dma_start3A_134 : memref<80x128xf32, #tpu.memory_space<hbm>>) target(%arg11 : memref<80x128xf32, #tpu.memory_space<vmem>>) target_semaphore(%arg20 : memref<!tpu.dma_semaphore, #tpu.memory_space<semaphore_mem>>)
      %mul3A_135 = arith.constant 80 : i32
      %mul3A_136 = arith.muli %add3A_124, %mul3A_135 : i32
      %add3A_137 = arith.addi %mul3A_2, %mul3A_136 : i32
      %dma_start3A_138 = arith.constant 0 : i32
      %dma_start3A_139 = tpu.memref_slice %arg3[%add3A_137, %dma_start3A_138] : memref<320000x128xf32, #tpu.memory_space<hbm>> -> memref<80x128xf32, #tpu.memory_space<hbm>>
      %dma_start3A_140 = arith.constant 0 : i32
      %dma_start3A_141 = tpu.memref_slice %arg3[%add3A_137, %dma_start3A_140] : memref<320000x128xf32, #tpu.memory_space<hbm>> -> memref<80x128xf32, #tpu.memory_space<hbm>>
      tpu.enqueue_dma source(%dma_start3A_141 : memref<80x128xf32, #tpu.memory_space<hbm>>) target(%arg12 : memref<80x128xf32, #tpu.memory_space<vmem>>) target_semaphore(%arg20 : memref<!tpu.dma_semaphore, #tpu.memory_space<semaphore_mem>>)
      %scan3A_142 = arith.constant 0 : i32
      %scan3A_143 = arith.constant 0 : i32
      %scan3A_144 = arith.constant 5 : i32
      %scan3A_145 = arith.addi %scan3A_143, %scan3A_144 : i32
      %scan3A_146 = arith.constant 1 : i32
      scf.for %scan3A_168 = %scan3A_143 to %scan3A_145 step %scan3A_146  : i32 {
        %mul3A_169 = arith.constant 16 : i32
        %mul3A_170 = arith.muli %scan3A_168, %mul3A_169 : i32
        %get3A = arith.index_cast %mul3A_170 : i32 to index
        %get3A_171 = tpu.vector_load %arg15[%get3A] {strides = array<i32>} : memref<80xi32, #tpu.memory_space<vmem>>, vector<16xi32>,
        %shift_right_logical3A = arith.constant 14 : i32
        %shift_right_logical3A_172 = vector.broadcast %shift_right_logical3A : i32 to vector<16xi32>
        %shift_right_logical3A_173 = arith.shrui %get3A_171, %shift_right_logical3A_172 : vector<16xi32>
        %mul3A_174 = arith.constant 16 : i32
        %mul3A_175 = arith.muli %scan3A_168, %mul3A_174 : i32
        %swap3A = arith.index_cast %mul3A_175 : i32 to index
        %swap3A_176 = tpu.vector_load %arg13[%swap3A] {strides = array<i32>} : memref<80xi32, #tpu.memory_space<vmem>>, vector<16xi32>,
        tpu.vector_store %arg13[%swap3A], %shift_right_logical3A_173 {strides = array<i32>} : memref<80xi32, #tpu.memory_space<vmem>>, vector<16xi32>,
        %shift_right_logical3A_177 = arith.constant 4 : i32
        %shift_right_logical3A_178 = vector.broadcast %shift_right_logical3A_177 : i32 to vector<16xi32>
        %shift_right_logical3A_179 = arith.shrui %shift_right_logical3A_173, %shift_right_logical3A_178 : vector<16xi32>
        %mul3A_180 = arith.constant 16 : i32
        %mul3A_181 = arith.muli %scan3A_168, %mul3A_180 : i32
        %swap3A_182 = arith.index_cast %mul3A_181 : i32 to index
        %swap3A_183 = tpu.vector_load %arg14[%swap3A_182] {strides = array<i32>} : memref<80xi32, #tpu.memory_space<vmem>>, vector<16xi32>,
        tpu.vector_store %arg14[%swap3A_182], %shift_right_logical3A_179 {strides = array<i32>} : memref<80xi32, #tpu.memory_space<vmem>>, vector<16xi32>,
      }
      %scan3A_147 = arith.constant 5 : i32
      %dma_wait3A_148 = arith.constant 0 : i32
      %dma_wait3A_149 = tpu.memref_slice %arg2[%add3A_83, %dma_wait3A_148] : memref<320000x128xf32, #tpu.memory_space<hbm>> -> memref<80x128xf32, #tpu.memory_space<hbm>>
      %dma_wait3A_150 = arith.constant 0 : i32
      %dma_wait3A_151 = tpu.memref_slice %arg2[%add3A_83, %dma_wait3A_150] : memref<320000x128xf32, #tpu.memory_space<hbm>> -> memref<80x128xf32, #tpu.memory_space<hbm>>
      tpu.wait_dma2 semaphore(%arg21 : memref<!tpu.dma_semaphore, #tpu.memory_space<semaphore_mem>>) src(%dma_wait3A_151 : memref<80x128xf32, #tpu.memory_space<hbm>>) dst(%arg16 : memref<80x128xf32, #tpu.memory_space<vmem>>)
      %dma_wait3A_152 = arith.constant 0 : i32
      %dma_wait3A_153 = tpu.memref_slice %arg3[%add3A_90, %dma_wait3A_152] : memref<320000x128xf32, #tpu.memory_space<hbm>> -> memref<80x128xf32, #tpu.memory_space<hbm>>
      %dma_wait3A_154 = arith.constant 0 : i32
      %dma_wait3A_155 = tpu.memref_slice %arg3[%add3A_90, %dma_wait3A_154] : memref<320000x128xf32, #tpu.memory_space<hbm>> -> memref<80x128xf32, #tpu.memory_space<hbm>>
      tpu.wait_dma2 semaphore(%arg21 : memref<!tpu.dma_semaphore, #tpu.memory_space<semaphore_mem>>) src(%dma_wait3A_155 : memref<80x128xf32, #tpu.memory_space<hbm>>) dst(%arg17 : memref<80x128xf32, #tpu.memory_space<vmem>>)
      %dma_start3A_156 = arith.constant 0 : i32
      %dma_start3A_157 = arith.constant 0 : i32
      %dma_start3A_158 = tpu.memref_slice %arg18[%dma_start3A_156, %dma_start3A_157] : memref<10240x128xf32, #tpu.memory_space<vmem_shared>> -> memref<10240x128xf32, #tpu.memory_space<vmem_shared>>
      tpu.enqueue_indirect_dma source(%arg16 : memref<80x128xf32, #tpu.memory_space<vmem>>) target(%dma_start3A_158 : memref<10240x128xf32, #tpu.memory_space<vmem_shared>>) offsets(%arg13 : memref<80xi32, #tpu.memory_space<vmem>>) semaphore(%arg21 : memref<!tpu.dma_semaphore, #tpu.memory_space<semaphore_mem>>) {add = true}
      %dma_start3A_159 = arith.constant 0 : i32
      %dma_start3A_160 = arith.constant 0 : i32
      %dma_start3A_161 = tpu.memref_slice %arg19[%dma_start3A_159, %dma_start3A_160] : memref<640x128xf32, #tpu.memory_space<vmem_shared>> -> memref<640x128xf32, #tpu.memory_space<vmem_shared>>
      tpu.enqueue_indirect_dma source(%arg17 : memref<80x128xf32, #tpu.memory_space<vmem>>) target(%dma_start3A_161 : memref<640x128xf32, #tpu.memory_space<vmem_shared>>) offsets(%arg14 : memref<80xi32, #tpu.memory_space<vmem>>) semaphore(%arg21 : memref<!tpu.dma_semaphore, #tpu.memory_space<semaphore_mem>>) {add = true}
      %dma_wait3A_162 = arith.constant 0 : i32
      %dma_wait3A_163 = arith.constant 0 : i32
      %dma_wait3A_164 = tpu.memref_slice %arg18[%dma_wait3A_162, %dma_wait3A_163] : memref<10240x128xf32, #tpu.memory_space<vmem_shared>> -> memref<10240x128xf32, #tpu.memory_space<vmem_shared>>
      tpu.wait_indirect_dma semaphore(%arg21 : memref<!tpu.dma_semaphore, #tpu.memory_space<semaphore_mem>>) src(%arg16 : memref<80x128xf32, #tpu.memory_space<vmem>>) dst(%dma_wait3A_164 : memref<10240x128xf32, #tpu.memory_space<vmem_shared>>)
      %dma_wait3A_165 = arith.constant 0 : i32
      %dma_wait3A_166 = arith.constant 0 : i32
      %dma_wait3A_167 = tpu.memref_slice %arg19[%dma_wait3A_165, %dma_wait3A_166] : memref<640x128xf32, #tpu.memory_space<vmem_shared>> -> memref<640x128xf32, #tpu.memory_space<vmem_shared>>
      tpu.wait_indirect_dma semaphore(%arg21 : memref<!tpu.dma_semaphore, #tpu.memory_space<semaphore_mem>>) src(%arg17 : memref<80x128xf32, #tpu.memory_space<vmem>>) dst(%dma_wait3A_167 : memref<640x128xf32, #tpu.memory_space<vmem_shared>>)
    }
    %scan3A_42 = arith.constant 62 : i32
    %scan3A_43 = arith.constant 0 : i32
    %scan3A_44 = arith.constant 0 : i32
    %scan3A_45 = arith.constant 5 : i32
    %scan3A_46 = arith.addi %scan3A_44, %scan3A_45 : i32
    %scan3A_47 = arith.constant 1 : i32
    scf.for %scan3A_73 = %scan3A_44 to %scan3A_46 step %scan3A_47  : i32 {
      %mul3A_74 = arith.constant 16 : i32
      %mul3A_75 = arith.muli %scan3A_73, %mul3A_74 : i32
      %get3A = arith.index_cast %mul3A_75 : i32 to index
      %get3A_76 = tpu.vector_load %arg10[%get3A] {strides = array<i32>} : memref<80xi32, #tpu.memory_space<vmem>>, vector<16xi32>,
      %shift_right_logical3A = arith.constant 14 : i32
      %shift_right_logical3A_77 = vector.broadcast %shift_right_logical3A : i32 to vector<16xi32>
      %shift_right_logical3A_78 = arith.shrui %get3A_76, %shift_right_logical3A_77 : vector<16xi32>
      %mul3A_79 = arith.constant 16 : i32
      %mul3A_80 = arith.muli %scan3A_73, %mul3A_79 : i32
      %swap3A = arith.index_cast %mul3A_80 : i32 to index
      %swap3A_81 = tpu.vector_load %arg8[%swap3A] {strides = array<i32>} : memref<80xi32, #tpu.memory_space<vmem>>, vector<16xi32>,
      tpu.vector_store %arg8[%swap3A], %shift_right_logical3A_78 {strides = array<i32>} : memref<80xi32, #tpu.memory_space<vmem>>, vector<16xi32>,
      %shift_right_logical3A_82 = arith.constant 4 : i32
      %shift_right_logical3A_83 = vector.broadcast %shift_right_logical3A_82 : i32 to vector<16xi32>
      %shift_right_logical3A_84 = arith.shrui %shift_right_logical3A_78, %shift_right_logical3A_83 : vector<16xi32>
      %mul3A_85 = arith.constant 16 : i32
      %mul3A_86 = arith.muli %scan3A_73, %mul3A_85 : i32
      %swap3A_87 = arith.index_cast %mul3A_86 : i32 to index
      %swap3A_88 = tpu.vector_load %arg9[%swap3A_87] {strides = array<i32>} : memref<80xi32, #tpu.memory_space<vmem>>, vector<16xi32>,
      tpu.vector_store %arg9[%swap3A_87], %shift_right_logical3A_84 {strides = array<i32>} : memref<80xi32, #tpu.memory_space<vmem>>, vector<16xi32>,
    }
    %scan3A_48 = arith.constant 5 : i32
    %dma_wait3A = arith.constant 0 : i32
    %dma_wait3A_49 = tpu.memref_slice %arg2[%add3A_28, %dma_wait3A] : memref<320000x128xf32, #tpu.memory_space<hbm>> -> memref<80x128xf32, #tpu.memory_space<hbm>>
    %dma_wait3A_50 = arith.constant 0 : i32
    %dma_wait3A_51 = tpu.memref_slice %arg2[%add3A_28, %dma_wait3A_50] : memref<320000x128xf32, #tpu.memory_space<hbm>> -> memref<80x128xf32, #tpu.memory_space<hbm>>
    tpu.wait_dma2 semaphore(%arg20 : memref<!tpu.dma_semaphore, #tpu.memory_space<semaphore_mem>>) src(%dma_wait3A_51 : memref<80x128xf32, #tpu.memory_space<hbm>>) dst(%arg11 : memref<80x128xf32, #tpu.memory_space<vmem>>)
    %dma_wait3A_52 = arith.constant 0 : i32
    %dma_wait3A_53 = tpu.memref_slice %arg3[%add3A_33, %dma_wait3A_52] : memref<320000x128xf32, #tpu.memory_space<hbm>> -> memref<80x128xf32, #tpu.memory_space<hbm>>
    %dma_wait3A_54 = arith.constant 0 : i32
    %dma_wait3A_55 = tpu.memref_slice %arg3[%add3A_33, %dma_wait3A_54] : memref<320000x128xf32, #tpu.memory_space<hbm>> -> memref<80x128xf32, #tpu.memory_space<hbm>>
    tpu.wait_dma2 semaphore(%arg20 : memref<!tpu.dma_semaphore, #tpu.memory_space<semaphore_mem>>) src(%dma_wait3A_55 : memref<80x128xf32, #tpu.memory_space<hbm>>) dst(%arg12 : memref<80x128xf32, #tpu.memory_space<vmem>>)
    %dma_start3A_56 = arith.constant 0 : i32
    %dma_start3A_57 = arith.constant 0 : i32
    %dma_start3A_58 = tpu.memref_slice %arg18[%dma_start3A_56, %dma_start3A_57] : memref<10240x128xf32, #tpu.memory_space<vmem_shared>> -> memref<10240x128xf32, #tpu.memory_space<vmem_shared>>
    tpu.enqueue_indirect_dma source(%arg11 : memref<80x128xf32, #tpu.memory_space<vmem>>) target(%dma_start3A_58 : memref<10240x128xf32, #tpu.memory_space<vmem_shared>>) offsets(%arg8 : memref<80xi32, #tpu.memory_space<vmem>>) semaphore(%arg20 : memref<!tpu.dma_semaphore, #tpu.memory_space<semaphore_mem>>) {add = true}
    %dma_start3A_59 = arith.constant 0 : i32
    %dma_start3A_60 = arith.constant 0 : i32
    %dma_start3A_61 = tpu.memref_slice %arg19[%dma_start3A_59, %dma_start3A_60] : memref<640x128xf32, #tpu.memory_space<vmem_shared>> -> memref<640x128xf32, #tpu.memory_space<vmem_shared>>
    tpu.enqueue_indirect_dma source(%arg12 : memref<80x128xf32, #tpu.memory_space<vmem>>) target(%dma_start3A_61 : memref<640x128xf32, #tpu.memory_space<vmem_shared>>) offsets(%arg9 : memref<80xi32, #tpu.memory_space<vmem>>) semaphore(%arg20 : memref<!tpu.dma_semaphore, #tpu.memory_space<semaphore_mem>>) {add = true}
    %dma_wait3A_62 = arith.constant 0 : i32
    %dma_wait3A_63 = arith.constant 0 : i32
    %dma_wait3A_64 = tpu.memref_slice %arg18[%dma_wait3A_62, %dma_wait3A_63] : memref<10240x128xf32, #tpu.memory_space<vmem_shared>> -> memref<10240x128xf32, #tpu.memory_space<vmem_shared>>
    tpu.wait_indirect_dma semaphore(%arg20 : memref<!tpu.dma_semaphore, #tpu.memory_space<semaphore_mem>>) src(%arg11 : memref<80x128xf32, #tpu.memory_space<vmem>>) dst(%dma_wait3A_64 : memref<10240x128xf32, #tpu.memory_space<vmem_shared>>)
    %dma_wait3A_65 = arith.constant 0 : i32
    %dma_wait3A_66 = arith.constant 0 : i32
    %dma_wait3A_67 = tpu.memref_slice %arg19[%dma_wait3A_65, %dma_wait3A_66] : memref<640x128xf32, #tpu.memory_space<vmem_shared>> -> memref<640x128xf32, #tpu.memory_space<vmem_shared>>
    tpu.wait_indirect_dma semaphore(%arg20 : memref<!tpu.dma_semaphore, #tpu.memory_space<semaphore_mem>>) src(%arg12 : memref<80x128xf32, #tpu.memory_space<vmem>>) dst(%dma_wait3A_67 : memref<640x128xf32, #tpu.memory_space<vmem_shared>>)
    %barrier3A_68 = arith.constant 0 : index
    tpu.barrier barrier_id(%barrier3A_68)
    %mul3A_69 = arith.constant 640 : i32
    %mul3A_70 = arith.muli %arg1, %mul3A_69 : i32
    "tpu.region"() ({
      %run_scoped3A = tpu.sem_alloc : memref<!tpu.dma_semaphore, #tpu.memory_space<semaphore_mem>>
      %dma_start3A_73 = arith.constant 0 : i32
      %dma_start3A_74 = tpu.memref_slice %arg6[%arg0, %mul3A_70, %dma_start3A_73] : memref<2x10240x128xf32, #tpu.memory_space<hbm>> -> memref<1x640x128xf32, #tpu.memory_space<hbm>>
      %dma_start3A_75 = tpu.memref_squeeze %dma_start3A_74 : memref<1x640x128xf32, #tpu.memory_space<hbm>> -> memref<640x128xf32, #tpu.memory_space<hbm>>
      %dma_start3A_76 = arith.constant 0 : i32
      %dma_start3A_77 = tpu.memref_slice %arg18[%mul3A_70, %dma_start3A_76] : memref<10240x128xf32, #tpu.memory_space<vmem_shared>> -> memref<640x128xf32, #tpu.memory_space<vmem_shared>>
      tpu.enqueue_dma source(%dma_start3A_77 : memref<640x128xf32, #tpu.memory_space<vmem_shared>>) target(%dma_start3A_75 : memref<640x128xf32, #tpu.memory_space<hbm>>) target_semaphore(%run_scoped3A : memref<!tpu.dma_semaphore, #tpu.memory_space<semaphore_mem>>)
      %dma_wait3A_78 = arith.constant 0 : i32
      %dma_wait3A_79 = tpu.memref_slice %arg6[%arg0, %mul3A_70, %dma_wait3A_78] : memref<2x10240x128xf32, #tpu.memory_space<hbm>> -> memref<1x640x128xf32, #tpu.memory_space<hbm>>
      %dma_wait3A_80 = tpu.memref_squeeze %dma_wait3A_79 : memref<1x640x128xf32, #tpu.memory_space<hbm>> -> memref<640x128xf32, #tpu.memory_space<hbm>>
      %dma_wait3A_81 = arith.constant 0 : i32
      %dma_wait3A_82 = tpu.memref_slice %arg18[%mul3A_70, %dma_wait3A_81] : memref<10240x128xf32, #tpu.memory_space<vmem_shared>> -> memref<640x128xf32, #tpu.memory_space<vmem_shared>>
      tpu.wait_dma2 semaphore(%run_scoped3A : memref<!tpu.dma_semaphore, #tpu.memory_space<semaphore_mem>>) src(%dma_wait3A_82 : memref<640x128xf32, #tpu.memory_space<vmem_shared>>) dst(%dma_wait3A_80 : memref<640x128xf32, #tpu.memory_space<hbm>>)
      tpu.yield
    }) : () -> ()
    %mul3A_71 = arith.constant 40 : i32
    %mul3A_72 = arith.muli %arg1, %mul3A_71 : i32
    "tpu.region"() ({
      %run_scoped3A = tpu.sem_alloc : memref<!tpu.dma_semaphore, #tpu.memory_space<semaphore_mem>>
      %dma_start3A_73 = arith.constant 0 : i32
      %dma_start3A_74 = tpu.memref_slice %arg7[%arg0, %mul3A_72, %dma_start3A_73] : memref<2x640x128xf32, #tpu.memory_space<hbm>> -> memref<1x40x128xf32, #tpu.memory_space<hbm>>
      %dma_start3A_75 = tpu.memref_squeeze %dma_start3A_74 : memref<1x40x128xf32, #tpu.memory_space<hbm>> -> memref<40x128xf32, #tpu.memory_space<hbm>>
      %dma_start3A_76 = arith.constant 0 : i32
      %dma_start3A_77 = tpu.memref_slice %arg19[%mul3A_72, %dma_start3A_76] : memref<640x128xf32, #tpu.memory_space<vmem_shared>> -> memref<40x128xf32, #tpu.memory_space<vmem_shared>>
      tpu.enqueue_dma source(%dma_start3A_77 : memref<40x128xf32, #tpu.memory_space<vmem_shared>>) target(%dma_start3A_75 : memref<40x128xf32, #tpu.memory_space<hbm>>) target_semaphore(%run_scoped3A : memref<!tpu.dma_semaphore, #tpu.memory_space<semaphore_mem>>)
      %dma_wait3A_78 = arith.constant 0 : i32
      %dma_wait3A_79 = tpu.memref_slice %arg7[%arg0, %mul3A_72, %dma_wait3A_78] : memref<2x640x128xf32, #tpu.memory_space<hbm>> -> memref<1x40x128xf32, #tpu.memory_space<hbm>>
      %dma_wait3A_80 = tpu.memref_squeeze %dma_wait3A_79 : memref<1x40x128xf32, #tpu.memory_space<hbm>> -> memref<40x128xf32, #tpu.memory_space<hbm>>
      %dma_wait3A_81 = arith.constant 0 : i32
      %dma_wait3A_82 = tpu.memref_slice %arg19[%mul3A_72, %dma_wait3A_81] : memref<640x128xf32, #tpu.memory_space<vmem_shared>> -> memref<40x128xf32, #tpu.memory_space<vmem_shared>>
      tpu.wait_dma2 semaphore(%run_scoped3A : memref<!tpu.dma_semaphore, #tpu.memory_space<semaphore_mem>>) src(%dma_wait3A_82 : memref<40x128xf32, #tpu.memory_space<vmem_shared>>) dst(%dma_wait3A_80 : memref<40x128xf32, #tpu.memory_space<hbm>>)
      tpu.yield
    }) : () -> ()
    return
  }
}

#map = affine_map<(d0, d1) -> (0, 0)>
#map1 = affine_map<(d0, d1) -> (0)>
module attributes {stable_mosaic.version = 14 : i64} {
  func.func @_gather_body(%arg0: i32, %arg1: i32, %arg2: memref<10000x128xf32, #tpu.memory_space<hbm>>, %arg3: memref<10000x128xf32, #tpu.memory_space<hbm>>, %arg4: memref<40000xf32, #tpu.memory_space<hbm>>, %arg5: memref<320000xi32, #tpu.memory_space<hbm>>, %arg6: memref<320000x128xf32, #tpu.memory_space<hbm>>, %arg7: memref<320000x16xf32, #tpu.memory_space<hbm>>, %arg8: memref<80xi32, #tpu.memory_space<vmem>>, %arg9: memref<80xi32, #tpu.memory_space<vmem>>, %arg10: memref<80x128xf32, #tpu.memory_space<vmem>>, %arg11: memref<80x128xf32, #tpu.memory_space<vmem>>, %arg12: memref<80x16xf32, #tpu.memory_space<vmem>>, %arg13: memref<80xi32, #tpu.memory_space<vmem>>, %arg14: memref<80xi32, #tpu.memory_space<vmem>>, %arg15: memref<80xi32, #tpu.memory_space<vmem>>, %arg16: memref<80x128xf32, #tpu.memory_space<vmem>>, %arg17: memref<80x128xf32, #tpu.memory_space<vmem>>, %arg18: memref<80x16xf32, #tpu.memory_space<vmem>>, %arg19: memref<80xi32, #tpu.memory_space<vmem>>, %arg20: memref<40000xf32, #tpu.memory_space<vmem>>, %arg21: memref<!tpu.dma_semaphore, #tpu.memory_space<semaphore_mem>>, %arg22: memref<!tpu.dma_semaphore, #tpu.memory_space<semaphore_mem>>) attributes {dimension_semantics = [#tpu.dimension_semantics<core_parallel>, #tpu.dimension_semantics<subcore_parallel>], iteration_bounds = array<i64: 2, 16>, scalar_prefetch = 0 : i64, scratch_operands = 15 : i64, tpu.core_type = #tpu.core_type<sc_vector_subcore>, window_params = [{transform_indices = #map}, {transform_indices = #map}, {transform_indices = #map1}, {transform_indices = #map1}, {transform_indices = #map}, {transform_indices = #map}]} {
    %mul3A = arith.constant 2 : i32
    %mul3A_0 = arith.muli %arg1, %mul3A : i32
    %add3A = arith.addi %mul3A_0, %arg0 : i32
    "tpu.region"() ({
      %run_scoped3A = tpu.sem_alloc : memref<!tpu.dma_semaphore, #tpu.memory_space<semaphore_mem>>
      tpu.enqueue_dma source(%arg4 : memref<40000xf32, #tpu.memory_space<hbm>>) target(%arg20 : memref<40000xf32, #tpu.memory_space<vmem>>) target_semaphore(%run_scoped3A : memref<!tpu.dma_semaphore, #tpu.memory_space<semaphore_mem>>)
      tpu.wait_dma2 semaphore(%run_scoped3A : memref<!tpu.dma_semaphore, #tpu.memory_space<semaphore_mem>>) src(%arg4 : memref<40000xf32, #tpu.memory_space<hbm>>) dst(%arg20 : memref<40000xf32, #tpu.memory_space<vmem>>)
      tpu.yield
    }) : () -> ()
    %iota3A = tpu.iota {dimensions = array<i32: 0>} : vector<16xi32>
    %mul3A_1 = arith.constant 10000 : i32
    %mul3A_2 = arith.muli %add3A, %mul3A_1 : i32
    %scan3A = arith.constant 0 : i32
    %scan3A_3 = arith.constant 0 : i32
    %scan3A_4 = arith.constant 80 : i32
    %scan3A_5 = arith.addi %scan3A_3, %scan3A_4 : i32
    %scan3A_6 = arith.constant 1 : i32
    scf.for %scan3A_70 = %scan3A_3 to %scan3A_5 step %scan3A_6  : i32 {
      %broadcast_in_dim3A = arith.constant 0.000000e+00 : f32
      %broadcast_in_dim3A_71 = vector.broadcast %broadcast_in_dim3A : f32 to vector<16xf32>
      %swap3A = arith.index_cast %scan3A_70 : i32 to index
      %swap3A_72 = arith.constant 0 : index
      %swap3A_73 = tpu.vector_load %arg12[%swap3A, %swap3A_72] {strides = array<i32>} : memref<80x16xf32, #tpu.memory_space<vmem>>, vector<16xf32>,
      tpu.vector_store %arg12[%swap3A, %swap3A_72], %broadcast_in_dim3A_71 {strides = array<i32>} : memref<80x16xf32, #tpu.memory_space<vmem>>, vector<16xf32>,
    }
    %scan3A_7 = arith.constant 80 : i32
    %scan3A_8 = arith.constant 0 : i32
    %scan3A_9 = arith.constant 0 : i32
    %scan3A_10 = arith.constant 80 : i32
    %scan3A_11 = arith.addi %scan3A_9, %scan3A_10 : i32
    %scan3A_12 = arith.constant 1 : i32
    scf.for %scan3A_70 = %scan3A_9 to %scan3A_11 step %scan3A_12  : i32 {
      %broadcast_in_dim3A = arith.constant 0.000000e+00 : f32
      %broadcast_in_dim3A_71 = vector.broadcast %broadcast_in_dim3A : f32 to vector<16xf32>
      %swap3A = arith.index_cast %scan3A_70 : i32 to index
      %swap3A_72 = arith.constant 0 : index
      %swap3A_73 = tpu.vector_load %arg18[%swap3A, %swap3A_72] {strides = array<i32>} : memref<80x16xf32, #tpu.memory_space<vmem>>, vector<16xf32>,
      tpu.vector_store %arg18[%swap3A, %swap3A_72], %broadcast_in_dim3A_71 {strides = array<i32>} : memref<80x16xf32, #tpu.memory_space<vmem>>, vector<16xf32>,
    }
    %scan3A_13 = arith.constant 80 : i32
    %add3A_14 = arith.constant 0 : i32
    %add3A_15 = arith.addi %mul3A_2, %add3A_14 : i32
    "tpu.region"() ({
      %run_scoped3A = tpu.sem_alloc : memref<!tpu.dma_semaphore, #tpu.memory_space<semaphore_mem>>
      %dma_start3A_70 = tpu.memref_slice %arg5[%add3A_15] : memref<320000xi32, #tpu.memory_space<hbm>> -> memref<80xi32, #tpu.memory_space<hbm>>
      %dma_start3A_71 = tpu.memref_slice %arg5[%add3A_15] : memref<320000xi32, #tpu.memory_space<hbm>> -> memref<80xi32, #tpu.memory_space<hbm>>
      tpu.enqueue_dma source(%dma_start3A_71 : memref<80xi32, #tpu.memory_space<hbm>>) target(%arg13 : memref<80xi32, #tpu.memory_space<vmem>>) target_semaphore(%run_scoped3A : memref<!tpu.dma_semaphore, #tpu.memory_space<semaphore_mem>>)
      %dma_wait3A_72 = tpu.memref_slice %arg5[%add3A_15] : memref<320000xi32, #tpu.memory_space<hbm>> -> memref<80xi32, #tpu.memory_space<hbm>>
      %dma_wait3A_73 = tpu.memref_slice %arg5[%add3A_15] : memref<320000xi32, #tpu.memory_space<hbm>> -> memref<80xi32, #tpu.memory_space<hbm>>
      tpu.wait_dma2 semaphore(%run_scoped3A : memref<!tpu.dma_semaphore, #tpu.memory_space<semaphore_mem>>) src(%dma_wait3A_73 : memref<80xi32, #tpu.memory_space<hbm>>) dst(%arg13 : memref<80xi32, #tpu.memory_space<vmem>>)
      tpu.yield
    }) : () -> ()
    %scan3A_16 = arith.constant 0 : i32
    %scan3A_17 = arith.constant 0 : i32
    %scan3A_18 = arith.constant 5 : i32
    %scan3A_19 = arith.addi %scan3A_17, %scan3A_18 : i32
    %scan3A_20 = arith.constant 1 : i32
    scf.for %scan3A_70 = %scan3A_17 to %scan3A_19 step %scan3A_20  : i32 {
      %mul3A_71 = arith.constant 16 : i32
      %mul3A_72 = arith.muli %scan3A_70, %mul3A_71 : i32
      %get3A = arith.index_cast %mul3A_72 : i32 to index
      %get3A_73 = tpu.vector_load %arg13[%get3A] {strides = array<i32>} : memref<80xi32, #tpu.memory_space<vmem>>, vector<16xi32>,
      %shift_right_logical3A = arith.constant 14 : i32
      %shift_right_logical3A_74 = vector.broadcast %shift_right_logical3A : i32 to vector<16xi32>
      %shift_right_logical3A_75 = arith.shrui %get3A_73, %shift_right_logical3A_74 : vector<16xi32>
      %mul3A_76 = arith.constant 16 : i32
      %mul3A_77 = arith.muli %scan3A_70, %mul3A_76 : i32
      %swap3A = arith.index_cast %mul3A_77 : i32 to index
      %swap3A_78 = tpu.vector_load %arg8[%swap3A] {strides = array<i32>} : memref<80xi32, #tpu.memory_space<vmem>>, vector<16xi32>,
      tpu.vector_store %arg8[%swap3A], %shift_right_logical3A_75 {strides = array<i32>} : memref<80xi32, #tpu.memory_space<vmem>>, vector<16xi32>,
      %and3A = arith.constant 16383 : i32
      %and3A_79 = vector.broadcast %and3A : i32 to vector<16xi32>
      %and3A_80 = arith.andi %get3A_73, %and3A_79 : vector<16xi32>
      %mul3A_81 = arith.constant 16 : i32
      %mul3A_82 = arith.muli %scan3A_70, %mul3A_81 : i32
      %swap3A_83 = arith.index_cast %mul3A_82 : i32 to index
      %swap3A_84 = tpu.vector_load %arg9[%swap3A_83] {strides = array<i32>} : memref<80xi32, #tpu.memory_space<vmem>>, vector<16xi32>,
      tpu.vector_store %arg9[%swap3A_83], %and3A_80 {strides = array<i32>} : memref<80xi32, #tpu.memory_space<vmem>>, vector<16xi32>,
    }
    %scan3A_21 = arith.constant 5 : i32
    %dma_start3A = arith.constant 0 : i32
    %dma_start3A_22 = arith.constant 0 : i32
    %dma_start3A_23 = tpu.memref_slice %arg2[%dma_start3A, %dma_start3A_22] : memref<10000x128xf32, #tpu.memory_space<hbm>> -> memref<10000x128xf32, #tpu.memory_space<hbm>>
    tpu.enqueue_indirect_dma source(%dma_start3A_23 : memref<10000x128xf32, #tpu.memory_space<hbm>>) target(%arg10 : memref<80x128xf32, #tpu.memory_space<vmem>>) offsets(%arg8 : memref<80xi32, #tpu.memory_space<vmem>>) semaphore(%arg21 : memref<!tpu.dma_semaphore, #tpu.memory_space<semaphore_mem>>)
    %dma_start3A_24 = arith.constant 0 : i32
    %dma_start3A_25 = arith.constant 0 : i32
    %dma_start3A_26 = tpu.memref_slice %arg3[%dma_start3A_24, %dma_start3A_25] : memref<10000x128xf32, #tpu.memory_space<hbm>> -> memref<10000x128xf32, #tpu.memory_space<hbm>>
    tpu.enqueue_indirect_dma source(%dma_start3A_26 : memref<10000x128xf32, #tpu.memory_space<hbm>>) target(%arg11 : memref<80x128xf32, #tpu.memory_space<vmem>>) offsets(%arg9 : memref<80xi32, #tpu.memory_space<vmem>>) semaphore(%arg21 : memref<!tpu.dma_semaphore, #tpu.memory_space<semaphore_mem>>)
    %scan3A_27 = arith.constant 0 : i32
    %scan3A_28 = arith.constant 0 : i32
    %scan3A_29 = arith.constant 62 : i32
    %scan3A_30 = arith.addi %scan3A_28, %scan3A_29 : i32
    %scan3A_31 = arith.constant 1 : i32
    scf.for %scan3A_70 = %scan3A_28 to %scan3A_30 step %scan3A_31  : i32 {
      %mul3A_71 = arith.constant 2 : i32
      %mul3A_72 = arith.muli %mul3A_71, %scan3A_70 : i32
      %add3A_73 = arith.constant 1 : i32
      %add3A_74 = arith.addi %mul3A_72, %add3A_73 : i32
      %mul3A_75 = arith.constant 2 : i32
      %mul3A_76 = arith.muli %mul3A_75, %scan3A_70 : i32
      %add3A_77 = arith.constant 2 : i32
      %add3A_78 = arith.addi %mul3A_76, %add3A_77 : i32
      %mul3A_79 = arith.constant 80 : i32
      %mul3A_80 = arith.muli %add3A_74, %mul3A_79 : i32
      %add3A_81 = arith.addi %mul3A_2, %mul3A_80 : i32
      "tpu.region"() ({
        %run_scoped3A = tpu.sem_alloc : memref<!tpu.dma_semaphore, #tpu.memory_space<semaphore_mem>>
        %dma_start3A_191 = tpu.memref_slice %arg5[%add3A_81] : memref<320000xi32, #tpu.memory_space<hbm>> -> memref<80xi32, #tpu.memory_space<hbm>>
        %dma_start3A_192 = tpu.memref_slice %arg5[%add3A_81] : memref<320000xi32, #tpu.memory_space<hbm>> -> memref<80xi32, #tpu.memory_space<hbm>>
        tpu.enqueue_dma source(%dma_start3A_192 : memref<80xi32, #tpu.memory_space<hbm>>) target(%arg19 : memref<80xi32, #tpu.memory_space<vmem>>) target_semaphore(%run_scoped3A : memref<!tpu.dma_semaphore, #tpu.memory_space<semaphore_mem>>)
        %dma_wait3A_193 = tpu.memref_slice %arg5[%add3A_81] : memref<320000xi32, #tpu.memory_space<hbm>> -> memref<80xi32, #tpu.memory_space<hbm>>
        %dma_wait3A_194 = tpu.memref_slice %arg5[%add3A_81] : memref<320000xi32, #tpu.memory_space<hbm>> -> memref<80xi32, #tpu.memory_space<hbm>>
        tpu.wait_dma2 semaphore(%run_scoped3A : memref<!tpu.dma_semaphore, #tpu.memory_space<semaphore_mem>>) src(%dma_wait3A_194 : memref<80xi32, #tpu.memory_space<hbm>>) dst(%arg19 : memref<80xi32, #tpu.memory_space<vmem>>)
        tpu.yield
      }) : () -> ()
      %scan3A_82 = arith.constant 0 : i32
      %scan3A_83 = arith.constant 0 : i32
      %scan3A_84 = arith.constant 5 : i32
      %scan3A_85 = arith.addi %scan3A_83, %scan3A_84 : i32
      %scan3A_86 = arith.constant 1 : i32
      scf.for %scan3A_191 = %scan3A_83 to %scan3A_85 step %scan3A_86  : i32 {
        %mul3A_192 = arith.constant 16 : i32
        %mul3A_193 = arith.muli %scan3A_191, %mul3A_192 : i32
        %get3A = arith.index_cast %mul3A_193 : i32 to index
        %get3A_194 = tpu.vector_load %arg19[%get3A] {strides = array<i32>} : memref<80xi32, #tpu.memory_space<vmem>>, vector<16xi32>,
        %shift_right_logical3A = arith.constant 14 : i32
        %shift_right_logical3A_195 = vector.broadcast %shift_right_logical3A : i32 to vector<16xi32>
        %shift_right_logical3A_196 = arith.shrui %get3A_194, %shift_right_logical3A_195 : vector<16xi32>
        %mul3A_197 = arith.constant 16 : i32
        %mul3A_198 = arith.muli %scan3A_191, %mul3A_197 : i32
        %swap3A = arith.index_cast %mul3A_198 : i32 to index
        %swap3A_199 = tpu.vector_load %arg14[%swap3A] {strides = array<i32>} : memref<80xi32, #tpu.memory_space<vmem>>, vector<16xi32>,
        tpu.vector_store %arg14[%swap3A], %shift_right_logical3A_196 {strides = array<i32>} : memref<80xi32, #tpu.memory_space<vmem>>, vector<16xi32>,
        %and3A = arith.constant 16383 : i32
        %and3A_200 = vector.broadcast %and3A : i32 to vector<16xi32>
        %and3A_201 = arith.andi %get3A_194, %and3A_200 : vector<16xi32>
        %mul3A_202 = arith.constant 16 : i32
        %mul3A_203 = arith.muli %scan3A_191, %mul3A_202 : i32
        %swap3A_204 = arith.index_cast %mul3A_203 : i32 to index
        %swap3A_205 = tpu.vector_load %arg15[%swap3A_204] {strides = array<i32>} : memref<80xi32, #tpu.memory_space<vmem>>, vector<16xi32>,
        tpu.vector_store %arg15[%swap3A_204], %and3A_201 {strides = array<i32>} : memref<80xi32, #tpu.memory_space<vmem>>, vector<16xi32>,
      }
      %scan3A_87 = arith.constant 5 : i32
      %dma_start3A_88 = arith.constant 0 : i32
      %dma_start3A_89 = arith.constant 0 : i32
      %dma_start3A_90 = tpu.memref_slice %arg2[%dma_start3A_88, %dma_start3A_89] : memref<10000x128xf32, #tpu.memory_space<hbm>> -> memref<10000x128xf32, #tpu.memory_space<hbm>>
      tpu.enqueue_indirect_dma source(%dma_start3A_90 : memref<10000x128xf32, #tpu.memory_space<hbm>>) target(%arg16 : memref<80x128xf32, #tpu.memory_space<vmem>>) offsets(%arg14 : memref<80xi32, #tpu.memory_space<vmem>>) semaphore(%arg22 : memref<!tpu.dma_semaphore, #tpu.memory_space<semaphore_mem>>)
      %dma_start3A_91 = arith.constant 0 : i32
      %dma_start3A_92 = arith.constant 0 : i32
      %dma_start3A_93 = tpu.memref_slice %arg3[%dma_start3A_91, %dma_start3A_92] : memref<10000x128xf32, #tpu.memory_space<hbm>> -> memref<10000x128xf32, #tpu.memory_space<hbm>>
      tpu.enqueue_indirect_dma source(%dma_start3A_93 : memref<10000x128xf32, #tpu.memory_space<hbm>>) target(%arg17 : memref<80x128xf32, #tpu.memory_space<vmem>>) offsets(%arg15 : memref<80xi32, #tpu.memory_space<vmem>>) semaphore(%arg22 : memref<!tpu.dma_semaphore, #tpu.memory_space<semaphore_mem>>)
      %mul3A_94 = arith.constant 2 : i32
      %mul3A_95 = arith.muli %mul3A_94, %scan3A_70 : i32
      %scan3A_96 = arith.constant 0 : i32
      %scan3A_97 = arith.constant 0 : i32
      %scan3A_98 = arith.constant 5 : i32
      %scan3A_99 = arith.addi %scan3A_97, %scan3A_98 : i32
      %scan3A_100 = arith.constant 1 : i32
      scf.for %scan3A_191 = %scan3A_97 to %scan3A_99 step %scan3A_100  : i32 {
        %mul3A_192 = arith.constant 16 : i32
        %mul3A_193 = arith.muli %scan3A_191, %mul3A_192 : i32
        %get3A = arith.index_cast %mul3A_193 : i32 to index
        %get3A_194 = tpu.vector_load %arg8[%get3A] {strides = array<i32>} : memref<80xi32, #tpu.memory_space<vmem>>, vector<16xi32>,
        %mul3A_195 = arith.constant 4 : i32
        %mul3A_196 = vector.broadcast %mul3A_195 : i32 to vector<16xi32>
        %mul3A_197 = arith.muli %get3A_194, %mul3A_196 : vector<16xi32>
        %mul3A_198 = arith.constant 16 : i32
        %mul3A_199 = arith.muli %scan3A_191, %mul3A_198 : i32
        %get3A_200 = arith.index_cast %mul3A_199 : i32 to index
        %get3A_201 = tpu.vector_load %arg9[%get3A_200] {strides = array<i32>} : memref<80xi32, #tpu.memory_space<vmem>>, vector<16xi32>,
        %mul3A_202 = arith.constant 4 : i32
        %mul3A_203 = vector.broadcast %mul3A_202 : i32 to vector<16xi32>
        %mul3A_204 = arith.muli %get3A_201, %mul3A_203 : vector<16xi32>
        %mul3A_205 = arith.constant 16 : i32
        %mul3A_206 = arith.muli %scan3A_191, %mul3A_205 : i32
        %add3A_207 = vector.broadcast %mul3A_206 : i32 to vector<16xi32>
        %add3A_208 = arith.addi %iota3A, %add3A_207 : vector<16xi32>
        %broadcast_in_dim3A = arith.constant 0 : i32
        %broadcast_in_dim3A_209 = vector.broadcast %broadcast_in_dim3A : i32 to vector<16xi32>
        %add3A_210 = arith.constant 0 : i32
        %add3A_211 = vector.broadcast %add3A_210 : i32 to vector<16xi32>
        %add3A_212 = arith.addi %mul3A_197, %add3A_211 : vector<16xi32>
        %gather3A = tpu.vector_load_idx %arg20[%add3A_212] : memref<40000xf32, #tpu.memory_space<vmem>>[vector<16xi32>], vector<16xf32>,
        %add3A_213 = arith.constant 0 : i32
        %add3A_214 = vector.broadcast %add3A_213 : i32 to vector<16xi32>
        %add3A_215 = arith.addi %mul3A_204, %add3A_214 : vector<16xi32>
        %gather3A_216 = tpu.vector_load_idx %arg20[%add3A_215] : memref<40000xf32, #tpu.memory_space<vmem>>[vector<16xi32>], vector<16xf32>,
        %sub3A = arith.subf %gather3A, %gather3A_216 : vector<16xf32>
        tpu.vector_store_idx %arg12[%add3A_208, %broadcast_in_dim3A_209], %sub3A : memref<80x16xf32, #tpu.memory_space<vmem>>[vector<16xi32>, vector<16xi32>], vector<16xf32>,
        %broadcast_in_dim3A_217 = arith.constant 1 : i32
        %broadcast_in_dim3A_218 = vector.broadcast %broadcast_in_dim3A_217 : i32 to vector<16xi32>
        %add3A_219 = arith.constant 1 : i32
        %add3A_220 = vector.broadcast %add3A_219 : i32 to vector<16xi32>
        %add3A_221 = arith.addi %mul3A_197, %add3A_220 : vector<16xi32>
        %gather3A_222 = tpu.vector_load_idx %arg20[%add3A_221] : memref<40000xf32, #tpu.memory_space<vmem>>[vector<16xi32>], vector<16xf32>,
        %add3A_223 = arith.constant 1 : i32
        %add3A_224 = vector.broadcast %add3A_223 : i32 to vector<16xi32>
        %add3A_225 = arith.addi %mul3A_204, %add3A_224 : vector<16xi32>
        %gather3A_226 = tpu.vector_load_idx %arg20[%add3A_225] : memref<40000xf32, #tpu.memory_space<vmem>>[vector<16xi32>], vector<16xf32>,
        %sub3A_227 = arith.subf %gather3A_222, %gather3A_226 : vector<16xf32>
        tpu.vector_store_idx %arg12[%add3A_208, %broadcast_in_dim3A_218], %sub3A_227 : memref<80x16xf32, #tpu.memory_space<vmem>>[vector<16xi32>, vector<16xi32>], vector<16xf32>,
        %broadcast_in_dim3A_228 = arith.constant 2 : i32
        %broadcast_in_dim3A_229 = vector.broadcast %broadcast_in_dim3A_228 : i32 to vector<16xi32>
        %add3A_230 = arith.constant 2 : i32
        %add3A_231 = vector.broadcast %add3A_230 : i32 to vector<16xi32>
        %add3A_232 = arith.addi %mul3A_197, %add3A_231 : vector<16xi32>
        %gather3A_233 = tpu.vector_load_idx %arg20[%add3A_232] : memref<40000xf32, #tpu.memory_space<vmem>>[vector<16xi32>], vector<16xf32>,
        %add3A_234 = arith.constant 2 : i32
        %add3A_235 = vector.broadcast %add3A_234 : i32 to vector<16xi32>
        %add3A_236 = arith.addi %mul3A_204, %add3A_235 : vector<16xi32>
        %gather3A_237 = tpu.vector_load_idx %arg20[%add3A_236] : memref<40000xf32, #tpu.memory_space<vmem>>[vector<16xi32>], vector<16xf32>,
        %sub3A_238 = arith.subf %gather3A_233, %gather3A_237 : vector<16xf32>
        tpu.vector_store_idx %arg12[%add3A_208, %broadcast_in_dim3A_229], %sub3A_238 : memref<80x16xf32, #tpu.memory_space<vmem>>[vector<16xi32>, vector<16xi32>], vector<16xf32>,
        %and3A = arith.constant 15 : i32
        %and3A_239 = vector.broadcast %and3A : i32 to vector<16xi32>
        %and3A_240 = arith.andi %get3A_194, %and3A_239 : vector<16xi32>
        %mul3A_241 = arith.constant 8 : i32
        %mul3A_242 = vector.broadcast %mul3A_241 : i32 to vector<16xi32>
        %mul3A_243 = arith.muli %and3A_240, %mul3A_242 : vector<16xi32>
        %convert_element_type3A = arith.sitofp %mul3A_243 : vector<16xi32> to vector<16xf32>
        %broadcast_in_dim3A_244 = arith.constant 3 : i32
        %broadcast_in_dim3A_245 = vector.broadcast %broadcast_in_dim3A_244 : i32 to vector<16xi32>
        tpu.vector_store_idx %arg12[%add3A_208, %broadcast_in_dim3A_245], %convert_element_type3A : memref<80x16xf32, #tpu.memory_space<vmem>>[vector<16xi32>, vector<16xi32>], vector<16xf32>,
      }
      %scan3A_101 = arith.constant 5 : i32
      %dma_wait3A_102 = arith.constant 0 : i32
      %dma_wait3A_103 = arith.constant 0 : i32
      %dma_wait3A_104 = tpu.memref_slice %arg2[%dma_wait3A_102, %dma_wait3A_103] : memref<10000x128xf32, #tpu.memory_space<hbm>> -> memref<10000x128xf32, #tpu.memory_space<hbm>>
      tpu.wait_indirect_dma semaphore(%arg21 : memref<!tpu.dma_semaphore, #tpu.memory_space<semaphore_mem>>) src(%dma_wait3A_104 : memref<10000x128xf32, #tpu.memory_space<hbm>>) dst(%arg10 : memref<80x128xf32, #tpu.memory_space<vmem>>)
      %dma_wait3A_105 = arith.constant 0 : i32
      %dma_wait3A_106 = arith.constant 0 : i32
      %dma_wait3A_107 = tpu.memref_slice %arg3[%dma_wait3A_105, %dma_wait3A_106] : memref<10000x128xf32, #tpu.memory_space<hbm>> -> memref<10000x128xf32, #tpu.memory_space<hbm>>
      tpu.wait_indirect_dma semaphore(%arg21 : memref<!tpu.dma_semaphore, #tpu.memory_space<semaphore_mem>>) src(%dma_wait3A_107 : memref<10000x128xf32, #tpu.memory_space<hbm>>) dst(%arg11 : memref<80x128xf32, #tpu.memory_space<vmem>>)
      %scan3A_108 = arith.constant 0 : i32
      %scan3A_109 = arith.constant 0 : i32
      %scan3A_110 = arith.constant 80 : i32
      %scan3A_111 = arith.addi %scan3A_109, %scan3A_110 : i32
      %scan3A_112 = arith.constant 1 : i32
      scf.for %scan3A_191 = %scan3A_109 to %scan3A_111 step %scan3A_112  : i32 {
        %get3A = arith.index_cast %scan3A_191 : i32 to index
        %get3A_192 = arith.constant 0 : index
        %get3A_193 = tpu.vector_load %arg10[%get3A, %get3A_192] {strides = array<i32>} : memref<80x128xf32, #tpu.memory_space<vmem>>, vector<16xf32>,
        %get3A_194 = arith.index_cast %scan3A_191 : i32 to index
        %get3A_195 = arith.constant 0 : index
        %get3A_196 = tpu.vector_load %arg11[%get3A_194, %get3A_195] {strides = array<i32>} : memref<80x128xf32, #tpu.memory_space<vmem>>, vector<16xf32>,
        %add3A_197 = arith.addf %get3A_193, %get3A_196 : vector<16xf32>
        %swap3A = arith.index_cast %scan3A_191 : i32 to index
        %swap3A_198 = arith.constant 0 : index
        %swap3A_199 = tpu.vector_load %arg10[%swap3A, %swap3A_198] {strides = array<i32>} : memref<80x128xf32, #tpu.memory_space<vmem>>, vector<16xf32>,
        tpu.vector_store %arg10[%swap3A, %swap3A_198], %add3A_197 {strides = array<i32>} : memref<80x128xf32, #tpu.memory_space<vmem>>, vector<16xf32>,
        %get3A_200 = arith.index_cast %scan3A_191 : i32 to index
        %get3A_201 = arith.constant 16 : index
        %get3A_202 = tpu.vector_load %arg10[%get3A_200, %get3A_201] {strides = array<i32>} : memref<80x128xf32, #tpu.memory_space<vmem>>, vector<16xf32>,
        %get3A_203 = arith.index_cast %scan3A_191 : i32 to index
        %get3A_204 = arith.constant 16 : index
        %get3A_205 = tpu.vector_load %arg11[%get3A_203, %get3A_204] {strides = array<i32>} : memref<80x128xf32, #tpu.memory_space<vmem>>, vector<16xf32>,
        %add3A_206 = arith.addf %get3A_202, %get3A_205 : vector<16xf32>
        %swap3A_207 = arith.index_cast %scan3A_191 : i32 to index
        %swap3A_208 = arith.constant 16 : index
        %swap3A_209 = tpu.vector_load %arg10[%swap3A_207, %swap3A_208] {strides = array<i32>} : memref<80x128xf32, #tpu.memory_space<vmem>>, vector<16xf32>,
        tpu.vector_store %arg10[%swap3A_207, %swap3A_208], %add3A_206 {strides = array<i32>} : memref<80x128xf32, #tpu.memory_space<vmem>>, vector<16xf32>,
        %get3A_210 = arith.index_cast %scan3A_191 : i32 to index
        %get3A_211 = arith.constant 32 : index
        %get3A_212 = tpu.vector_load %arg10[%get3A_210, %get3A_211] {strides = array<i32>} : memref<80x128xf32, #tpu.memory_space<vmem>>, vector<16xf32>,
        %get3A_213 = arith.index_cast %scan3A_191 : i32 to index
        %get3A_214 = arith.constant 32 : index
        %get3A_215 = tpu.vector_load %arg11[%get3A_213, %get3A_214] {strides = array<i32>} : memref<80x128xf32, #tpu.memory_space<vmem>>, vector<16xf32>,
        %add3A_216 = arith.addf %get3A_212, %get3A_215 : vector<16xf32>
        %swap3A_217 = arith.index_cast %scan3A_191 : i32 to index
        %swap3A_218 = arith.constant 32 : index
        %swap3A_219 = tpu.vector_load %arg10[%swap3A_217, %swap3A_218] {strides = array<i32>} : memref<80x128xf32, #tpu.memory_space<vmem>>, vector<16xf32>,
        tpu.vector_store %arg10[%swap3A_217, %swap3A_218], %add3A_216 {strides = array<i32>} : memref<80x128xf32, #tpu.memory_space<vmem>>, vector<16xf32>,
        %get3A_220 = arith.index_cast %scan3A_191 : i32 to index
        %get3A_221 = arith.constant 48 : index
        %get3A_222 = tpu.vector_load %arg10[%get3A_220, %get3A_221] {strides = array<i32>} : memref<80x128xf32, #tpu.memory_space<vmem>>, vector<16xf32>,
        %get3A_223 = arith.index_cast %scan3A_191 : i32 to index
        %get3A_224 = arith.constant 48 : index
        %get3A_225 = tpu.vector_load %arg11[%get3A_223, %get3A_224] {strides = array<i32>} : memref<80x128xf32, #tpu.memory_space<vmem>>, vector<16xf32>,
        %add3A_226 = arith.addf %get3A_222, %get3A_225 : vector<16xf32>
        %swap3A_227 = arith.index_cast %scan3A_191 : i32 to index
        %swap3A_228 = arith.constant 48 : index
        %swap3A_229 = tpu.vector_load %arg10[%swap3A_227, %swap3A_228] {strides = array<i32>} : memref<80x128xf32, #tpu.memory_space<vmem>>, vector<16xf32>,
        tpu.vector_store %arg10[%swap3A_227, %swap3A_228], %add3A_226 {strides = array<i32>} : memref<80x128xf32, #tpu.memory_space<vmem>>, vector<16xf32>,
        %get3A_230 = arith.index_cast %scan3A_191 : i32 to index
        %get3A_231 = arith.constant 64 : index
        %get3A_232 = tpu.vector_load %arg10[%get3A_230, %get3A_231] {strides = array<i32>} : memref<80x128xf32, #tpu.memory_space<vmem>>, vector<16xf32>,
        %get3A_233 = arith.index_cast %scan3A_191 : i32 to index
        %get3A_234 = arith.constant 64 : index
        %get3A_235 = tpu.vector_load %arg11[%get3A_233, %get3A_234] {strides = array<i32>} : memref<80x128xf32, #tpu.memory_space<vmem>>, vector<16xf32>,
        %add3A_236 = arith.addf %get3A_232, %get3A_235 : vector<16xf32>
        %swap3A_237 = arith.index_cast %scan3A_191 : i32 to index
        %swap3A_238 = arith.constant 64 : index
        %swap3A_239 = tpu.vector_load %arg10[%swap3A_237, %swap3A_238] {strides = array<i32>} : memref<80x128xf32, #tpu.memory_space<vmem>>, vector<16xf32>,
        tpu.vector_store %arg10[%swap3A_237, %swap3A_238], %add3A_236 {strides = array<i32>} : memref<80x128xf32, #tpu.memory_space<vmem>>, vector<16xf32>,
        %get3A_240 = arith.index_cast %scan3A_191 : i32 to index
        %get3A_241 = arith.constant 80 : index
        %get3A_242 = tpu.vector_load %arg10[%get3A_240, %get3A_241] {strides = array<i32>} : memref<80x128xf32, #tpu.memory_space<vmem>>, vector<16xf32>,
        %get3A_243 = arith.index_cast %scan3A_191 : i32 to index
        %get3A_244 = arith.constant 80 : index
        %get3A_245 = tpu.vector_load %arg11[%get3A_243, %get3A_244] {strides = array<i32>} : memref<80x128xf32, #tpu.memory_space<vmem>>, vector<16xf32>,
        %add3A_246 = arith.addf %get3A_242, %get3A_245 : vector<16xf32>
        %swap3A_247 = arith.index_cast %scan3A_191 : i32 to index
        %swap3A_248 = arith.constant 80 : index
        %swap3A_249 = tpu.vector_load %arg10[%swap3A_247, %swap3A_248] {strides = array<i32>} : memref<80x128xf32, #tpu.memory_space<vmem>>, vector<16xf32>,
        tpu.vector_store %arg10[%swap3A_247, %swap3A_248], %add3A_246 {strides = array<i32>} : memref<80x128xf32, #tpu.memory_space<vmem>>, vector<16xf32>,
        %get3A_250 = arith.index_cast %scan3A_191 : i32 to index
        %get3A_251 = arith.constant 96 : index
        %get3A_252 = tpu.vector_load %arg10[%get3A_250, %get3A_251] {strides = array<i32>} : memref<80x128xf32, #tpu.memory_space<vmem>>, vector<16xf32>,
        %get3A_253 = arith.index_cast %scan3A_191 : i32 to index
        %get3A_254 = arith.constant 96 : index
        %get3A_255 = tpu.vector_load %arg11[%get3A_253, %get3A_254] {strides = array<i32>} : memref<80x128xf32, #tpu.memory_space<vmem>>, vector<16xf32>,
        %add3A_256 = arith.addf %get3A_252, %get3A_255 : vector<16xf32>
        %swap3A_257 = arith.index_cast %scan3A_191 : i32 to index
        %swap3A_258 = arith.constant 96 : index
        %swap3A_259 = tpu.vector_load %arg10[%swap3A_257, %swap3A_258] {strides = array<i32>} : memref<80x128xf32, #tpu.memory_space<vmem>>, vector<16xf32>,
        tpu.vector_store %arg10[%swap3A_257, %swap3A_258], %add3A_256 {strides = array<i32>} : memref<80x128xf32, #tpu.memory_space<vmem>>, vector<16xf32>,
        %get3A_260 = arith.index_cast %scan3A_191 : i32 to index
        %get3A_261 = arith.constant 112 : index
        %get3A_262 = tpu.vector_load %arg10[%get3A_260, %get3A_261] {strides = array<i32>} : memref<80x128xf32, #tpu.memory_space<vmem>>, vector<16xf32>,
        %get3A_263 = arith.index_cast %scan3A_191 : i32 to index
        %get3A_264 = arith.constant 112 : index
        %get3A_265 = tpu.vector_load %arg11[%get3A_263, %get3A_264] {strides = array<i32>} : memref<80x128xf32, #tpu.memory_space<vmem>>, vector<16xf32>,
        %add3A_266 = arith.addf %get3A_262, %get3A_265 : vector<16xf32>
        %swap3A_267 = arith.index_cast %scan3A_191 : i32 to index
        %swap3A_268 = arith.constant 112 : index
        %swap3A_269 = tpu.vector_load %arg10[%swap3A_267, %swap3A_268] {strides = array<i32>} : memref<80x128xf32, #tpu.memory_space<vmem>>, vector<16xf32>,
        tpu.vector_store %arg10[%swap3A_267, %swap3A_268], %add3A_266 {strides = array<i32>} : memref<80x128xf32, #tpu.memory_space<vmem>>, vector<16xf32>,
      }
      %scan3A_113 = arith.constant 80 : i32
      %mul3A_114 = arith.constant 80 : i32
      %mul3A_115 = arith.muli %mul3A_95, %mul3A_114 : i32
      %add3A_116 = arith.addi %mul3A_2, %mul3A_115 : i32
      %dma_start3A_117 = arith.constant 0 : i32
      %dma_start3A_118 = tpu.memref_slice %arg6[%add3A_116, %dma_start3A_117] : memref<320000x128xf32, #tpu.memory_space<hbm>> -> memref<80x128xf32, #tpu.memory_space<hbm>>
      %dma_start3A_119 = arith.constant 0 : i32
      %dma_start3A_120 = tpu.memref_slice %arg6[%add3A_116, %dma_start3A_119] : memref<320000x128xf32, #tpu.memory_space<hbm>> -> memref<80x128xf32, #tpu.memory_space<hbm>>
      tpu.enqueue_dma source(%arg10 : memref<80x128xf32, #tpu.memory_space<vmem>>) target(%dma_start3A_120 : memref<80x128xf32, #tpu.memory_space<hbm>>) target_semaphore(%arg21 : memref<!tpu.dma_semaphore, #tpu.memory_space<semaphore_mem>>)
      %mul3A_121 = arith.constant 80 : i32
      %mul3A_122 = arith.muli %mul3A_95, %mul3A_121 : i32
      %add3A_123 = arith.addi %mul3A_2, %mul3A_122 : i32
      %dma_start3A_124 = arith.constant 0 : i32
      %dma_start3A_125 = tpu.memref_slice %arg7[%add3A_123, %dma_start3A_124] : memref<320000x16xf32, #tpu.memory_space<hbm>> -> memref<80x16xf32, #tpu.memory_space<hbm>>
      %dma_start3A_126 = arith.constant 0 : i32
      %dma_start3A_127 = tpu.memref_slice %arg7[%add3A_123, %dma_start3A_126] : memref<320000x16xf32, #tpu.memory_space<hbm>> -> memref<80x16xf32, #tpu.memory_space<hbm>>
      tpu.enqueue_dma source(%arg12 : memref<80x16xf32, #tpu.memory_space<vmem>>) target(%dma_start3A_127 : memref<80x16xf32, #tpu.memory_space<hbm>>) target_semaphore(%arg21 : memref<!tpu.dma_semaphore, #tpu.memory_space<semaphore_mem>>)
      %dma_wait3A_128 = arith.constant 0 : i32
      %dma_wait3A_129 = tpu.memref_slice %arg6[%add3A_116, %dma_wait3A_128] : memref<320000x128xf32, #tpu.memory_space<hbm>> -> memref<80x128xf32, #tpu.memory_space<hbm>>
      %dma_wait3A_130 = arith.constant 0 : i32
      %dma_wait3A_131 = tpu.memref_slice %arg6[%add3A_116, %dma_wait3A_130] : memref<320000x128xf32, #tpu.memory_space<hbm>> -> memref<80x128xf32, #tpu.memory_space<hbm>>
      tpu.wait_dma2 semaphore(%arg21 : memref<!tpu.dma_semaphore, #tpu.memory_space<semaphore_mem>>) src(%arg10 : memref<80x128xf32, #tpu.memory_space<vmem>>) dst(%dma_wait3A_131 : memref<80x128xf32, #tpu.memory_space<hbm>>)
      %dma_wait3A_132 = arith.constant 0 : i32
      %dma_wait3A_133 = tpu.memref_slice %arg7[%add3A_123, %dma_wait3A_132] : memref<320000x16xf32, #tpu.memory_space<hbm>> -> memref<80x16xf32, #tpu.memory_space<hbm>>
      %dma_wait3A_134 = arith.constant 0 : i32
      %dma_wait3A_135 = tpu.memref_slice %arg7[%add3A_123, %dma_wait3A_134] : memref<320000x16xf32, #tpu.memory_space<hbm>> -> memref<80x16xf32, #tpu.memory_space<hbm>>
      tpu.wait_dma2 semaphore(%arg21 : memref<!tpu.dma_semaphore, #tpu.memory_space<semaphore_mem>>) src(%arg12 : memref<80x16xf32, #tpu.memory_space<vmem>>) dst(%dma_wait3A_135 : memref<80x16xf32, #tpu.memory_space<hbm>>)
      %mul3A_136 = arith.constant 80 : i32
      %mul3A_137 = arith.muli %add3A_78, %mul3A_136 : i32
      %add3A_138 = arith.addi %mul3A_2, %mul3A_137 : i32
      "tpu.region"() ({
        %run_scoped3A = tpu.sem_alloc : memref<!tpu.dma_semaphore, #tpu.memory_space<semaphore_mem>>
        %dma_start3A_191 = tpu.memref_slice %arg5[%add3A_138] : memref<320000xi32, #tpu.memory_space<hbm>> -> memref<80xi32, #tpu.memory_space<hbm>>
        %dma_start3A_192 = tpu.memref_slice %arg5[%add3A_138] : memref<320000xi32, #tpu.memory_space<hbm>> -> memref<80xi32, #tpu.memory_space<hbm>>
        tpu.enqueue_dma source(%dma_start3A_192 : memref<80xi32, #tpu.memory_space<hbm>>) target(%arg13 : memref<80xi32, #tpu.memory_space<vmem>>) target_semaphore(%run_scoped3A : memref<!tpu.dma_semaphore, #tpu.memory_space<semaphore_mem>>)
        %dma_wait3A_193 = tpu.memref_slice %arg5[%add3A_138] : memref<320000xi32, #tpu.memory_space<hbm>> -> memref<80xi32, #tpu.memory_space<hbm>>
        %dma_wait3A_194 = tpu.memref_slice %arg5[%add3A_138] : memref<320000xi32, #tpu.memory_space<hbm>> -> memref<80xi32, #tpu.memory_space<hbm>>
        tpu.wait_dma2 semaphore(%run_scoped3A : memref<!tpu.dma_semaphore, #tpu.memory_space<semaphore_mem>>) src(%dma_wait3A_194 : memref<80xi32, #tpu.memory_space<hbm>>) dst(%arg13 : memref<80xi32, #tpu.memory_space<vmem>>)
        tpu.yield
      }) : () -> ()
      %scan3A_139 = arith.constant 0 : i32
      %scan3A_140 = arith.constant 0 : i32
      %scan3A_141 = arith.constant 5 : i32
      %scan3A_142 = arith.addi %scan3A_140, %scan3A_141 : i32
      %scan3A_143 = arith.constant 1 : i32
      scf.for %scan3A_191 = %scan3A_140 to %scan3A_142 step %scan3A_143  : i32 {
        %mul3A_192 = arith.constant 16 : i32
        %mul3A_193 = arith.muli %scan3A_191, %mul3A_192 : i32
        %get3A = arith.index_cast %mul3A_193 : i32 to index
        %get3A_194 = tpu.vector_load %arg13[%get3A] {strides = array<i32>} : memref<80xi32, #tpu.memory_space<vmem>>, vector<16xi32>,
        %shift_right_logical3A = arith.constant 14 : i32
        %shift_right_logical3A_195 = vector.broadcast %shift_right_logical3A : i32 to vector<16xi32>
        %shift_right_logical3A_196 = arith.shrui %get3A_194, %shift_right_logical3A_195 : vector<16xi32>
        %mul3A_197 = arith.constant 16 : i32
        %mul3A_198 = arith.muli %scan3A_191, %mul3A_197 : i32
        %swap3A = arith.index_cast %mul3A_198 : i32 to index
        %swap3A_199 = tpu.vector_load %arg8[%swap3A] {strides = array<i32>} : memref<80xi32, #tpu.memory_space<vmem>>, vector<16xi32>,
        tpu.vector_store %arg8[%swap3A], %shift_right_logical3A_196 {strides = array<i32>} : memref<80xi32, #tpu.memory_space<vmem>>, vector<16xi32>,
        %and3A = arith.constant 16383 : i32
        %and3A_200 = vector.broadcast %and3A : i32 to vector<16xi32>
        %and3A_201 = arith.andi %get3A_194, %and3A_200 : vector<16xi32>
        %mul3A_202 = arith.constant 16 : i32
        %mul3A_203 = arith.muli %scan3A_191, %mul3A_202 : i32
        %swap3A_204 = arith.index_cast %mul3A_203 : i32 to index
        %swap3A_205 = tpu.vector_load %arg9[%swap3A_204] {strides = array<i32>} : memref<80xi32, #tpu.memory_space<vmem>>, vector<16xi32>,
        tpu.vector_store %arg9[%swap3A_204], %and3A_201 {strides = array<i32>} : memref<80xi32, #tpu.memory_space<vmem>>, vector<16xi32>,
      }
      %scan3A_144 = arith.constant 5 : i32
      %dma_start3A_145 = arith.constant 0 : i32
      %dma_start3A_146 = arith.constant 0 : i32
      %dma_start3A_147 = tpu.memref_slice %arg2[%dma_start3A_145, %dma_start3A_146] : memref<10000x128xf32, #tpu.memory_space<hbm>> -> memref<10000x128xf32, #tpu.memory_space<hbm>>
      tpu.enqueue_indirect_dma source(%dma_start3A_147 : memref<10000x128xf32, #tpu.memory_space<hbm>>) target(%arg10 : memref<80x128xf32, #tpu.memory_space<vmem>>) offsets(%arg8 : memref<80xi32, #tpu.memory_space<vmem>>) semaphore(%arg21 : memref<!tpu.dma_semaphore, #tpu.memory_space<semaphore_mem>>)
      %dma_start3A_148 = arith.constant 0 : i32
      %dma_start3A_149 = arith.constant 0 : i32
      %dma_start3A_150 = tpu.memref_slice %arg3[%dma_start3A_148, %dma_start3A_149] : memref<10000x128xf32, #tpu.memory_space<hbm>> -> memref<10000x128xf32, #tpu.memory_space<hbm>>
      tpu.enqueue_indirect_dma source(%dma_start3A_150 : memref<10000x128xf32, #tpu.memory_space<hbm>>) target(%arg11 : memref<80x128xf32, #tpu.memory_space<vmem>>) offsets(%arg9 : memref<80xi32, #tpu.memory_space<vmem>>) semaphore(%arg21 : memref<!tpu.dma_semaphore, #tpu.memory_space<semaphore_mem>>)
      %scan3A_151 = arith.constant 0 : i32
      %scan3A_152 = arith.constant 0 : i32
      %scan3A_153 = arith.constant 5 : i32
      %scan3A_154 = arith.addi %scan3A_152, %scan3A_153 : i32
      %scan3A_155 = arith.constant 1 : i32
      scf.for %scan3A_191 = %scan3A_152 to %scan3A_154 step %scan3A_155  : i32 {
        %mul3A_192 = arith.constant 16 : i32
        %mul3A_193 = arith.muli %scan3A_191, %mul3A_192 : i32
        %get3A = arith.index_cast %mul3A_193 : i32 to index
        %get3A_194 = tpu.vector_load %arg14[%get3A] {strides = array<i32>} : memref<80xi32, #tpu.memory_space<vmem>>, vector<16xi32>,
        %mul3A_195 = arith.constant 4 : i32
        %mul3A_196 = vector.broadcast %mul3A_195 : i32 to vector<16xi32>
        %mul3A_197 = arith.muli %get3A_194, %mul3A_196 : vector<16xi32>
        %mul3A_198 = arith.constant 16 : i32
        %mul3A_199 = arith.muli %scan3A_191, %mul3A_198 : i32
        %get3A_200 = arith.index_cast %mul3A_199 : i32 to index
        %get3A_201 = tpu.vector_load %arg15[%get3A_200] {strides = array<i32>} : memref<80xi32, #tpu.memory_space<vmem>>, vector<16xi32>,
        %mul3A_202 = arith.constant 4 : i32
        %mul3A_203 = vector.broadcast %mul3A_202 : i32 to vector<16xi32>
        %mul3A_204 = arith.muli %get3A_201, %mul3A_203 : vector<16xi32>
        %mul3A_205 = arith.constant 16 : i32
        %mul3A_206 = arith.muli %scan3A_191, %mul3A_205 : i32
        %add3A_207 = vector.broadcast %mul3A_206 : i32 to vector<16xi32>
        %add3A_208 = arith.addi %iota3A, %add3A_207 : vector<16xi32>
        %broadcast_in_dim3A = arith.constant 0 : i32
        %broadcast_in_dim3A_209 = vector.broadcast %broadcast_in_dim3A : i32 to vector<16xi32>
        %add3A_210 = arith.constant 0 : i32
        %add3A_211 = vector.broadcast %add3A_210 : i32 to vector<16xi32>
        %add3A_212 = arith.addi %mul3A_197, %add3A_211 : vector<16xi32>
        %gather3A = tpu.vector_load_idx %arg20[%add3A_212] : memref<40000xf32, #tpu.memory_space<vmem>>[vector<16xi32>], vector<16xf32>,
        %add3A_213 = arith.constant 0 : i32
        %add3A_214 = vector.broadcast %add3A_213 : i32 to vector<16xi32>
        %add3A_215 = arith.addi %mul3A_204, %add3A_214 : vector<16xi32>
        %gather3A_216 = tpu.vector_load_idx %arg20[%add3A_215] : memref<40000xf32, #tpu.memory_space<vmem>>[vector<16xi32>], vector<16xf32>,
        %sub3A = arith.subf %gather3A, %gather3A_216 : vector<16xf32>
        tpu.vector_store_idx %arg18[%add3A_208, %broadcast_in_dim3A_209], %sub3A : memref<80x16xf32, #tpu.memory_space<vmem>>[vector<16xi32>, vector<16xi32>], vector<16xf32>,
        %broadcast_in_dim3A_217 = arith.constant 1 : i32
        %broadcast_in_dim3A_218 = vector.broadcast %broadcast_in_dim3A_217 : i32 to vector<16xi32>
        %add3A_219 = arith.constant 1 : i32
        %add3A_220 = vector.broadcast %add3A_219 : i32 to vector<16xi32>
        %add3A_221 = arith.addi %mul3A_197, %add3A_220 : vector<16xi32>
        %gather3A_222 = tpu.vector_load_idx %arg20[%add3A_221] : memref<40000xf32, #tpu.memory_space<vmem>>[vector<16xi32>], vector<16xf32>,
        %add3A_223 = arith.constant 1 : i32
        %add3A_224 = vector.broadcast %add3A_223 : i32 to vector<16xi32>
        %add3A_225 = arith.addi %mul3A_204, %add3A_224 : vector<16xi32>
        %gather3A_226 = tpu.vector_load_idx %arg20[%add3A_225] : memref<40000xf32, #tpu.memory_space<vmem>>[vector<16xi32>], vector<16xf32>,
        %sub3A_227 = arith.subf %gather3A_222, %gather3A_226 : vector<16xf32>
        tpu.vector_store_idx %arg18[%add3A_208, %broadcast_in_dim3A_218], %sub3A_227 : memref<80x16xf32, #tpu.memory_space<vmem>>[vector<16xi32>, vector<16xi32>], vector<16xf32>,
        %broadcast_in_dim3A_228 = arith.constant 2 : i32
        %broadcast_in_dim3A_229 = vector.broadcast %broadcast_in_dim3A_228 : i32 to vector<16xi32>
        %add3A_230 = arith.constant 2 : i32
        %add3A_231 = vector.broadcast %add3A_230 : i32 to vector<16xi32>
        %add3A_232 = arith.addi %mul3A_197, %add3A_231 : vector<16xi32>
        %gather3A_233 = tpu.vector_load_idx %arg20[%add3A_232] : memref<40000xf32, #tpu.memory_space<vmem>>[vector<16xi32>], vector<16xf32>,
        %add3A_234 = arith.constant 2 : i32
        %add3A_235 = vector.broadcast %add3A_234 : i32 to vector<16xi32>
        %add3A_236 = arith.addi %mul3A_204, %add3A_235 : vector<16xi32>
        %gather3A_237 = tpu.vector_load_idx %arg20[%add3A_236] : memref<40000xf32, #tpu.memory_space<vmem>>[vector<16xi32>], vector<16xf32>,
        %sub3A_238 = arith.subf %gather3A_233, %gather3A_237 : vector<16xf32>
        tpu.vector_store_idx %arg18[%add3A_208, %broadcast_in_dim3A_229], %sub3A_238 : memref<80x16xf32, #tpu.memory_space<vmem>>[vector<16xi32>, vector<16xi32>], vector<16xf32>,
        %and3A = arith.constant 15 : i32
        %and3A_239 = vector.broadcast %and3A : i32 to vector<16xi32>
        %and3A_240 = arith.andi %get3A_194, %and3A_239 : vector<16xi32>
        %mul3A_241 = arith.constant 8 : i32
        %mul3A_242 = vector.broadcast %mul3A_241 : i32 to vector<16xi32>
        %mul3A_243 = arith.muli %and3A_240, %mul3A_242 : vector<16xi32>
        %convert_element_type3A = arith.sitofp %mul3A_243 : vector<16xi32> to vector<16xf32>
        %broadcast_in_dim3A_244 = arith.constant 3 : i32
        %broadcast_in_dim3A_245 = vector.broadcast %broadcast_in_dim3A_244 : i32 to vector<16xi32>
        tpu.vector_store_idx %arg18[%add3A_208, %broadcast_in_dim3A_245], %convert_element_type3A : memref<80x16xf32, #tpu.memory_space<vmem>>[vector<16xi32>, vector<16xi32>], vector<16xf32>,
      }
      %scan3A_156 = arith.constant 5 : i32
      %dma_wait3A_157 = arith.constant 0 : i32
      %dma_wait3A_158 = arith.constant 0 : i32
      %dma_wait3A_159 = tpu.memref_slice %arg2[%dma_wait3A_157, %dma_wait3A_158] : memref<10000x128xf32, #tpu.memory_space<hbm>> -> memref<10000x128xf32, #tpu.memory_space<hbm>>
      tpu.wait_indirect_dma semaphore(%arg22 : memref<!tpu.dma_semaphore, #tpu.memory_space<semaphore_mem>>) src(%dma_wait3A_159 : memref<10000x128xf32, #tpu.memory_space<hbm>>) dst(%arg16 : memref<80x128xf32, #tpu.memory_space<vmem>>)
      %dma_wait3A_160 = arith.constant 0 : i32
      %dma_wait3A_161 = arith.constant 0 : i32
      %dma_wait3A_162 = tpu.memref_slice %arg3[%dma_wait3A_160, %dma_wait3A_161] : memref<10000x128xf32, #tpu.memory_space<hbm>> -> memref<10000x128xf32, #tpu.memory_space<hbm>>
      tpu.wait_indirect_dma semaphore(%arg22 : memref<!tpu.dma_semaphore, #tpu.memory_space<semaphore_mem>>) src(%dma_wait3A_162 : memref<10000x128xf32, #tpu.memory_space<hbm>>) dst(%arg17 : memref<80x128xf32, #tpu.memory_space<vmem>>)
      %scan3A_163 = arith.constant 0 : i32
      %scan3A_164 = arith.constant 0 : i32
      %scan3A_165 = arith.constant 80 : i32
      %scan3A_166 = arith.addi %scan3A_164, %scan3A_165 : i32
      %scan3A_167 = arith.constant 1 : i32
      scf.for %scan3A_191 = %scan3A_164 to %scan3A_166 step %scan3A_167  : i32 {
        %get3A = arith.index_cast %scan3A_191 : i32 to index
        %get3A_192 = arith.constant 0 : index
        %get3A_193 = tpu.vector_load %arg16[%get3A, %get3A_192] {strides = array<i32>} : memref<80x128xf32, #tpu.memory_space<vmem>>, vector<16xf32>,
        %get3A_194 = arith.index_cast %scan3A_191 : i32 to index
        %get3A_195 = arith.constant 0 : index
        %get3A_196 = tpu.vector_load %arg17[%get3A_194, %get3A_195] {strides = array<i32>} : memref<80x128xf32, #tpu.memory_space<vmem>>, vector<16xf32>,
        %add3A_197 = arith.addf %get3A_193, %get3A_196 : vector<16xf32>
        %swap3A = arith.index_cast %scan3A_191 : i32 to index
        %swap3A_198 = arith.constant 0 : index
        %swap3A_199 = tpu.vector_load %arg16[%swap3A, %swap3A_198] {strides = array<i32>} : memref<80x128xf32, #tpu.memory_space<vmem>>, vector<16xf32>,
        tpu.vector_store %arg16[%swap3A, %swap3A_198], %add3A_197 {strides = array<i32>} : memref<80x128xf32, #tpu.memory_space<vmem>>, vector<16xf32>,
        %get3A_200 = arith.index_cast %scan3A_191 : i32 to index
        %get3A_201 = arith.constant 16 : index
        %get3A_202 = tpu.vector_load %arg16[%get3A_200, %get3A_201] {strides = array<i32>} : memref<80x128xf32, #tpu.memory_space<vmem>>, vector<16xf32>,
        %get3A_203 = arith.index_cast %scan3A_191 : i32 to index
        %get3A_204 = arith.constant 16 : index
        %get3A_205 = tpu.vector_load %arg17[%get3A_203, %get3A_204] {strides = array<i32>} : memref<80x128xf32, #tpu.memory_space<vmem>>, vector<16xf32>,
        %add3A_206 = arith.addf %get3A_202, %get3A_205 : vector<16xf32>
        %swap3A_207 = arith.index_cast %scan3A_191 : i32 to index
        %swap3A_208 = arith.constant 16 : index
        %swap3A_209 = tpu.vector_load %arg16[%swap3A_207, %swap3A_208] {strides = array<i32>} : memref<80x128xf32, #tpu.memory_space<vmem>>, vector<16xf32>,
        tpu.vector_store %arg16[%swap3A_207, %swap3A_208], %add3A_206 {strides = array<i32>} : memref<80x128xf32, #tpu.memory_space<vmem>>, vector<16xf32>,
        %get3A_210 = arith.index_cast %scan3A_191 : i32 to index
        %get3A_211 = arith.constant 32 : index
        %get3A_212 = tpu.vector_load %arg16[%get3A_210, %get3A_211] {strides = array<i32>} : memref<80x128xf32, #tpu.memory_space<vmem>>, vector<16xf32>,
        %get3A_213 = arith.index_cast %scan3A_191 : i32 to index
        %get3A_214 = arith.constant 32 : index
        %get3A_215 = tpu.vector_load %arg17[%get3A_213, %get3A_214] {strides = array<i32>} : memref<80x128xf32, #tpu.memory_space<vmem>>, vector<16xf32>,
        %add3A_216 = arith.addf %get3A_212, %get3A_215 : vector<16xf32>
        %swap3A_217 = arith.index_cast %scan3A_191 : i32 to index
        %swap3A_218 = arith.constant 32 : index
        %swap3A_219 = tpu.vector_load %arg16[%swap3A_217, %swap3A_218] {strides = array<i32>} : memref<80x128xf32, #tpu.memory_space<vmem>>, vector<16xf32>,
        tpu.vector_store %arg16[%swap3A_217, %swap3A_218], %add3A_216 {strides = array<i32>} : memref<80x128xf32, #tpu.memory_space<vmem>>, vector<16xf32>,
        %get3A_220 = arith.index_cast %scan3A_191 : i32 to index
        %get3A_221 = arith.constant 48 : index
        %get3A_222 = tpu.vector_load %arg16[%get3A_220, %get3A_221] {strides = array<i32>} : memref<80x128xf32, #tpu.memory_space<vmem>>, vector<16xf32>,
        %get3A_223 = arith.index_cast %scan3A_191 : i32 to index
        %get3A_224 = arith.constant 48 : index
        %get3A_225 = tpu.vector_load %arg17[%get3A_223, %get3A_224] {strides = array<i32>} : memref<80x128xf32, #tpu.memory_space<vmem>>, vector<16xf32>,
        %add3A_226 = arith.addf %get3A_222, %get3A_225 : vector<16xf32>
        %swap3A_227 = arith.index_cast %scan3A_191 : i32 to index
        %swap3A_228 = arith.constant 48 : index
        %swap3A_229 = tpu.vector_load %arg16[%swap3A_227, %swap3A_228] {strides = array<i32>} : memref<80x128xf32, #tpu.memory_space<vmem>>, vector<16xf32>,
        tpu.vector_store %arg16[%swap3A_227, %swap3A_228], %add3A_226 {strides = array<i32>} : memref<80x128xf32, #tpu.memory_space<vmem>>, vector<16xf32>,
        %get3A_230 = arith.index_cast %scan3A_191 : i32 to index
        %get3A_231 = arith.constant 64 : index
        %get3A_232 = tpu.vector_load %arg16[%get3A_230, %get3A_231] {strides = array<i32>} : memref<80x128xf32, #tpu.memory_space<vmem>>, vector<16xf32>,
        %get3A_233 = arith.index_cast %scan3A_191 : i32 to index
        %get3A_234 = arith.constant 64 : index
        %get3A_235 = tpu.vector_load %arg17[%get3A_233, %get3A_234] {strides = array<i32>} : memref<80x128xf32, #tpu.memory_space<vmem>>, vector<16xf32>,
        %add3A_236 = arith.addf %get3A_232, %get3A_235 : vector<16xf32>
        %swap3A_237 = arith.index_cast %scan3A_191 : i32 to index
        %swap3A_238 = arith.constant 64 : index
        %swap3A_239 = tpu.vector_load %arg16[%swap3A_237, %swap3A_238] {strides = array<i32>} : memref<80x128xf32, #tpu.memory_space<vmem>>, vector<16xf32>,
        tpu.vector_store %arg16[%swap3A_237, %swap3A_238], %add3A_236 {strides = array<i32>} : memref<80x128xf32, #tpu.memory_space<vmem>>, vector<16xf32>,
        %get3A_240 = arith.index_cast %scan3A_191 : i32 to index
        %get3A_241 = arith.constant 80 : index
        %get3A_242 = tpu.vector_load %arg16[%get3A_240, %get3A_241] {strides = array<i32>} : memref<80x128xf32, #tpu.memory_space<vmem>>, vector<16xf32>,
        %get3A_243 = arith.index_cast %scan3A_191 : i32 to index
        %get3A_244 = arith.constant 80 : index
        %get3A_245 = tpu.vector_load %arg17[%get3A_243, %get3A_244] {strides = array<i32>} : memref<80x128xf32, #tpu.memory_space<vmem>>, vector<16xf32>,
        %add3A_246 = arith.addf %get3A_242, %get3A_245 : vector<16xf32>
        %swap3A_247 = arith.index_cast %scan3A_191 : i32 to index
        %swap3A_248 = arith.constant 80 : index
        %swap3A_249 = tpu.vector_load %arg16[%swap3A_247, %swap3A_248] {strides = array<i32>} : memref<80x128xf32, #tpu.memory_space<vmem>>, vector<16xf32>,
        tpu.vector_store %arg16[%swap3A_247, %swap3A_248], %add3A_246 {strides = array<i32>} : memref<80x128xf32, #tpu.memory_space<vmem>>, vector<16xf32>,
        %get3A_250 = arith.index_cast %scan3A_191 : i32 to index
        %get3A_251 = arith.constant 96 : index
        %get3A_252 = tpu.vector_load %arg16[%get3A_250, %get3A_251] {strides = array<i32>} : memref<80x128xf32, #tpu.memory_space<vmem>>, vector<16xf32>,
        %get3A_253 = arith.index_cast %scan3A_191 : i32 to index
        %get3A_254 = arith.constant 96 : index
        %get3A_255 = tpu.vector_load %arg17[%get3A_253, %get3A_254] {strides = array<i32>} : memref<80x128xf32, #tpu.memory_space<vmem>>, vector<16xf32>,
        %add3A_256 = arith.addf %get3A_252, %get3A_255 : vector<16xf32>
        %swap3A_257 = arith.index_cast %scan3A_191 : i32 to index
        %swap3A_258 = arith.constant 96 : index
        %swap3A_259 = tpu.vector_load %arg16[%swap3A_257, %swap3A_258] {strides = array<i32>} : memref<80x128xf32, #tpu.memory_space<vmem>>, vector<16xf32>,
        tpu.vector_store %arg16[%swap3A_257, %swap3A_258], %add3A_256 {strides = array<i32>} : memref<80x128xf32, #tpu.memory_space<vmem>>, vector<16xf32>,
        %get3A_260 = arith.index_cast %scan3A_191 : i32 to index
        %get3A_261 = arith.constant 112 : index
        %get3A_262 = tpu.vector_load %arg16[%get3A_260, %get3A_261] {strides = array<i32>} : memref<80x128xf32, #tpu.memory_space<vmem>>, vector<16xf32>,
        %get3A_263 = arith.index_cast %scan3A_191 : i32 to index
        %get3A_264 = arith.constant 112 : index
        %get3A_265 = tpu.vector_load %arg17[%get3A_263, %get3A_264] {strides = array<i32>} : memref<80x128xf32, #tpu.memory_space<vmem>>, vector<16xf32>,
        %add3A_266 = arith.addf %get3A_262, %get3A_265 : vector<16xf32>
        %swap3A_267 = arith.index_cast %scan3A_191 : i32 to index
        %swap3A_268 = arith.constant 112 : index
        %swap3A_269 = tpu.vector_load %arg16[%swap3A_267, %swap3A_268] {strides = array<i32>} : memref<80x128xf32, #tpu.memory_space<vmem>>, vector<16xf32>,
        tpu.vector_store %arg16[%swap3A_267, %swap3A_268], %add3A_266 {strides = array<i32>} : memref<80x128xf32, #tpu.memory_space<vmem>>, vector<16xf32>,
      }
      %scan3A_168 = arith.constant 80 : i32
      %mul3A_169 = arith.constant 80 : i32
      %mul3A_170 = arith.muli %add3A_74, %mul3A_169 : i32
      %add3A_171 = arith.addi %mul3A_2, %mul3A_170 : i32
      %dma_start3A_172 = arith.constant 0 : i32
      %dma_start3A_173 = tpu.memref_slice %arg6[%add3A_171, %dma_start3A_172] : memref<320000x128xf32, #tpu.memory_space<hbm>> -> memref<80x128xf32, #tpu.memory_space<hbm>>
      %dma_start3A_174 = arith.constant 0 : i32
      %dma_start3A_175 = tpu.memref_slice %arg6[%add3A_171, %dma_start3A_174] : memref<320000x128xf32, #tpu.memory_space<hbm>> -> memref<80x128xf32, #tpu.memory_space<hbm>>
      tpu.enqueue_dma source(%arg16 : memref<80x128xf32, #tpu.memory_space<vmem>>) target(%dma_start3A_175 : memref<80x128xf32, #tpu.memory_space<hbm>>) target_semaphore(%arg22 : memref<!tpu.dma_semaphore, #tpu.memory_space<semaphore_mem>>)
      %mul3A_176 = arith.constant 80 : i32
      %mul3A_177 = arith.muli %add3A_74, %mul3A_176 : i32
      %add3A_178 = arith.addi %mul3A_2, %mul3A_177 : i32
      %dma_start3A_179 = arith.constant 0 : i32
      %dma_start3A_180 = tpu.memref_slice %arg7[%add3A_178, %dma_start3A_179] : memref<320000x16xf32, #tpu.memory_space<hbm>> -> memref<80x16xf32, #tpu.memory_space<hbm>>
      %dma_start3A_181 = arith.constant 0 : i32
      %dma_start3A_182 = tpu.memref_slice %arg7[%add3A_178, %dma_start3A_181] : memref<320000x16xf32, #tpu.memory_space<hbm>> -> memref<80x16xf32, #tpu.memory_space<hbm>>
      tpu.enqueue_dma source(%arg18 : memref<80x16xf32, #tpu.memory_space<vmem>>) target(%dma_start3A_182 : memref<80x16xf32, #tpu.memory_space<hbm>>) target_semaphore(%arg22 : memref<!tpu.dma_semaphore, #tpu.memory_space<semaphore_mem>>)
      %dma_wait3A_183 = arith.constant 0 : i32
      %dma_wait3A_184 = tpu.memref_slice %arg6[%add3A_171, %dma_wait3A_183] : memref<320000x128xf32, #tpu.memory_space<hbm>> -> memref<80x128xf32, #tpu.memory_space<hbm>>
      %dma_wait3A_185 = arith.constant 0 : i32
      %dma_wait3A_186 = tpu.memref_slice %arg6[%add3A_171, %dma_wait3A_185] : memref<320000x128xf32, #tpu.memory_space<hbm>> -> memref<80x128xf32, #tpu.memory_space<hbm>>
      tpu.wait_dma2 semaphore(%arg22 : memref<!tpu.dma_semaphore, #tpu.memory_space<semaphore_mem>>) src(%arg16 : memref<80x128xf32, #tpu.memory_space<vmem>>) dst(%dma_wait3A_186 : memref<80x128xf32, #tpu.memory_space<hbm>>)
      %dma_wait3A_187 = arith.constant 0 : i32
      %dma_wait3A_188 = tpu.memref_slice %arg7[%add3A_178, %dma_wait3A_187] : memref<320000x16xf32, #tpu.memory_space<hbm>> -> memref<80x16xf32, #tpu.memory_space<hbm>>
      %dma_wait3A_189 = arith.constant 0 : i32
      %dma_wait3A_190 = tpu.memref_slice %arg7[%add3A_178, %dma_wait3A_189] : memref<320000x16xf32, #tpu.memory_space<hbm>> -> memref<80x16xf32, #tpu.memory_space<hbm>>
      tpu.wait_dma2 semaphore(%arg22 : memref<!tpu.dma_semaphore, #tpu.memory_space<semaphore_mem>>) src(%arg18 : memref<80x16xf32, #tpu.memory_space<vmem>>) dst(%dma_wait3A_190 : memref<80x16xf32, #tpu.memory_space<hbm>>)
    }
    %scan3A_32 = arith.constant 62 : i32
    %scan3A_33 = arith.constant 0 : i32
    %scan3A_34 = arith.constant 0 : i32
    %scan3A_35 = arith.constant 5 : i32
    %scan3A_36 = arith.addi %scan3A_34, %scan3A_35 : i32
    %scan3A_37 = arith.constant 1 : i32
    scf.for %scan3A_70 = %scan3A_34 to %scan3A_36 step %scan3A_37  : i32 {
      %mul3A_71 = arith.constant 16 : i32
      %mul3A_72 = arith.muli %scan3A_70, %mul3A_71 : i32
      %get3A = arith.index_cast %mul3A_72 : i32 to index
      %get3A_73 = tpu.vector_load %arg8[%get3A] {strides = array<i32>} : memref<80xi32, #tpu.memory_space<vmem>>, vector<16xi32>,
      %mul3A_74 = arith.constant 4 : i32
      %mul3A_75 = vector.broadcast %mul3A_74 : i32 to vector<16xi32>
      %mul3A_76 = arith.muli %get3A_73, %mul3A_75 : vector<16xi32>
      %mul3A_77 = arith.constant 16 : i32
      %mul3A_78 = arith.muli %scan3A_70, %mul3A_77 : i32
      %get3A_79 = arith.index_cast %mul3A_78 : i32 to index
      %get3A_80 = tpu.vector_load %arg9[%get3A_79] {strides = array<i32>} : memref<80xi32, #tpu.memory_space<vmem>>, vector<16xi32>,
      %mul3A_81 = arith.constant 4 : i32
      %mul3A_82 = vector.broadcast %mul3A_81 : i32 to vector<16xi32>
      %mul3A_83 = arith.muli %get3A_80, %mul3A_82 : vector<16xi32>
      %mul3A_84 = arith.constant 16 : i32
      %mul3A_85 = arith.muli %scan3A_70, %mul3A_84 : i32
      %add3A_86 = vector.broadcast %mul3A_85 : i32 to vector<16xi32>
      %add3A_87 = arith.addi %iota3A, %add3A_86 : vector<16xi32>
      %broadcast_in_dim3A = arith.constant 0 : i32
      %broadcast_in_dim3A_88 = vector.broadcast %broadcast_in_dim3A : i32 to vector<16xi32>
      %add3A_89 = arith.constant 0 : i32
      %add3A_90 = vector.broadcast %add3A_89 : i32 to vector<16xi32>
      %add3A_91 = arith.addi %mul3A_76, %add3A_90 : vector<16xi32>
      %gather3A = tpu.vector_load_idx %arg20[%add3A_91] : memref<40000xf32, #tpu.memory_space<vmem>>[vector<16xi32>], vector<16xf32>,
      %add3A_92 = arith.constant 0 : i32
      %add3A_93 = vector.broadcast %add3A_92 : i32 to vector<16xi32>
      %add3A_94 = arith.addi %mul3A_83, %add3A_93 : vector<16xi32>
      %gather3A_95 = tpu.vector_load_idx %arg20[%add3A_94] : memref<40000xf32, #tpu.memory_space<vmem>>[vector<16xi32>], vector<16xf32>,
      %sub3A = arith.subf %gather3A, %gather3A_95 : vector<16xf32>
      tpu.vector_store_idx %arg12[%add3A_87, %broadcast_in_dim3A_88], %sub3A : memref<80x16xf32, #tpu.memory_space<vmem>>[vector<16xi32>, vector<16xi32>], vector<16xf32>,
      %broadcast_in_dim3A_96 = arith.constant 1 : i32
      %broadcast_in_dim3A_97 = vector.broadcast %broadcast_in_dim3A_96 : i32 to vector<16xi32>
      %add3A_98 = arith.constant 1 : i32
      %add3A_99 = vector.broadcast %add3A_98 : i32 to vector<16xi32>
      %add3A_100 = arith.addi %mul3A_76, %add3A_99 : vector<16xi32>
      %gather3A_101 = tpu.vector_load_idx %arg20[%add3A_100] : memref<40000xf32, #tpu.memory_space<vmem>>[vector<16xi32>], vector<16xf32>,
      %add3A_102 = arith.constant 1 : i32
      %add3A_103 = vector.broadcast %add3A_102 : i32 to vector<16xi32>
      %add3A_104 = arith.addi %mul3A_83, %add3A_103 : vector<16xi32>
      %gather3A_105 = tpu.vector_load_idx %arg20[%add3A_104] : memref<40000xf32, #tpu.memory_space<vmem>>[vector<16xi32>], vector<16xf32>,
      %sub3A_106 = arith.subf %gather3A_101, %gather3A_105 : vector<16xf32>
      tpu.vector_store_idx %arg12[%add3A_87, %broadcast_in_dim3A_97], %sub3A_106 : memref<80x16xf32, #tpu.memory_space<vmem>>[vector<16xi32>, vector<16xi32>], vector<16xf32>,
      %broadcast_in_dim3A_107 = arith.constant 2 : i32
      %broadcast_in_dim3A_108 = vector.broadcast %broadcast_in_dim3A_107 : i32 to vector<16xi32>
      %add3A_109 = arith.constant 2 : i32
      %add3A_110 = vector.broadcast %add3A_109 : i32 to vector<16xi32>
      %add3A_111 = arith.addi %mul3A_76, %add3A_110 : vector<16xi32>
      %gather3A_112 = tpu.vector_load_idx %arg20[%add3A_111] : memref<40000xf32, #tpu.memory_space<vmem>>[vector<16xi32>], vector<16xf32>,
      %add3A_113 = arith.constant 2 : i32
      %add3A_114 = vector.broadcast %add3A_113 : i32 to vector<16xi32>
      %add3A_115 = arith.addi %mul3A_83, %add3A_114 : vector<16xi32>
      %gather3A_116 = tpu.vector_load_idx %arg20[%add3A_115] : memref<40000xf32, #tpu.memory_space<vmem>>[vector<16xi32>], vector<16xf32>,
      %sub3A_117 = arith.subf %gather3A_112, %gather3A_116 : vector<16xf32>
      tpu.vector_store_idx %arg12[%add3A_87, %broadcast_in_dim3A_108], %sub3A_117 : memref<80x16xf32, #tpu.memory_space<vmem>>[vector<16xi32>, vector<16xi32>], vector<16xf32>,
      %and3A = arith.constant 15 : i32
      %and3A_118 = vector.broadcast %and3A : i32 to vector<16xi32>
      %and3A_119 = arith.andi %get3A_73, %and3A_118 : vector<16xi32>
      %mul3A_120 = arith.constant 8 : i32
      %mul3A_121 = vector.broadcast %mul3A_120 : i32 to vector<16xi32>
      %mul3A_122 = arith.muli %and3A_119, %mul3A_121 : vector<16xi32>
      %convert_element_type3A = arith.sitofp %mul3A_122 : vector<16xi32> to vector<16xf32>
      %broadcast_in_dim3A_123 = arith.constant 3 : i32
      %broadcast_in_dim3A_124 = vector.broadcast %broadcast_in_dim3A_123 : i32 to vector<16xi32>
      tpu.vector_store_idx %arg12[%add3A_87, %broadcast_in_dim3A_124], %convert_element_type3A : memref<80x16xf32, #tpu.memory_space<vmem>>[vector<16xi32>, vector<16xi32>], vector<16xf32>,
    }
    %scan3A_38 = arith.constant 5 : i32
    %dma_wait3A = arith.constant 0 : i32
    %dma_wait3A_39 = arith.constant 0 : i32
    %dma_wait3A_40 = tpu.memref_slice %arg2[%dma_wait3A, %dma_wait3A_39] : memref<10000x128xf32, #tpu.memory_space<hbm>> -> memref<10000x128xf32, #tpu.memory_space<hbm>>
    tpu.wait_indirect_dma semaphore(%arg21 : memref<!tpu.dma_semaphore, #tpu.memory_space<semaphore_mem>>) src(%dma_wait3A_40 : memref<10000x128xf32, #tpu.memory_space<hbm>>) dst(%arg10 : memref<80x128xf32, #tpu.memory_space<vmem>>)
    %dma_wait3A_41 = arith.constant 0 : i32
    %dma_wait3A_42 = arith.constant 0 : i32
    %dma_wait3A_43 = tpu.memref_slice %arg3[%dma_wait3A_41, %dma_wait3A_42] : memref<10000x128xf32, #tpu.memory_space<hbm>> -> memref<10000x128xf32, #tpu.memory_space<hbm>>
    tpu.wait_indirect_dma semaphore(%arg21 : memref<!tpu.dma_semaphore, #tpu.memory_space<semaphore_mem>>) src(%dma_wait3A_43 : memref<10000x128xf32, #tpu.memory_space<hbm>>) dst(%arg11 : memref<80x128xf32, #tpu.memory_space<vmem>>)
    %scan3A_44 = arith.constant 0 : i32
    %scan3A_45 = arith.constant 0 : i32
    %scan3A_46 = arith.constant 80 : i32
    %scan3A_47 = arith.addi %scan3A_45, %scan3A_46 : i32
    %scan3A_48 = arith.constant 1 : i32
    scf.for %scan3A_70 = %scan3A_45 to %scan3A_47 step %scan3A_48  : i32 {
      %get3A = arith.index_cast %scan3A_70 : i32 to index
      %get3A_71 = arith.constant 0 : index
      %get3A_72 = tpu.vector_load %arg10[%get3A, %get3A_71] {strides = array<i32>} : memref<80x128xf32, #tpu.memory_space<vmem>>, vector<16xf32>,
      %get3A_73 = arith.index_cast %scan3A_70 : i32 to index
      %get3A_74 = arith.constant 0 : index
      %get3A_75 = tpu.vector_load %arg11[%get3A_73, %get3A_74] {strides = array<i32>} : memref<80x128xf32, #tpu.memory_space<vmem>>, vector<16xf32>,
      %add3A_76 = arith.addf %get3A_72, %get3A_75 : vector<16xf32>
      %swap3A = arith.index_cast %scan3A_70 : i32 to index
      %swap3A_77 = arith.constant 0 : index
      %swap3A_78 = tpu.vector_load %arg10[%swap3A, %swap3A_77] {strides = array<i32>} : memref<80x128xf32, #tpu.memory_space<vmem>>, vector<16xf32>,
      tpu.vector_store %arg10[%swap3A, %swap3A_77], %add3A_76 {strides = array<i32>} : memref<80x128xf32, #tpu.memory_space<vmem>>, vector<16xf32>,
      %get3A_79 = arith.index_cast %scan3A_70 : i32 to index
      %get3A_80 = arith.constant 16 : index
      %get3A_81 = tpu.vector_load %arg10[%get3A_79, %get3A_80] {strides = array<i32>} : memref<80x128xf32, #tpu.memory_space<vmem>>, vector<16xf32>,
      %get3A_82 = arith.index_cast %scan3A_70 : i32 to index
      %get3A_83 = arith.constant 16 : index
      %get3A_84 = tpu.vector_load %arg11[%get3A_82, %get3A_83] {strides = array<i32>} : memref<80x128xf32, #tpu.memory_space<vmem>>, vector<16xf32>,
      %add3A_85 = arith.addf %get3A_81, %get3A_84 : vector<16xf32>
      %swap3A_86 = arith.index_cast %scan3A_70 : i32 to index
      %swap3A_87 = arith.constant 16 : index
      %swap3A_88 = tpu.vector_load %arg10[%swap3A_86, %swap3A_87] {strides = array<i32>} : memref<80x128xf32, #tpu.memory_space<vmem>>, vector<16xf32>,
      tpu.vector_store %arg10[%swap3A_86, %swap3A_87], %add3A_85 {strides = array<i32>} : memref<80x128xf32, #tpu.memory_space<vmem>>, vector<16xf32>,
      %get3A_89 = arith.index_cast %scan3A_70 : i32 to index
      %get3A_90 = arith.constant 32 : index
      %get3A_91 = tpu.vector_load %arg10[%get3A_89, %get3A_90] {strides = array<i32>} : memref<80x128xf32, #tpu.memory_space<vmem>>, vector<16xf32>,
      %get3A_92 = arith.index_cast %scan3A_70 : i32 to index
      %get3A_93 = arith.constant 32 : index
      %get3A_94 = tpu.vector_load %arg11[%get3A_92, %get3A_93] {strides = array<i32>} : memref<80x128xf32, #tpu.memory_space<vmem>>, vector<16xf32>,
      %add3A_95 = arith.addf %get3A_91, %get3A_94 : vector<16xf32>
      %swap3A_96 = arith.index_cast %scan3A_70 : i32 to index
      %swap3A_97 = arith.constant 32 : index
      %swap3A_98 = tpu.vector_load %arg10[%swap3A_96, %swap3A_97] {strides = array<i32>} : memref<80x128xf32, #tpu.memory_space<vmem>>, vector<16xf32>,
      tpu.vector_store %arg10[%swap3A_96, %swap3A_97], %add3A_95 {strides = array<i32>} : memref<80x128xf32, #tpu.memory_space<vmem>>, vector<16xf32>,
      %get3A_99 = arith.index_cast %scan3A_70 : i32 to index
      %get3A_100 = arith.constant 48 : index
      %get3A_101 = tpu.vector_load %arg10[%get3A_99, %get3A_100] {strides = array<i32>} : memref<80x128xf32, #tpu.memory_space<vmem>>, vector<16xf32>,
      %get3A_102 = arith.index_cast %scan3A_70 : i32 to index
      %get3A_103 = arith.constant 48 : index
      %get3A_104 = tpu.vector_load %arg11[%get3A_102, %get3A_103] {strides = array<i32>} : memref<80x128xf32, #tpu.memory_space<vmem>>, vector<16xf32>,
      %add3A_105 = arith.addf %get3A_101, %get3A_104 : vector<16xf32>
      %swap3A_106 = arith.index_cast %scan3A_70 : i32 to index
      %swap3A_107 = arith.constant 48 : index
      %swap3A_108 = tpu.vector_load %arg10[%swap3A_106, %swap3A_107] {strides = array<i32>} : memref<80x128xf32, #tpu.memory_space<vmem>>, vector<16xf32>,
      tpu.vector_store %arg10[%swap3A_106, %swap3A_107], %add3A_105 {strides = array<i32>} : memref<80x128xf32, #tpu.memory_space<vmem>>, vector<16xf32>,
      %get3A_109 = arith.index_cast %scan3A_70 : i32 to index
      %get3A_110 = arith.constant 64 : index
      %get3A_111 = tpu.vector_load %arg10[%get3A_109, %get3A_110] {strides = array<i32>} : memref<80x128xf32, #tpu.memory_space<vmem>>, vector<16xf32>,
      %get3A_112 = arith.index_cast %scan3A_70 : i32 to index
      %get3A_113 = arith.constant 64 : index
      %get3A_114 = tpu.vector_load %arg11[%get3A_112, %get3A_113] {strides = array<i32>} : memref<80x128xf32, #tpu.memory_space<vmem>>, vector<16xf32>,
      %add3A_115 = arith.addf %get3A_111, %get3A_114 : vector<16xf32>
      %swap3A_116 = arith.index_cast %scan3A_70 : i32 to index
      %swap3A_117 = arith.constant 64 : index
      %swap3A_118 = tpu.vector_load %arg10[%swap3A_116, %swap3A_117] {strides = array<i32>} : memref<80x128xf32, #tpu.memory_space<vmem>>, vector<16xf32>,
      tpu.vector_store %arg10[%swap3A_116, %swap3A_117], %add3A_115 {strides = array<i32>} : memref<80x128xf32, #tpu.memory_space<vmem>>, vector<16xf32>,
      %get3A_119 = arith.index_cast %scan3A_70 : i32 to index
      %get3A_120 = arith.constant 80 : index
      %get3A_121 = tpu.vector_load %arg10[%get3A_119, %get3A_120] {strides = array<i32>} : memref<80x128xf32, #tpu.memory_space<vmem>>, vector<16xf32>,
      %get3A_122 = arith.index_cast %scan3A_70 : i32 to index
      %get3A_123 = arith.constant 80 : index
      %get3A_124 = tpu.vector_load %arg11[%get3A_122, %get3A_123] {strides = array<i32>} : memref<80x128xf32, #tpu.memory_space<vmem>>, vector<16xf32>,
      %add3A_125 = arith.addf %get3A_121, %get3A_124 : vector<16xf32>
      %swap3A_126 = arith.index_cast %scan3A_70 : i32 to index
      %swap3A_127 = arith.constant 80 : index
      %swap3A_128 = tpu.vector_load %arg10[%swap3A_126, %swap3A_127] {strides = array<i32>} : memref<80x128xf32, #tpu.memory_space<vmem>>, vector<16xf32>,
      tpu.vector_store %arg10[%swap3A_126, %swap3A_127], %add3A_125 {strides = array<i32>} : memref<80x128xf32, #tpu.memory_space<vmem>>, vector<16xf32>,
      %get3A_129 = arith.index_cast %scan3A_70 : i32 to index
      %get3A_130 = arith.constant 96 : index
      %get3A_131 = tpu.vector_load %arg10[%get3A_129, %get3A_130] {strides = array<i32>} : memref<80x128xf32, #tpu.memory_space<vmem>>, vector<16xf32>,
      %get3A_132 = arith.index_cast %scan3A_70 : i32 to index
      %get3A_133 = arith.constant 96 : index
      %get3A_134 = tpu.vector_load %arg11[%get3A_132, %get3A_133] {strides = array<i32>} : memref<80x128xf32, #tpu.memory_space<vmem>>, vector<16xf32>,
      %add3A_135 = arith.addf %get3A_131, %get3A_134 : vector<16xf32>
      %swap3A_136 = arith.index_cast %scan3A_70 : i32 to index
      %swap3A_137 = arith.constant 96 : index
      %swap3A_138 = tpu.vector_load %arg10[%swap3A_136, %swap3A_137] {strides = array<i32>} : memref<80x128xf32, #tpu.memory_space<vmem>>, vector<16xf32>,
      tpu.vector_store %arg10[%swap3A_136, %swap3A_137], %add3A_135 {strides = array<i32>} : memref<80x128xf32, #tpu.memory_space<vmem>>, vector<16xf32>,
      %get3A_139 = arith.index_cast %scan3A_70 : i32 to index
      %get3A_140 = arith.constant 112 : index
      %get3A_141 = tpu.vector_load %arg10[%get3A_139, %get3A_140] {strides = array<i32>} : memref<80x128xf32, #tpu.memory_space<vmem>>, vector<16xf32>,
      %get3A_142 = arith.index_cast %scan3A_70 : i32 to index
      %get3A_143 = arith.constant 112 : index
      %get3A_144 = tpu.vector_load %arg11[%get3A_142, %get3A_143] {strides = array<i32>} : memref<80x128xf32, #tpu.memory_space<vmem>>, vector<16xf32>,
      %add3A_145 = arith.addf %get3A_141, %get3A_144 : vector<16xf32>
      %swap3A_146 = arith.index_cast %scan3A_70 : i32 to index
      %swap3A_147 = arith.constant 112 : index
      %swap3A_148 = tpu.vector_load %arg10[%swap3A_146, %swap3A_147] {strides = array<i32>} : memref<80x128xf32, #tpu.memory_space<vmem>>, vector<16xf32>,
      tpu.vector_store %arg10[%swap3A_146, %swap3A_147], %add3A_145 {strides = array<i32>} : memref<80x128xf32, #tpu.memory_space<vmem>>, vector<16xf32>,
    }
    %scan3A_49 = arith.constant 80 : i32
    %add3A_50 = arith.constant 9920 : i32
    %add3A_51 = arith.addi %mul3A_2, %add3A_50 : i32
    %dma_start3A_52 = arith.constant 0 : i32
    %dma_start3A_53 = tpu.memref_slice %arg6[%add3A_51, %dma_start3A_52] : memref<320000x128xf32, #tpu.memory_space<hbm>> -> memref<80x128xf32, #tpu.memory_space<hbm>>
    %dma_start3A_54 = arith.constant 0 : i32
    %dma_start3A_55 = tpu.memref_slice %arg6[%add3A_51, %dma_start3A_54] : memref<320000x128xf32, #tpu.memory_space<hbm>> -> memref<80x128xf32, #tpu.memory_space<hbm>>
    tpu.enqueue_dma source(%arg10 : memref<80x128xf32, #tpu.memory_space<vmem>>) target(%dma_start3A_55 : memref<80x128xf32, #tpu.memory_space<hbm>>) target_semaphore(%arg21 : memref<!tpu.dma_semaphore, #tpu.memory_space<semaphore_mem>>)
    %add3A_56 = arith.constant 9920 : i32
    %add3A_57 = arith.addi %mul3A_2, %add3A_56 : i32
    %dma_start3A_58 = arith.constant 0 : i32
    %dma_start3A_59 = tpu.memref_slice %arg7[%add3A_57, %dma_start3A_58] : memref<320000x16xf32, #tpu.memory_space<hbm>> -> memref<80x16xf32, #tpu.memory_space<hbm>>
    %dma_start3A_60 = arith.constant 0 : i32
    %dma_start3A_61 = tpu.memref_slice %arg7[%add3A_57, %dma_start3A_60] : memref<320000x16xf32, #tpu.memory_space<hbm>> -> memref<80x16xf32, #tpu.memory_space<hbm>>
    tpu.enqueue_dma source(%arg12 : memref<80x16xf32, #tpu.memory_space<vmem>>) target(%dma_start3A_61 : memref<80x16xf32, #tpu.memory_space<hbm>>) target_semaphore(%arg21 : memref<!tpu.dma_semaphore, #tpu.memory_space<semaphore_mem>>)
    %dma_wait3A_62 = arith.constant 0 : i32
    %dma_wait3A_63 = tpu.memref_slice %arg6[%add3A_51, %dma_wait3A_62] : memref<320000x128xf32, #tpu.memory_space<hbm>> -> memref<80x128xf32, #tpu.memory_space<hbm>>
    %dma_wait3A_64 = arith.constant 0 : i32
    %dma_wait3A_65 = tpu.memref_slice %arg6[%add3A_51, %dma_wait3A_64] : memref<320000x128xf32, #tpu.memory_space<hbm>> -> memref<80x128xf32, #tpu.memory_space<hbm>>
    tpu.wait_dma2 semaphore(%arg21 : memref<!tpu.dma_semaphore, #tpu.memory_space<semaphore_mem>>) src(%arg10 : memref<80x128xf32, #tpu.memory_space<vmem>>) dst(%dma_wait3A_65 : memref<80x128xf32, #tpu.memory_space<hbm>>)
    %dma_wait3A_66 = arith.constant 0 : i32
    %dma_wait3A_67 = tpu.memref_slice %arg7[%add3A_57, %dma_wait3A_66] : memref<320000x16xf32, #tpu.memory_space<hbm>> -> memref<80x16xf32, #tpu.memory_space<hbm>>
    %dma_wait3A_68 = arith.constant 0 : i32
    %dma_wait3A_69 = tpu.memref_slice %arg7[%add3A_57, %dma_wait3A_68] : memref<320000x16xf32, #tpu.memory_space<hbm>> -> memref<80x16xf32, #tpu.memory_space<hbm>>
    tpu.wait_dma2 semaphore(%arg21 : memref<!tpu.dma_semaphore, #tpu.memory_space<semaphore_mem>>) src(%arg12 : memref<80x16xf32, #tpu.memory_space<vmem>>) dst(%dma_wait3A_69 : memref<80x16xf32, #tpu.memory_space<hbm>>)
    return
  }
}

module attributes {stable_mosaic.version = 14 : i64} {
  func.func @_prep_body(%arg0: i32, %arg1: memref<2000x128xf32, #tpu.memory_space<vmem>>, %arg2: memref<256x128xf32, #tpu.memory_space<vmem>>, %arg3: memref<1x128xf32, #tpu.memory_space<vmem>>, %arg4: memref<128x128xf32, #tpu.memory_space<vmem>>, %arg5: memref<1x128xf32, #tpu.memory_space<vmem>>, %arg6: memref<128x128xf32, #tpu.memory_space<vmem>>, %arg7: memref<1x128xf32, #tpu.memory_space<vmem>>, %arg8: memref<2000x128xf32, #tpu.memory_space<vmem>>, %arg9: memref<2000x128xf32, #tpu.memory_space<vmem>>, %arg10: memref<128x128xf32, #tpu.memory_space<vmem>>, %arg11: memref<1x128xf32, #tpu.memory_space<vmem>>) attributes {dimension_semantics = [#tpu.dimension_semantics<arbitrary>], iteration_bounds = array<i64: 5>, scalar_prefetch = 0 : i64, scratch_operands = 0 : i64, tpu.core_type = #tpu.core_type<tc>, window_params = [{transform_indices = @transform_0, window_bounds = array<i64: 2000, 128>}, {pipeline_mode = #tpu.pipeline_mode<synchronous>, transform_indices = @transform_1, window_bounds = array<i64: 256, 128>}, {pipeline_mode = #tpu.pipeline_mode<synchronous>, transform_indices = @transform_2, window_bounds = array<i64: 1, 128>}, {pipeline_mode = #tpu.pipeline_mode<synchronous>, transform_indices = @transform_3, window_bounds = array<i64: 128, 128>}, {pipeline_mode = #tpu.pipeline_mode<synchronous>, transform_indices = @transform_4, window_bounds = array<i64: 1, 128>}, {pipeline_mode = #tpu.pipeline_mode<synchronous>, transform_indices = @transform_5, window_bounds = array<i64: 128, 128>}, {pipeline_mode = #tpu.pipeline_mode<synchronous>, transform_indices = @transform_6, window_bounds = array<i64: 1, 128>}, {transform_indices = @transform_7, window_bounds = array<i64: 2000, 128>}, {transform_indices = @transform_8, window_bounds = array<i64: 2000, 128>}, {pipeline_mode = #tpu.pipeline_mode<synchronous>, transform_indices = @transform_9, window_bounds = array<i64: 128, 128>}, {pipeline_mode = #tpu.pipeline_mode<synchronous>, transform_indices = @transform_10, window_bounds = array<i64: 1, 128>}]} {
    %get3A = arith.constant 0 : index
    %get3A_0 = arith.constant 0 : index
    %get3A_1 = vector.load %arg1[%get3A, %get3A_0] : memref<2000x128xf32, #tpu.memory_space<vmem>>, vector<2000x128xf32>
    %get3A_2 = arith.constant 0 : index
    %get3A_3 = arith.constant 0 : index
    %get3A_4 = vector.load %arg2[%get3A_2, %get3A_3] : memref<256x128xf32, #tpu.memory_space<vmem>>, vector<256x128xf32>
    %slice3A = vector.extract_strided_slice %get3A_4 {offsets = [0, 0], sizes = [128, 128], strides = [1, 1]} : vector<256x128xf32> to vector<128x128xf32>
    %dot_general3A = arith.constant dense<0.000000e+00> : vector<2000x128xf32>
    %dot_general3A_5 = tpu.matmul %get3A_1, %slice3A, %dot_general3A {dimension_numbers = #tpu.dot_dimension_numbers<[1], [0], [0], [1], [0, 0, 1, 1], [], []>, transpose_lhs_hint = false} : vector<2000x128xf32>, vector<128x128xf32>, vector<2000x128xf32> -> vector<2000x128xf32>
    %get3A_6 = arith.constant 0 : index
    %get3A_7 = arith.constant 0 : index
    %get3A_8 = vector.load %arg3[%get3A_6, %get3A_7] : memref<1x128xf32, #tpu.memory_space<vmem>>, vector<1x128xf32>
    %add3A = vector.broadcast %get3A_8 : vector<1x128xf32> to vector<2000x128xf32>
    %add3A_9 = arith.addf %dot_general3A_5, %add3A : vector<2000x128xf32>
    %swap3A = arith.constant 0 : index
    %swap3A_10 = arith.constant 0 : index
    %swap3A_11 = vector.load %arg8[%swap3A, %swap3A_10] : memref<2000x128xf32, #tpu.memory_space<vmem>>, vector<2000x128xf32>
    tpu.vector_store %arg8[%swap3A, %swap3A_10], %add3A_9 {strides = array<i32>} : memref<2000x128xf32, #tpu.memory_space<vmem>>, vector<2000x128xf32>,
    %slice3A_12 = vector.extract_strided_slice %get3A_4 {offsets = [128, 0], sizes = [128, 128], strides = [1, 1]} : vector<256x128xf32> to vector<128x128xf32>
    %dot_general3A_13 = arith.constant dense<0.000000e+00> : vector<2000x128xf32>
    %dot_general3A_14 = tpu.matmul %get3A_1, %slice3A_12, %dot_general3A_13 {dimension_numbers = #tpu.dot_dimension_numbers<[1], [0], [0], [1], [0, 0, 1, 1], [], []>, transpose_lhs_hint = false} : vector<2000x128xf32>, vector<128x128xf32>, vector<2000x128xf32> -> vector<2000x128xf32>
    %swap3A_15 = arith.constant 0 : index
    %swap3A_16 = arith.constant 0 : index
    %swap3A_17 = vector.load %arg9[%swap3A_15, %swap3A_16] : memref<2000x128xf32, #tpu.memory_space<vmem>>, vector<2000x128xf32>
    tpu.vector_store %arg9[%swap3A_15, %swap3A_16], %dot_general3A_14 {strides = array<i32>} : memref<2000x128xf32, #tpu.memory_space<vmem>>, vector<2000x128xf32>,
    %get3A_18 = arith.constant 0 : index
    %get3A_19 = arith.constant 0 : index
    %get3A_20 = vector.load %arg6[%get3A_18, %get3A_19] : memref<128x128xf32, #tpu.memory_space<vmem>>, vector<128x128xf32>
    %get3A_21 = arith.constant 0 : index
    %get3A_22 = arith.constant 0 : index
    %get3A_23 = vector.load %arg4[%get3A_21, %get3A_22] : memref<128x128xf32, #tpu.memory_space<vmem>>, vector<128x128xf32>
    %dot_general3A_24 = arith.constant dense<0.000000e+00> : vector<128x128xf32>
    %dot_general3A_25 = tpu.matmul %get3A_20, %get3A_23, %dot_general3A_24 {dimension_numbers = #tpu.dot_dimension_numbers<[1], [0], [0], [1], [0, 0, 1, 1], [], []>, transpose_lhs_hint = false} : vector<128x128xf32>, vector<128x128xf32>, vector<128x128xf32> -> vector<128x128xf32>
    %swap3A_26 = arith.constant 0 : index
    %swap3A_27 = arith.constant 0 : index
    %swap3A_28 = vector.load %arg10[%swap3A_26, %swap3A_27] : memref<128x128xf32, #tpu.memory_space<vmem>>, vector<128x128xf32>
    tpu.vector_store %arg10[%swap3A_26, %swap3A_27], %dot_general3A_25 {strides = array<i32>} : memref<128x128xf32, #tpu.memory_space<vmem>>, vector<128x128xf32>,
    %get3A_29 = arith.constant 0 : index
    %get3A_30 = arith.constant 0 : index
    %get3A_31 = vector.load %arg7[%get3A_29, %get3A_30] : memref<1x128xf32, #tpu.memory_space<vmem>>, vector<1x128xf32>
    %get3A_32 = arith.constant 0 : index
    %get3A_33 = arith.constant 0 : index
    %get3A_34 = vector.load %arg4[%get3A_32, %get3A_33] : memref<128x128xf32, #tpu.memory_space<vmem>>, vector<128x128xf32>
    %dot_general3A_35 = arith.constant dense<0.000000e+00> : vector<1x128xf32>
    %dot_general3A_36 = tpu.matmul %get3A_31, %get3A_34, %dot_general3A_35 {dimension_numbers = #tpu.dot_dimension_numbers<[1], [0], [0], [1], [0, 0, 1, 1], [], []>, transpose_lhs_hint = false} : vector<1x128xf32>, vector<128x128xf32>, vector<1x128xf32> -> vector<1x128xf32>
    %get3A_37 = arith.constant 0 : index
    %get3A_38 = arith.constant 0 : index
    %get3A_39 = vector.load %arg5[%get3A_37, %get3A_38] : memref<1x128xf32, #tpu.memory_space<vmem>>, vector<1x128xf32>
    %add3A_40 = arith.addf %dot_general3A_36, %get3A_39 : vector<1x128xf32>
    %swap3A_41 = arith.constant 0 : index
    %swap3A_42 = arith.constant 0 : index
    %swap3A_43 = vector.load %arg11[%swap3A_41, %swap3A_42] : memref<1x128xf32, #tpu.memory_space<vmem>>, vector<1x128xf32>
    tpu.vector_store %arg11[%swap3A_41, %swap3A_42], %add3A_40 {strides = array<i32>} : memref<1x128xf32, #tpu.memory_space<vmem>>, vector<1x128xf32>,
    return
  }
  func.func @transform_0(%arg0: i32) -> (i32, i32) {
    %c0_i32 = arith.constant 0 : i32
    %c0_i32_0 = arith.constant 0 : i32
    return %arg0, %c0_i32 : i32, i32
  }
  func.func @transform_1(%arg0: i32) -> (i32, i32) {
    %c0_i32 = arith.constant 0 : i32
    %c0_i32_0 = arith.constant 0 : i32
    %c0_i32_1 = arith.constant 0 : i32
    return %c0_i32, %c0_i32_0 : i32, i32
  }
  func.func @transform_2(%arg0: i32) -> (i32, i32) {
    %c0_i32 = arith.constant 0 : i32
    %c0_i32_0 = arith.constant 0 : i32
    %c0_i32_1 = arith.constant 0 : i32
    return %c0_i32, %c0_i32_0 : i32, i32
  }
  func.func @transform_3(%arg0: i32) -> (i32, i32) {
    %c0_i32 = arith.constant 0 : i32
    %c0_i32_0 = arith.constant 0 : i32
    %c0_i32_1 = arith.constant 0 : i32
    return %c0_i32, %c0_i32_0 : i32, i32
  }
  func.func @transform_4(%arg0: i32) -> (i32, i32) {
    %c0_i32 = arith.constant 0 : i32
    %c0_i32_0 = arith.constant 0 : i32
    %c0_i32_1 = arith.constant 0 : i32
    return %c0_i32, %c0_i32_0 : i32, i32
  }
  func.func @transform_5(%arg0: i32) -> (i32, i32) {
    %c0_i32 = arith.constant 0 : i32
    %c0_i32_0 = arith.constant 0 : i32
    %c0_i32_1 = arith.constant 0 : i32
    return %c0_i32, %c0_i32_0 : i32, i32
  }
  func.func @transform_6(%arg0: i32) -> (i32, i32) {
    %c0_i32 = arith.constant 0 : i32
    %c0_i32_0 = arith.constant 0 : i32
    %c0_i32_1 = arith.constant 0 : i32
    return %c0_i32, %c0_i32_0 : i32, i32
  }
  func.func @transform_7(%arg0: i32) -> (i32, i32) {
    %c0_i32 = arith.constant 0 : i32
    %c0_i32_0 = arith.constant 0 : i32
    return %arg0, %c0_i32 : i32, i32
  }
  func.func @transform_8(%arg0: i32) -> (i32, i32) {
    %c0_i32 = arith.constant 0 : i32
    %c0_i32_0 = arith.constant 0 : i32
    return %arg0, %c0_i32 : i32, i32
  }
  func.func @transform_9(%arg0: i32) -> (i32, i32) {
    %c0_i32 = arith.constant 0 : i32
    %c0_i32_0 = arith.constant 0 : i32
    %c0_i32_1 = arith.constant 0 : i32
    return %c0_i32, %c0_i32_0 : i32, i32
  }
  func.func @transform_10(%arg0: i32) -> (i32, i32) {
    %c0_i32 = arith.constant 0 : i32
    %c0_i32_0 = arith.constant 0 : i32
    %c0_i32_1 = arith.constant 0 : i32
    return %c0_i32, %c0_i32_0 : i32, i32
  }
}

module attributes {stable_mosaic.version = 14 : i64} {
  func.func @_edge_body(%arg0: i32, %arg1: memref<4000x128xf32, #tpu.memory_space<vmem>>, %arg2: memref<4000x16xf32, #tpu.memory_space<vmem>>, %arg3: memref<1x128xf32, #tpu.memory_space<vmem>>, %arg4: memref<128x128xf32, #tpu.memory_space<vmem>>, %arg5: memref<1x128xf32, #tpu.memory_space<vmem>>, %arg6: memref<128x128xf32, #tpu.memory_space<vmem>>, %arg7: memref<1x128xf32, #tpu.memory_space<vmem>>, %arg8: memref<1x128xf32, #tpu.memory_space<vmem>>, %arg9: memref<1x1xf32, #tpu.memory_space<vmem>>, %arg10: memref<4000x128xf32, #tpu.memory_space<vmem>>, %arg11: memref<4000x128xf32, #tpu.memory_space<vmem>>) attributes {dimension_semantics = [#tpu.dimension_semantics<arbitrary>], iteration_bounds = array<i64: 80>, scalar_prefetch = 0 : i64, scratch_operands = 0 : i64, tpu.core_type = #tpu.core_type<tc>, window_params = [{transform_indices = @transform_0, window_bounds = array<i64: 4000, 128>}, {transform_indices = @transform_1, window_bounds = array<i64: 4000, 16>}, {pipeline_mode = #tpu.pipeline_mode<synchronous>, transform_indices = @transform_2, window_bounds = array<i64: 1, 128>}, {pipeline_mode = #tpu.pipeline_mode<synchronous>, transform_indices = @transform_3, window_bounds = array<i64: 128, 128>}, {pipeline_mode = #tpu.pipeline_mode<synchronous>, transform_indices = @transform_4, window_bounds = array<i64: 1, 128>}, {pipeline_mode = #tpu.pipeline_mode<synchronous>, transform_indices = @transform_5, window_bounds = array<i64: 128, 128>}, {pipeline_mode = #tpu.pipeline_mode<synchronous>, transform_indices = @transform_6, window_bounds = array<i64: 1, 128>}, {pipeline_mode = #tpu.pipeline_mode<synchronous>, transform_indices = @transform_7, window_bounds = array<i64: 1, 128>}, {pipeline_mode = #tpu.pipeline_mode<synchronous>, transform_indices = @transform_8, window_bounds = array<i64: 1, 1>}, {transform_indices = @transform_9, window_bounds = array<i64: 4000, 128>}, {transform_indices = @transform_10, window_bounds = array<i64: 4000, 128>}]} {
    %get3A = arith.constant 0 : index
    %get3A_0 = arith.constant 0 : index
    %get3A_1 = vector.load %arg1[%get3A, %get3A_0] : memref<4000x128xf32, #tpu.memory_space<vmem>>, vector<4000x128xf32>
    %get3A_2 = arith.constant 0 : index
    %get3A_3 = arith.constant 0 : index
    %get3A_4 = vector.load %arg2[%get3A_2, %get3A_3] : memref<4000x16xf32, #tpu.memory_space<vmem>>, vector<4000x16xf32>
    %iota3A = tpu.iota {dimensions = array<i32: 1>} : vector<4000x16xi32>
    %lt3A = arith.constant 3 : i32
    %lt3A_5 = vector.broadcast %lt3A : i32 to vector<4000x16xi32>
    %lt3A_6 = arith.cmpi slt, %iota3A, %lt3A_5 : vector<4000x16xi32>
    %mul3A = arith.mulf %get3A_4, %get3A_4 : vector<4000x16xf32>
    %jit3A = arith.constant 0.000000e+00 : f32
    %broadcast_in_dim3A = vector.broadcast %jit3A : f32 to vector<4000x16xf32>
    %select_n3A = arith.select %lt3A_6, %mul3A, %broadcast_in_dim3A : vector<4000x16xi1>, vector<4000x16xf32>
    %reduce_sum3A = arith.constant dense<0.000000e+00> : vector<4000xf32>
    %reduce_sum3A_7 = vector.multi_reduction <add>, %select_n3A, %reduce_sum3A [1] : vector<4000x16xf32> to vector<4000xf32>
    %broadcast_in_dim3A_8 = vector.shape_cast %reduce_sum3A_7 : vector<4000xf32> to vector<4000x1xf32>
    %get3A_9 = arith.constant 0 : index
    %get3A_10 = arith.constant 0 : index
    %get3A_11 = vector.load %arg3[%get3A_9, %get3A_10] : memref<1x128xf32, #tpu.memory_space<vmem>>, vector<1x128xf32>
    %mul3A_12 = vector.broadcast %broadcast_in_dim3A_8 : vector<4000x1xf32> to vector<4000x128xf32>
    %mul3A_13 = vector.broadcast %get3A_11 : vector<1x128xf32> to vector<4000x128xf32>
    %mul3A_14 = arith.mulf %mul3A_12, %mul3A_13 : vector<4000x128xf32>
    %add3A = arith.addf %get3A_1, %mul3A_14 : vector<4000x128xf32>
    %logistic3A = arith.negf %add3A : vector<4000x128xf32>
    %logistic3A_15 = math.exp %logistic3A : vector<4000x128xf32>
    %logistic3A_16 = arith.constant 1.000000e+00 : f32
    %logistic3A_17 = vector.broadcast %logistic3A_16 : f32 to vector<4000x128xf32>
    %logistic3A_18 = arith.addf %logistic3A_17, %logistic3A_15 : vector<4000x128xf32>
    %logistic3A_19 = arith.divf %logistic3A_17, %logistic3A_18 : vector<4000x128xf32>
    %mul3A_20 = arith.mulf %add3A, %logistic3A_19 : vector<4000x128xf32>
    %get3A_21 = arith.constant 0 : index
    %get3A_22 = arith.constant 0 : index
    %get3A_23 = vector.load %arg4[%get3A_21, %get3A_22] : memref<128x128xf32, #tpu.memory_space<vmem>>, vector<128x128xf32>
    %dot_general3A = arith.constant dense<0.000000e+00> : vector<4000x128xf32>
    %dot_general3A_24 = tpu.matmul %mul3A_20, %get3A_23, %dot_general3A {dimension_numbers = #tpu.dot_dimension_numbers<[1], [0], [0], [1], [0, 0, 1, 1], [], []>, transpose_lhs_hint = false} : vector<4000x128xf32>, vector<128x128xf32>, vector<4000x128xf32> -> vector<4000x128xf32>
    %get3A_25 = arith.constant 0 : index
    %get3A_26 = arith.constant 0 : index
    %get3A_27 = vector.load %arg5[%get3A_25, %get3A_26] : memref<1x128xf32, #tpu.memory_space<vmem>>, vector<1x128xf32>
    %add3A_28 = vector.broadcast %get3A_27 : vector<1x128xf32> to vector<4000x128xf32>
    %add3A_29 = arith.addf %dot_general3A_24, %add3A_28 : vector<4000x128xf32>
    %logistic3A_30 = arith.negf %add3A_29 : vector<4000x128xf32>
    %logistic3A_31 = math.exp %logistic3A_30 : vector<4000x128xf32>
    %logistic3A_32 = arith.constant 1.000000e+00 : f32
    %logistic3A_33 = vector.broadcast %logistic3A_32 : f32 to vector<4000x128xf32>
    %logistic3A_34 = arith.addf %logistic3A_33, %logistic3A_31 : vector<4000x128xf32>
    %logistic3A_35 = arith.divf %logistic3A_33, %logistic3A_34 : vector<4000x128xf32>
    %mul3A_36 = arith.mulf %add3A_29, %logistic3A_35 : vector<4000x128xf32>
    %get3A_37 = arith.constant 0 : index
    %get3A_38 = arith.constant 0 : index
    %get3A_39 = vector.load %arg6[%get3A_37, %get3A_38] : memref<128x128xf32, #tpu.memory_space<vmem>>, vector<128x128xf32>
    %dot_general3A_40 = arith.constant dense<0.000000e+00> : vector<4000x128xf32>
    %dot_general3A_41 = tpu.matmul %mul3A_36, %get3A_39, %dot_general3A_40 {dimension_numbers = #tpu.dot_dimension_numbers<[1], [0], [0], [1], [0, 0, 1, 1], [], []>, transpose_lhs_hint = false} : vector<4000x128xf32>, vector<128x128xf32>, vector<4000x128xf32> -> vector<4000x128xf32>
    %get3A_42 = arith.constant 0 : index
    %get3A_43 = arith.constant 0 : index
    %get3A_44 = vector.load %arg7[%get3A_42, %get3A_43] : memref<1x128xf32, #tpu.memory_space<vmem>>, vector<1x128xf32>
    %add3A_45 = vector.broadcast %get3A_44 : vector<1x128xf32> to vector<4000x128xf32>
    %add3A_46 = arith.addf %dot_general3A_41, %add3A_45 : vector<4000x128xf32>
    %logistic3A_47 = arith.negf %add3A_46 : vector<4000x128xf32>
    %logistic3A_48 = math.exp %logistic3A_47 : vector<4000x128xf32>
    %logistic3A_49 = arith.constant 1.000000e+00 : f32
    %logistic3A_50 = vector.broadcast %logistic3A_49 : f32 to vector<4000x128xf32>
    %logistic3A_51 = arith.addf %logistic3A_50, %logistic3A_48 : vector<4000x128xf32>
    %logistic3A_52 = arith.divf %logistic3A_50, %logistic3A_51 : vector<4000x128xf32>
    %mul3A_53 = arith.mulf %add3A_46, %logistic3A_52 : vector<4000x128xf32>
    %get3A_54 = arith.constant 0 : index
    %get3A_55 = arith.constant 0 : index
    %get3A_56 = vector.load %arg8[%get3A_54, %get3A_55] : memref<1x128xf32, #tpu.memory_space<vmem>>, vector<1x128xf32>
    %mul3A_57 = vector.broadcast %get3A_56 : vector<1x128xf32> to vector<4000x128xf32>
    %mul3A_58 = arith.mulf %mul3A_53, %mul3A_57 : vector<4000x128xf32>
    %reduce_sum3A_59 = arith.constant dense<0.000000e+00> : vector<4000xf32>
    %reduce_sum3A_60 = vector.multi_reduction <add>, %mul3A_58, %reduce_sum3A_59 [1] : vector<4000x128xf32> to vector<4000xf32>
    %broadcast_in_dim3A_61 = vector.shape_cast %reduce_sum3A_60 : vector<4000xf32> to vector<4000x1xf32>
    %get3A_62 = arith.constant 0 : index
    %get3A_63 = arith.constant 0 : index
    %get3A_64 = vector.load %arg9[%get3A_62, %get3A_63] : memref<1x1xf32, #tpu.memory_space<vmem>>, vector<1x1xf32>
    %add3A_65 = vector.broadcast %get3A_64 : vector<1x1xf32> to vector<4000x1xf32>
    %add3A_66 = arith.addf %broadcast_in_dim3A_61, %add3A_65 : vector<4000x1xf32>
    %tanh3A = math.tanh %add3A_66 : vector<4000x1xf32>
    %swap3A = arith.constant 0 : index
    %swap3A_67 = arith.constant 0 : index
    %swap3A_68 = vector.load %arg10[%swap3A, %swap3A_67] : memref<4000x128xf32, #tpu.memory_space<vmem>>, vector<4000x128xf32>
    tpu.vector_store %arg10[%swap3A, %swap3A_67], %mul3A_36 {strides = array<i32>} : memref<4000x128xf32, #tpu.memory_space<vmem>>, vector<4000x128xf32>,
    %slice3A = vector.extract_strided_slice %get3A_4 {offsets = [0, 3], sizes = [4000, 1], strides = [1, 1]} : vector<4000x16xf32> to vector<4000x1xf32>
    %convert_element_type3A = arith.fptosi %slice3A : vector<4000x1xf32> to vector<4000x1xi32>
    %iota3A_69 = tpu.iota {dimensions = array<i32: 1>} : vector<4000x128xi32>
    %eq3A = vector.broadcast %convert_element_type3A : vector<4000x1xi32> to vector<4000x128xi32>
    %eq3A_70 = arith.cmpi eq, %iota3A_69, %eq3A : vector<4000x128xi32>
    %slice3A_71 = vector.extract_strided_slice %get3A_4 {offsets = [0, 0], sizes = [4000, 1], strides = [1, 1]} : vector<4000x16xf32> to vector<4000x1xf32>
    %mul3A_72 = arith.mulf %slice3A_71, %tanh3A : vector<4000x1xf32>
    %jit3A_73 = arith.constant 0.000000e+00 : f32
    %broadcast_in_dim3A_74 = vector.shape_cast %mul3A_72 : vector<4000x1xf32> to vector<4000x1xf32>
    %broadcast_in_dim3A_75 = vector.broadcast %broadcast_in_dim3A_74 : vector<4000x1xf32> to vector<4000x128xf32>
    %broadcast_in_dim3A_76 = vector.broadcast %jit3A_73 : f32 to vector<4000x128xf32>
    %select_n3A_77 = arith.select %eq3A_70, %broadcast_in_dim3A_75, %broadcast_in_dim3A_76 : vector<4000x128xi1>, vector<4000x128xf32>
    %add3A_78 = arith.constant 1 : i32
    %add3A_79 = vector.broadcast %add3A_78 : i32 to vector<4000x1xi32>
    %add3A_80 = arith.addi %convert_element_type3A, %add3A_79 : vector<4000x1xi32>
    %eq3A_81 = vector.broadcast %add3A_80 : vector<4000x1xi32> to vector<4000x128xi32>
    %eq3A_82 = arith.cmpi eq, %iota3A_69, %eq3A_81 : vector<4000x128xi32>
    %slice3A_83 = vector.extract_strided_slice %get3A_4 {offsets = [0, 1], sizes = [4000, 1], strides = [1, 1]} : vector<4000x16xf32> to vector<4000x1xf32>
    %mul3A_84 = arith.mulf %slice3A_83, %tanh3A : vector<4000x1xf32>
    %jit3A_85 = arith.constant 0.000000e+00 : f32
    %broadcast_in_dim3A_86 = vector.shape_cast %mul3A_84 : vector<4000x1xf32> to vector<4000x1xf32>
    %broadcast_in_dim3A_87 = vector.broadcast %broadcast_in_dim3A_86 : vector<4000x1xf32> to vector<4000x128xf32>
    %broadcast_in_dim3A_88 = vector.broadcast %jit3A_85 : f32 to vector<4000x128xf32>
    %select_n3A_89 = arith.select %eq3A_82, %broadcast_in_dim3A_87, %broadcast_in_dim3A_88 : vector<4000x128xi1>, vector<4000x128xf32>
    %add3A_90 = arith.addf %select_n3A_77, %select_n3A_89 : vector<4000x128xf32>
    %add3A_91 = arith.constant 2 : i32
    %add3A_92 = vector.broadcast %add3A_91 : i32 to vector<4000x1xi32>
    %add3A_93 = arith.addi %convert_element_type3A, %add3A_92 : vector<4000x1xi32>
    %eq3A_94 = vector.broadcast %add3A_93 : vector<4000x1xi32> to vector<4000x128xi32>
    %eq3A_95 = arith.cmpi eq, %iota3A_69, %eq3A_94 : vector<4000x128xi32>
    %slice3A_96 = vector.extract_strided_slice %get3A_4 {offsets = [0, 2], sizes = [4000, 1], strides = [1, 1]} : vector<4000x16xf32> to vector<4000x1xf32>
    %mul3A_97 = arith.mulf %slice3A_96, %tanh3A : vector<4000x1xf32>
    %jit3A_98 = arith.constant 0.000000e+00 : f32
    %broadcast_in_dim3A_99 = vector.shape_cast %mul3A_97 : vector<4000x1xf32> to vector<4000x1xf32>
    %broadcast_in_dim3A_100 = vector.broadcast %broadcast_in_dim3A_99 : vector<4000x1xf32> to vector<4000x128xf32>
    %broadcast_in_dim3A_101 = vector.broadcast %jit3A_98 : f32 to vector<4000x128xf32>
    %select_n3A_102 = arith.select %eq3A_95, %broadcast_in_dim3A_100, %broadcast_in_dim3A_101 : vector<4000x128xi1>, vector<4000x128xf32>
    %add3A_103 = arith.addf %add3A_90, %select_n3A_102 : vector<4000x128xf32>
    %add3A_104 = arith.constant 3 : i32
    %add3A_105 = vector.broadcast %add3A_104 : i32 to vector<4000x1xi32>
    %add3A_106 = arith.addi %convert_element_type3A, %add3A_105 : vector<4000x1xi32>
    %eq3A_107 = vector.broadcast %add3A_106 : vector<4000x1xi32> to vector<4000x128xi32>
    %eq3A_108 = arith.cmpi eq, %iota3A_69, %eq3A_107 : vector<4000x128xi32>
    %convert_element_type3A_109 = arith.extui %eq3A_108 : vector<4000x128xi1> to vector<4000x128xi32>
    %convert_element_type3A_110 = arith.sitofp %convert_element_type3A_109 : vector<4000x128xi32> to vector<4000x128xf32>
    %add3A_111 = arith.addf %add3A_103, %convert_element_type3A_110 : vector<4000x128xf32>
    %swap3A_112 = arith.constant 0 : index
    %swap3A_113 = arith.constant 0 : index
    %swap3A_114 = vector.load %arg11[%swap3A_112, %swap3A_113] : memref<4000x128xf32, #tpu.memory_space<vmem>>, vector<4000x128xf32>
    tpu.vector_store %arg11[%swap3A_112, %swap3A_113], %add3A_111 {strides = array<i32>} : memref<4000x128xf32, #tpu.memory_space<vmem>>, vector<4000x128xf32>,
    return
  }
  func.func @transform_0(%arg0: i32) -> (i32, i32) {
    %c0_i32 = arith.constant 0 : i32
    %c0_i32_0 = arith.constant 0 : i32
    return %arg0, %c0_i32 : i32, i32
  }
  func.func @transform_1(%arg0: i32) -> (i32, i32) {
    %c0_i32 = arith.constant 0 : i32
    %c0_i32_0 = arith.constant 0 : i32
    return %arg0, %c0_i32 : i32, i32
  }
  func.func @transform_2(%arg0: i32) -> (i32, i32) {
    %c0_i32 = arith.constant 0 : i32
    %c0_i32_0 = arith.constant 0 : i32
    %c0_i32_1 = arith.constant 0 : i32
    return %c0_i32, %c0_i32_0 : i32, i32
  }
  func.func @transform_3(%arg0: i32) -> (i32, i32) {
    %c0_i32 = arith.constant 0 : i32
    %c0_i32_0 = arith.constant 0 : i32
    %c0_i32_1 = arith.constant 0 : i32
    return %c0_i32, %c0_i32_0 : i32, i32
  }
  func.func @transform_4(%arg0: i32) -> (i32, i32) {
    %c0_i32 = arith.constant 0 : i32
    %c0_i32_0 = arith.constant 0 : i32
    %c0_i32_1 = arith.constant 0 : i32
    return %c0_i32, %c0_i32_0 : i32, i32
  }
  func.func @transform_5(%arg0: i32) -> (i32, i32) {
    %c0_i32 = arith.constant 0 : i32
    %c0_i32_0 = arith.constant 0 : i32
    %c0_i32_1 = arith.constant 0 : i32
    return %c0_i32, %c0_i32_0 : i32, i32
  }
  func.func @transform_6(%arg0: i32) -> (i32, i32) {
    %c0_i32 = arith.constant 0 : i32
    %c0_i32_0 = arith.constant 0 : i32
    %c0_i32_1 = arith.constant 0 : i32
    return %c0_i32, %c0_i32_0 : i32, i32
  }
  func.func @transform_7(%arg0: i32) -> (i32, i32) {
    %c0_i32 = arith.constant 0 : i32
    %c0_i32_0 = arith.constant 0 : i32
    %c0_i32_1 = arith.constant 0 : i32
    return %c0_i32, %c0_i32_0 : i32, i32
  }
  func.func @transform_8(%arg0: i32) -> (i32, i32) {
    %c0_i32 = arith.constant 0 : i32
    %c0_i32_0 = arith.constant 0 : i32
    %c0_i32_1 = arith.constant 0 : i32
    return %c0_i32, %c0_i32_0 : i32, i32
  }
  func.func @transform_9(%arg0: i32) -> (i32, i32) {
    %c0_i32 = arith.constant 0 : i32
    %c0_i32_0 = arith.constant 0 : i32
    return %arg0, %c0_i32 : i32, i32
  }
  func.func @transform_10(%arg0: i32) -> (i32, i32) {
    %c0_i32 = arith.constant 0 : i32
    %c0_i32_0 = arith.constant 0 : i32
    return %arg0, %c0_i32 : i32, i32
  }
}

module attributes {stable_mosaic.version = 14 : i64} {
  func.func @_node_body(%arg0: i32, %arg1: memref<2000x128xf32, #tpu.memory_space<vmem>>, %arg2: memref<2000x8xf32, #tpu.memory_space<vmem>>, %arg3: memref<2x2000x128xf32, #tpu.memory_space<vmem>>, %arg4: memref<2x2000x8xf32, #tpu.memory_space<vmem>>, %arg5: memref<128x128xf32, #tpu.memory_space<vmem>>, %arg6: memref<1x128xf32, #tpu.memory_space<vmem>>, %arg7: memref<256x128xf32, #tpu.memory_space<vmem>>, %arg8: memref<1x128xf32, #tpu.memory_space<vmem>>, %arg9: memref<128x128xf32, #tpu.memory_space<vmem>>, %arg10: memref<1x128xf32, #tpu.memory_space<vmem>>, %arg11: memref<128x128xf32, #tpu.memory_space<vmem>>, %arg12: memref<1x128xf32, #tpu.memory_space<vmem>>, %arg13: memref<2000x128xf32, #tpu.memory_space<vmem>>, %arg14: memref<2000x8xf32, #tpu.memory_space<vmem>>) attributes {dimension_semantics = [#tpu.dimension_semantics<arbitrary>], iteration_bounds = array<i64: 5>, scalar_prefetch = 0 : i64, scratch_operands = 0 : i64, tpu.core_type = #tpu.core_type<tc>, window_params = [{transform_indices = @transform_0, window_bounds = array<i64: 2000, 128>}, {transform_indices = @transform_1, window_bounds = array<i64: 2000, 8>}, {transform_indices = @transform_2, window_bounds = array<i64: 2, 2000, 128>}, {transform_indices = @transform_3, window_bounds = array<i64: 2, 2000, 8>}, {pipeline_mode = #tpu.pipeline_mode<synchronous>, transform_indices = @transform_4, window_bounds = array<i64: 128, 128>}, {pipeline_mode = #tpu.pipeline_mode<synchronous>, transform_indices = @transform_5, window_bounds = array<i64: 1, 128>}, {pipeline_mode = #tpu.pipeline_mode<synchronous>, transform_indices = @transform_6, window_bounds = array<i64: 256, 128>}, {pipeline_mode = #tpu.pipeline_mode<synchronous>, transform_indices = @transform_7, window_bounds = array<i64: 1, 128>}, {pipeline_mode = #tpu.pipeline_mode<synchronous>, transform_indices = @transform_8, window_bounds = array<i64: 128, 128>}, {pipeline_mode = #tpu.pipeline_mode<synchronous>, transform_indices = @transform_9, window_bounds = array<i64: 1, 128>}, {pipeline_mode = #tpu.pipeline_mode<synchronous>, transform_indices = @transform_10, window_bounds = array<i64: 128, 128>}, {pipeline_mode = #tpu.pipeline_mode<synchronous>, transform_indices = @transform_11, window_bounds = array<i64: 1, 128>}, {transform_indices = @transform_12, window_bounds = array<i64: 2000, 128>}, {transform_indices = @transform_13, window_bounds = array<i64: 2000, 8>}]} {
    %get3A = arith.constant 0 : index
    %get3A_0 = arith.constant 0 : index
    %get3A_1 = vector.load %arg1[%get3A, %get3A_0] : memref<2000x128xf32, #tpu.memory_space<vmem>>, vector<2000x128xf32>
    %get3A_2 = arith.constant 0 : index
    %get3A_3 = arith.constant 0 : index
    %get3A_4 = arith.constant 0 : index
    %get3A_5 = vector.load %arg3[%get3A_2, %get3A_3, %get3A_4] : memref<2x2000x128xf32, #tpu.memory_space<vmem>>, vector<1x2000x128xf32>
    %get3A_6 = vector.shape_cast %get3A_5 : vector<1x2000x128xf32> to vector<2000x128xf32>
    %get3A_7 = arith.constant 1 : index
    %get3A_8 = arith.constant 0 : index
    %get3A_9 = arith.constant 0 : index
    %get3A_10 = vector.load %arg3[%get3A_7, %get3A_8, %get3A_9] : memref<2x2000x128xf32, #tpu.memory_space<vmem>>, vector<1x2000x128xf32>
    %get3A_11 = vector.shape_cast %get3A_10 : vector<1x2000x128xf32> to vector<2000x128xf32>
    %add3A = arith.addf %get3A_6, %get3A_11 : vector<2000x128xf32>
    %get3A_12 = arith.constant 0 : index
    %get3A_13 = arith.constant 0 : index
    %get3A_14 = arith.constant 0 : index
    %get3A_15 = vector.load %arg4[%get3A_12, %get3A_13, %get3A_14] : memref<2x2000x8xf32, #tpu.memory_space<vmem>>, vector<1x2000x8xf32>
    %get3A_16 = vector.shape_cast %get3A_15 : vector<1x2000x8xf32> to vector<2000x8xf32>
    %get3A_17 = arith.constant 1 : index
    %get3A_18 = arith.constant 0 : index
    %get3A_19 = arith.constant 0 : index
    %get3A_20 = vector.load %arg4[%get3A_17, %get3A_18, %get3A_19] : memref<2x2000x8xf32, #tpu.memory_space<vmem>>, vector<1x2000x8xf32>
    %get3A_21 = vector.shape_cast %get3A_20 : vector<1x2000x8xf32> to vector<2000x8xf32>
    %add3A_22 = arith.addf %get3A_16, %get3A_21 : vector<2000x8xf32>
    %iota3A = tpu.iota {dimensions = array<i32: 1>} : vector<2000x8xi32>
    %eq3A = arith.constant 3 : i32
    %eq3A_23 = vector.broadcast %eq3A : i32 to vector<2000x8xi32>
    %eq3A_24 = arith.cmpi eq, %iota3A, %eq3A_23 : vector<2000x8xi32>
    %jit3A = arith.constant 0.000000e+00 : f32
    %broadcast_in_dim3A = vector.broadcast %jit3A : f32 to vector<2000x8xf32>
    %select_n3A = arith.select %eq3A_24, %add3A_22, %broadcast_in_dim3A : vector<2000x8xi1>, vector<2000x8xf32>
    %reduce_sum3A = arith.constant dense<0.000000e+00> : vector<2000xf32>
    %reduce_sum3A_25 = vector.multi_reduction <add>, %select_n3A, %reduce_sum3A [1] : vector<2000x8xf32> to vector<2000xf32>
    %broadcast_in_dim3A_26 = vector.shape_cast %reduce_sum3A_25 : vector<2000xf32> to vector<2000x1xf32>
    %get3A_27 = arith.constant 0 : index
    %get3A_28 = arith.constant 0 : index
    %get3A_29 = vector.load %arg5[%get3A_27, %get3A_28] : memref<128x128xf32, #tpu.memory_space<vmem>>, vector<128x128xf32>
    %dot_general3A = arith.constant dense<0.000000e+00> : vector<2000x128xf32>
    %dot_general3A_30 = tpu.matmul %add3A, %get3A_29, %dot_general3A {dimension_numbers = #tpu.dot_dimension_numbers<[1], [0], [0], [1], [0, 0, 1, 1], [], []>, transpose_lhs_hint = false} : vector<2000x128xf32>, vector<128x128xf32>, vector<2000x128xf32> -> vector<2000x128xf32>
    %get3A_31 = arith.constant 0 : index
    %get3A_32 = arith.constant 0 : index
    %get3A_33 = vector.load %arg6[%get3A_31, %get3A_32] : memref<1x128xf32, #tpu.memory_space<vmem>>, vector<1x128xf32>
    %mul3A = vector.broadcast %broadcast_in_dim3A_26 : vector<2000x1xf32> to vector<2000x128xf32>
    %mul3A_34 = vector.broadcast %get3A_33 : vector<1x128xf32> to vector<2000x128xf32>
    %mul3A_35 = arith.mulf %mul3A, %mul3A_34 : vector<2000x128xf32>
    %add3A_36 = arith.addf %dot_general3A_30, %mul3A_35 : vector<2000x128xf32>
    %get3A_37 = arith.constant 0 : index
    %get3A_38 = arith.constant 0 : index
    %get3A_39 = vector.load %arg7[%get3A_37, %get3A_38] : memref<256x128xf32, #tpu.memory_space<vmem>>, vector<256x128xf32>
    %slice3A = vector.extract_strided_slice %get3A_39 {offsets = [0, 0], sizes = [128, 128], strides = [1, 1]} : vector<256x128xf32> to vector<128x128xf32>
    %dot_general3A_40 = arith.constant dense<0.000000e+00> : vector<2000x128xf32>
    %dot_general3A_41 = tpu.matmul %get3A_1, %slice3A, %dot_general3A_40 {dimension_numbers = #tpu.dot_dimension_numbers<[1], [0], [0], [1], [0, 0, 1, 1], [], []>, transpose_lhs_hint = false} : vector<2000x128xf32>, vector<128x128xf32>, vector<2000x128xf32> -> vector<2000x128xf32>
    %slice3A_42 = vector.extract_strided_slice %get3A_39 {offsets = [128, 0], sizes = [128, 128], strides = [1, 1]} : vector<256x128xf32> to vector<128x128xf32>
    %dot_general3A_43 = arith.constant dense<0.000000e+00> : vector<2000x128xf32>
    %dot_general3A_44 = tpu.matmul %add3A_36, %slice3A_42, %dot_general3A_43 {dimension_numbers = #tpu.dot_dimension_numbers<[1], [0], [0], [1], [0, 0, 1, 1], [], []>, transpose_lhs_hint = false} : vector<2000x128xf32>, vector<128x128xf32>, vector<2000x128xf32> -> vector<2000x128xf32>
    %add3A_45 = arith.addf %dot_general3A_41, %dot_general3A_44 : vector<2000x128xf32>
    %get3A_46 = arith.constant 0 : index
    %get3A_47 = arith.constant 0 : index
    %get3A_48 = vector.load %arg8[%get3A_46, %get3A_47] : memref<1x128xf32, #tpu.memory_space<vmem>>, vector<1x128xf32>
    %add3A_49 = vector.broadcast %get3A_48 : vector<1x128xf32> to vector<2000x128xf32>
    %add3A_50 = arith.addf %add3A_45, %add3A_49 : vector<2000x128xf32>
    %logistic3A = arith.negf %add3A_50 : vector<2000x128xf32>
    %logistic3A_51 = math.exp %logistic3A : vector<2000x128xf32>
    %logistic3A_52 = arith.constant 1.000000e+00 : f32
    %logistic3A_53 = vector.broadcast %logistic3A_52 : f32 to vector<2000x128xf32>
    %logistic3A_54 = arith.addf %logistic3A_53, %logistic3A_51 : vector<2000x128xf32>
    %logistic3A_55 = arith.divf %logistic3A_53, %logistic3A_54 : vector<2000x128xf32>
    %mul3A_56 = arith.mulf %add3A_50, %logistic3A_55 : vector<2000x128xf32>
    %get3A_57 = arith.constant 0 : index
    %get3A_58 = arith.constant 0 : index
    %get3A_59 = vector.load %arg9[%get3A_57, %get3A_58] : memref<128x128xf32, #tpu.memory_space<vmem>>, vector<128x128xf32>
    %dot_general3A_60 = arith.constant dense<0.000000e+00> : vector<2000x128xf32>
    %dot_general3A_61 = tpu.matmul %mul3A_56, %get3A_59, %dot_general3A_60 {dimension_numbers = #tpu.dot_dimension_numbers<[1], [0], [0], [1], [0, 0, 1, 1], [], []>, transpose_lhs_hint = false} : vector<2000x128xf32>, vector<128x128xf32>, vector<2000x128xf32> -> vector<2000x128xf32>
    %get3A_62 = arith.constant 0 : index
    %get3A_63 = arith.constant 0 : index
    %get3A_64 = vector.load %arg10[%get3A_62, %get3A_63] : memref<1x128xf32, #tpu.memory_space<vmem>>, vector<1x128xf32>
    %add3A_65 = vector.broadcast %get3A_64 : vector<1x128xf32> to vector<2000x128xf32>
    %add3A_66 = arith.addf %dot_general3A_61, %add3A_65 : vector<2000x128xf32>
    %logistic3A_67 = arith.negf %add3A_66 : vector<2000x128xf32>
    %logistic3A_68 = math.exp %logistic3A_67 : vector<2000x128xf32>
    %logistic3A_69 = arith.constant 1.000000e+00 : f32
    %logistic3A_70 = vector.broadcast %logistic3A_69 : f32 to vector<2000x128xf32>
    %logistic3A_71 = arith.addf %logistic3A_70, %logistic3A_68 : vector<2000x128xf32>
    %logistic3A_72 = arith.divf %logistic3A_70, %logistic3A_71 : vector<2000x128xf32>
    %mul3A_73 = arith.mulf %add3A_66, %logistic3A_72 : vector<2000x128xf32>
    %get3A_74 = arith.constant 0 : index
    %get3A_75 = arith.constant 0 : index
    %get3A_76 = vector.load %arg11[%get3A_74, %get3A_75] : memref<128x128xf32, #tpu.memory_space<vmem>>, vector<128x128xf32>
    %dot_general3A_77 = arith.constant dense<0.000000e+00> : vector<2000x128xf32>
    %dot_general3A_78 = tpu.matmul %mul3A_73, %get3A_76, %dot_general3A_77 {dimension_numbers = #tpu.dot_dimension_numbers<[1], [0], [0], [1], [0, 0, 1, 1], [], []>, transpose_lhs_hint = false} : vector<2000x128xf32>, vector<128x128xf32>, vector<2000x128xf32> -> vector<2000x128xf32>
    %add3A_79 = arith.addf %get3A_1, %dot_general3A_78 : vector<2000x128xf32>
    %get3A_80 = arith.constant 0 : index
    %get3A_81 = arith.constant 0 : index
    %get3A_82 = vector.load %arg12[%get3A_80, %get3A_81] : memref<1x128xf32, #tpu.memory_space<vmem>>, vector<1x128xf32>
    %add3A_83 = vector.broadcast %get3A_82 : vector<1x128xf32> to vector<2000x128xf32>
    %add3A_84 = arith.addf %add3A_79, %add3A_83 : vector<2000x128xf32>
    %swap3A = arith.constant 0 : index
    %swap3A_85 = arith.constant 0 : index
    %swap3A_86 = vector.load %arg13[%swap3A, %swap3A_85] : memref<2000x128xf32, #tpu.memory_space<vmem>>, vector<2000x128xf32>
    tpu.vector_store %arg13[%swap3A, %swap3A_85], %add3A_84 {strides = array<i32>} : memref<2000x128xf32, #tpu.memory_space<vmem>>, vector<2000x128xf32>,
    %get3A_87 = arith.constant 0 : index
    %get3A_88 = arith.constant 0 : index
    %get3A_89 = vector.load %arg2[%get3A_87, %get3A_88] : memref<2000x8xf32, #tpu.memory_space<vmem>>, vector<2000x8xf32>
    %lt3A = arith.constant 3 : i32
    %lt3A_90 = vector.broadcast %lt3A : i32 to vector<2000x8xi32>
    %lt3A_91 = arith.cmpi slt, %iota3A, %lt3A_90 : vector<2000x8xi32>
    %jit3A_92 = arith.constant 0.000000e+00 : f32
    %broadcast_in_dim3A_93 = vector.broadcast %jit3A_92 : f32 to vector<2000x8xf32>
    %select_n3A_94 = arith.select %lt3A_91, %add3A_22, %broadcast_in_dim3A_93 : vector<2000x8xi1>, vector<2000x8xf32>
    %add3A_95 = arith.addf %get3A_89, %select_n3A_94 : vector<2000x8xf32>
    %swap3A_96 = arith.constant 0 : index
    %swap3A_97 = arith.constant 0 : index
    %swap3A_98 = vector.load %arg14[%swap3A_96, %swap3A_97] : memref<2000x8xf32, #tpu.memory_space<vmem>>, vector<2000x8xf32>
    tpu.vector_store %arg14[%swap3A_96, %swap3A_97], %add3A_95 {strides = array<i32>} : memref<2000x8xf32, #tpu.memory_space<vmem>>, vector<2000x8xf32>,
    return
  }
  func.func @transform_0(%arg0: i32) -> (i32, i32) {
    %c0_i32 = arith.constant 0 : i32
    %c0_i32_0 = arith.constant 0 : i32
    return %arg0, %c0_i32 : i32, i32
  }
  func.func @transform_1(%arg0: i32) -> (i32, i32) {
    %c0_i32 = arith.constant 0 : i32
    %c0_i32_0 = arith.constant 0 : i32
    return %arg0, %c0_i32 : i32, i32
  }
  func.func @transform_2(%arg0: i32) -> (i32, i32, i32) {
    %c0_i32 = arith.constant 0 : i32
    %c0_i32_0 = arith.constant 0 : i32
    %c0_i32_1 = arith.constant 0 : i32
    return %c0_i32, %arg0, %c0_i32_0 : i32, i32, i32
  }
  func.func @transform_3(%arg0: i32) -> (i32, i32, i32) {
    %c0_i32 = arith.constant 0 : i32
    %c0_i32_0 = arith.constant 0 : i32
    %c0_i32_1 = arith.constant 0 : i32
    return %c0_i32, %arg0, %c0_i32_0 : i32, i32, i32
  }
  func.func @transform_4(%arg0: i32) -> (i32, i32) {
    %c0_i32 = arith.constant 0 : i32
    %c0_i32_0 = arith.constant 0 : i32
    %c0_i32_1 = arith.constant 0 : i32
    return %c0_i32, %c0_i32_0 : i32, i32
  }
  func.func @transform_5(%arg0: i32) -> (i32, i32) {
    %c0_i32 = arith.constant 0 : i32
    %c0_i32_0 = arith.constant 0 : i32
    %c0_i32_1 = arith.constant 0 : i32
    return %c0_i32, %c0_i32_0 : i32, i32
  }
  func.func @transform_6(%arg0: i32) -> (i32, i32) {
    %c0_i32 = arith.constant 0 : i32
    %c0_i32_0 = arith.constant 0 : i32
    %c0_i32_1 = arith.constant 0 : i32
    return %c0_i32, %c0_i32_0 : i32, i32
  }
  func.func @transform_7(%arg0: i32) -> (i32, i32) {
    %c0_i32 = arith.constant 0 : i32
    %c0_i32_0 = arith.constant 0 : i32
    %c0_i32_1 = arith.constant 0 : i32
    return %c0_i32, %c0_i32_0 : i32, i32
  }
  func.func @transform_8(%arg0: i32) -> (i32, i32) {
    %c0_i32 = arith.constant 0 : i32
    %c0_i32_0 = arith.constant 0 : i32
    %c0_i32_1 = arith.constant 0 : i32
    return %c0_i32, %c0_i32_0 : i32, i32
  }
  func.func @transform_9(%arg0: i32) -> (i32, i32) {
    %c0_i32 = arith.constant 0 : i32
    %c0_i32_0 = arith.constant 0 : i32
    %c0_i32_1 = arith.constant 0 : i32
    return %c0_i32, %c0_i32_0 : i32, i32
  }
  func.func @transform_10(%arg0: i32) -> (i32, i32) {
    %c0_i32 = arith.constant 0 : i32
    %c0_i32_0 = arith.constant 0 : i32
    %c0_i32_1 = arith.constant 0 : i32
    return %c0_i32, %c0_i32_0 : i32, i32
  }
  func.func @transform_11(%arg0: i32) -> (i32, i32) {
    %c0_i32 = arith.constant 0 : i32
    %c0_i32_0 = arith.constant 0 : i32
    %c0_i32_1 = arith.constant 0 : i32
    return %c0_i32, %c0_i32_0 : i32, i32
  }
  func.func @transform_12(%arg0: i32) -> (i32, i32) {
    %c0_i32 = arith.constant 0 : i32
    %c0_i32_0 = arith.constant 0 : i32
    return %arg0, %c0_i32 : i32, i32
  }
  func.func @transform_13(%arg0: i32) -> (i32, i32) {
    %c0_i32 = arith.constant 0 : i32
    %c0_i32_0 = arith.constant 0 : i32
    return %arg0, %c0_i32 : i32, i32
  }
}

</mosaic_0001>

<sc_bundles>
// kernel: kernel.10.cloned.1.call-start
scs
__scs_entry_jumppad:
0x0: {  	(pc) =	sbr.rel $0x88, $3  }
0x1: {  	(tag) =	ssettag $0x0;
	lr =	simm.s32 $0x1  }
0x2: {  	[smem:$0x3F8E] =	sst lr;
	_ =	strace $0xD0000000  }
0x3: {  	_ = 	snop  }
0x4: {  	_ = 	snop  }
0x5: {  	_ = 	snop  }
0x6: {  	_ = 	snop  }
0x7: {  	_ = 	snop  }
__scs_overlays_trampoline_lowered:
0x8: {  	[smem:$0x3F9D] =	sst s0  }
0x9: {  	[smem:$0x3F9E] =	sst s1  }
0xa: {  	[smem:$0x3F9F] =	sst s2  }
0xb: {  	[smem:$0x3FA0] =	sst s3  }
0xc: {  	[smem:$0x3FA1] =	sst s4  }
0xd: {  	[smem:$0x3FA2] =	sst s5  }
0xe: {  	[smem:$0x3FA3] =	sst s6  }
0xf: {  	[smem:$0x3FA4] =	sst s7  }
0x10: {  	[smem:$0x3FA5] =	sst s8  }
0x11: {  	[smem:$0x3FA6] =	sst s9;
	s0 =	simm.s32 @!p0 $0x0  }
0x12: {  	s1 =	sld [smem:$0x3F8C];
	s0 =	simm.s32 @p0 $0x1  }
0x13: {  	[smem:$0x3FA7] =	sst s0;
	s0 =	simm.s32 @!p1 $0x0  }
0x14: {  	s2 =	sld [smem:$0x3F8B];
	s0 =	simm.s32 @p1 $0x1  }
0x15: {  	[smem:$0x3FA8] =	sst s0;
	s0 =	simm.s32 @!p2 $0x0  }
0x16: {  	s3 =	sld [smem:$0x3FDB];
	s0 =	simm.s32 @p2 $0x1  }
0x17: {  	s4 =	simm.s32 $0x1BF5;
	[smem:$0x3FAA] =	sst s0  }
0x18: {  	s0 =	sld [smem:$0x3F8D];
	_ =	swait.ge [sflag:s4], $0x0  }
0x19: {  	s7 =	sld [smem:$0x3F8E]  }
0x1a: {  	s8 =	sadd.s32 $0xFFFFE003, lr  }
0x1b: {  	s9 =	sadd.s32 $0xFFFFFEF7, lr;
	s5 =	simm.s32 $0xFFFFFFFF;
	p2 =	slt.u32 s8, $0xFFFFF086  }
0x1c: {  	p1 =	slt.u32 s9, $0xF7A;
	s5 =	simm.s32 @!p2 $0x0  }
0x1d: {  	s5 =	simm.s32 @p1 $0x1;
	p0 =	seq.s32 s7, s2  }
0x1e: {  	s7 =	smul.u32 @!p0 $0xF7A, s2;
	p2 =	seq.s32 @!p0 s5, $0x0  }
0x1f: {  	s9 =	smul.u32 $0xF7A, s1;
	s8 =	simm.s32 @!p0 $0x1BF5;
	p2 =	por !p2, p0  }
0x20: {  	[sflag:s8] =	ssyncset.s32 @!p0 $0xFFFFF086;
	s6 =	sadd.s32 @!p0 s3, s7;
	s7 =	simm.s32 @!p0 $0x108  }
0x21: {  	s3 =	sadd.s32 s3, s9;
	s6 =	sadd.s32 @!p0 $0x88, s6;
	s7 =	simm.s32 @p2 $0x1082  }
0x22: {  	[simem:s7], [sflag:s8] =	dma.local @!p0 [hbm:s6], $0xF7A  }
0x23: {  	s9 =	sor.u32 $0xD0000000, s2;
	s6 =	simm.s32 $0x108;
	_ =	swait.ge @!p0 [sflag:s8], $0x0  }
0x24: {  	s3 =	sadd.s32 $0x88, s3;
	s6 =	simm.s32 @!p1 $0x1082;
	[sflag:s4] =	ssyncset.s32 $0xFFFFF086  }
0x25: {  	[simem:s6], [sflag:s4] =	dma.local [hbm:s3], $0xF7A  }
0x26: {  	[smem:$0x3F8E] =	sst s1;
	(tag) =	ssettag s2;
	_ =	strace s9  }
0x27: {  	s1 =	sld [smem:$0x3F9E]  }
0x28: {  	s2 =	sld [smem:$0x3F9F]  }
0x29: {  	s4 =	sld [smem:$0x3FA1]  }
0x2a: {  	p0 =	seq.s32 s5, $0x0;
	s5 =	sld [smem:$0x3FA2]  }
0x2b: {  	s6 =	sld [smem:$0x3FA3]  }
0x2c: {  	s7 =	sld [smem:$0x3FA4]  }
0x2d: {  	s3 =	simm.s32 $0x108;
	s8 =	sld [smem:$0x3FA5]  }
0x2e: {  	s3 =	simm.s32 @!p0 $0x1082;
	s9 =	sld [smem:$0x3FA6]  }
0x2f: {  	lr =	sadd.s32 s0, s3;
	s0 =	sld [smem:$0x3F9D]  }
0x30: {  	s3 =	sld [smem:$0x3FA0]  }
0x31: {  	[smem:$0x3FA9] =	sst s10  }
0x32: {  	s10 =	sld [smem:$0x3FA7];
	_ =	sdelay $0x3  }
0x33: {  	p0 =	seq.s32 s10, $0x1;
	s10 =	sld [smem:$0x3FA9];
	_ =	sdelay $0x3  }
0x34: {  	[smem:$0x3FA9] =	sst s10  }
0x35: {  	s10 =	sld [smem:$0x3FA8];
	_ =	sdelay $0x3  }
0x36: {  	p1 =	seq.s32 s10, $0x1;
	s10 =	sld [smem:$0x3FA9];
	_ =	sdelay $0x3  }
0x37: {  	[smem:$0x3FA9] =	sst s10  }
0x38: {  	s10 =	sld [smem:$0x3FAA]  }
0x39: {  	_ = 	snop;
	(pc) =	sbr.ind lr, $3  }
0x3a: {  	_ = 	snop  }
0x3b: {  	_ = 	snop  }
0x3c: {  	p2 =	seq.s32 s10, $0x1;
	s10 =	sld [smem:$0x3FA9]  }
0x3d: {  	_ =	shalt  }
0x3e: {  	_ =	shalt  }
0x3f: {  	_ =	shalt  }
0x40: {  	_ =	shalt  }
0x41: {  	_ =	shalt  }
0x42: {  	_ =	shalt  }
0x43: {  	_ =	shalt  }
0x44: {  	_ =	shalt  }
0x45: {  	_ =	shalt  }
0x46: {  	_ =	shalt  }
0x47: {  	_ =	shalt  }
0x48: {  	_ =	shalt  }
0x49: {  	_ =	shalt  }
0x4a: {  	_ =	shalt  }
0x4b: {  	_ =	shalt  }
0x4c: {  	_ =	shalt  }
0x4d: {  	_ =	shalt  }
0x4e: {  	_ =	shalt  }
0x4f: {  	_ =	shalt  }
0x50: {  	_ =	shalt  }
0x51: {  	_ =	shalt  }
0x52: {  	_ =	shalt  }
0x53: {  	_ =	shalt  }
0x54: {  	_ =	shalt  }
0x55: {  	_ =	shalt  }
0x56: {  	_ =	shalt  }
0x57: {  	_ =	shalt  }
0x58: {  	_ =	shalt  }
0x59: {  	_ =	shalt  }
0x5a: {  	_ =	shalt  }
0x5b: {  	_ =	shalt  }
0x5c: {  	_ =	shalt  }
0x5d: {  	_ =	shalt  }
0x5e: {  	_ =	shalt  }
0x5f: {  	_ =	shalt  }
0x60: {  	_ =	shalt  }
0x61: {  	_ =	shalt  }
0x62: {  	_ =	shalt  }
0x63: {  	_ =	shalt  }
0x64: {  	_ =	shalt  }
0x65: {  	_ =	shalt  }
0x66: {  	_ =	shalt  }
0x67: {  	_ =	shalt  }
0x68: {  	_ =	shalt  }
0x69: {  	_ =	shalt  }
0x6a: {  	_ =	shalt  }
0x6b: {  	_ =	shalt  }
0x6c: {  	_ =	shalt  }
0x6d: {  	_ =	shalt  }
0x6e: {  	_ =	shalt  }
0x6f: {  	_ =	shalt  }
0x70: {  	_ =	shalt  }
0x71: {  	_ =	shalt  }
0x72: {  	_ =	shalt  }
0x73: {  	_ =	shalt  }
0x74: {  	_ =	shalt  }
0x75: {  	_ =	shalt  }
0x76: {  	_ =	shalt  }
0x77: {  	_ =	shalt  }
0x78: {  	_ =	shalt  }
0x79: {  	_ =	shalt  }
0x7a: {  	_ =	shalt  }
0x7b: {  	_ =	shalt  }
0x7c: {  	_ =	shalt  }
0x7d: {  	_ =	shalt  }
0x7e: {  	_ =	shalt  }
0x7f: {  	_ =	shalt  }
0x80: {  	_ =	shalt  }
0x81: {  	_ =	shalt  }
0x82: {  	_ =	shalt  }
0x83: {  	_ =	shalt  }
0x84: {  	_ =	shalt  }
0x85: {  	_ =	shalt  }
0x86: {  	_ =	shalt  }
0x87: {  	_ =	shalt  }
.Lfunc_end0:
.L_simem_size_0:
called_computation.1_lowered:
.L_overlay_start_0:
0x88: {  	s2 =	sld [smem:$0x3FD9]  }
0x89: {  	s3 =	sld [smem:$0x3FFE];
	_ =	sdelay $0x1  }
0x8a: {  	s1 =	srdreg.scid  }
0x8b: {  	s0 =	sand.u32 $0x1, s1  }
0x8c: {  	s14 =	sshll.u32 s0, $0xA;
	s2 =	sadd.s32 s3, s2  }
0x8d: {  	s2 =	sadd.s32 s2, s14  }
0x8e: {  	[smem:$0x3FB5] =	sst s2  }
0x8f: {  	_ = 	snop  }
0x90: {  	s2 =	sld [smem:$0x3FD0];
	_ =	sdelay $0x2  }
0x91: {  	s15 =	simm.s32 $0xA;
	s4 =	simm.s32 $0x10  }
0x92: {  	[smem:s4], [sflag:s15] =	dma.local [hbm:s2], $0x1  }
0x93: {  	_ =	swait.eq [sflag:s15], $0x1  }
0x94: {  	[sflag:s15] =	ssyncset.done $0x0  }
0x95: {  	s16 =	sld [smem:$0x10];
	[sflag:s15] =	ssyncadd.s32 $0xFFFFFFFF  }
0x96: {  	s17 =	sld [smem:$0x11];
	(tm) =	ssettm $0x1  }
0x97: {  	s18 =	sld [smem:$0x3FFB];
	_ =	sdelay $0x3  }
0x98: {  	_ =	strace s18  }
0x99: {  	s4 =	sld [smem:$0x3FFC];
	_ =	sdelay $0x3  }
0x9a: {  	_ =	strace s4  }
0x9b: {  	s4 =	sld [smem:$0x3FFD];
	_ =	sdelay $0x3  }
0x9c: {  	_ =	strace s4  }
0x9d: {  	_ =	strace $0x8FFFFFFF  }
0x9e: {  	s19 =	sld [smem:$0x3FDB];
	_ =	sdelay $0x1  }
0x9f: {  	s5 =	simm.s32 $_scs_section_size  }
0xa0: {  	s6 =	simm.s32 $_size__tile_overlayer_lowered;
	s7 =	simm.s32 $_tile_overlayer_lowered  }
0xa1: {  	s22 =	simm.s32 $0x1BFF;
	s21 =	sshll.u32 s7, $0x1;
	s4 =	sadd.s32 s5, s19  }
0xa2: {  	s8 =	simm.s32 $0x0;
	s20 =	sshll.u32 s6, $0x1;
	s6 =	sadd.s32 s21, s4  }
0xa3: {  	[timem:s8], [sflag:s22] =	dma.local [hbm:s6], s20  }
0xa4: {  	_ =	swait.ge [sflag:s22], s20  }
0xa5: {  	s5 =	ssub.s32 $0x0, s20;
	[sflag:s22] =	ssyncset.done $0x0  }
0xa6: {  	[sflag:s22] =	ssyncadd.s32 s5;
	_ =	sdelay $0x1  }
0xa7: {  	s23 =	simm.s32 $0x1B8B  }
0xa8: {  	_ =	swait.ge [sflag:s23], $0x1  }
0xa9: {  	[sflag:s23] =	ssyncset.done $0x0  }
0xaa: {  	s25 =	simm.s32 $0x1B8E;
	s24 =	sld [smem:$0x3FFE];
	[sflag:s23] =	ssyncadd.s32 $0xFFFFFFFF  }
0xab: {  	s26 =	simm.s32 $execute0_lowered;
	[smem:$0x3FD2] =	sst s25  }
0xac: {  	s6 =	sshll.u32 s26, $0x1;
	_ =	strace $0x80000049;
	[dreg:$0x1] =	wrdreg $0xFFFFFFFF  }
0xad: {  	s28 =	simm.s32 $_size_execute0_lowered;
	s4 =	sadd.s32 s4, s6;
	[dreg:$0x0] =	wrdreg $0x0  }
0xae: {  	s6 =	sshll.u32 s28, $0x1;
	[dreg:$0x2] =	wrdreg s4  }
0xaf: {  	[dreg:$0x3] =	wrdreg s6  }
0xb0: {  	[dreg:$0x4] =	wrdreg $0xC0  }
0xb1: {  	_ =	task [dreg:s8], $0x5FFFF  }
0xb2: {  	[dreg:$0x1] =	wrdreg $0xFFFFFFFF  }
0xb3: {  	[dreg:$0x0] =	wrdreg $0x60  }
0xb4: {  	[dreg:$0x2] =	wrdreg s24  }
0xb5: {  	[dreg:$0x3] =	wrdreg s16  }
0xb6: {  	[dreg:$0x4] =	wrdreg s17  }
0xb7: {  	[dreg:$0x5] =	wrdreg $0xA3000  }
0xb8: {  	[dreg:$0x6] =	wrdreg $0x1E3000  }
0xb9: {  	[dreg:$0x7] =	wrdreg $0x9  }
0xba: {  	_ =	task.clear_ibuf [dreg:s8], $0x8FFFF;
	_ =	strace $0x90000049  }
0xbb: {  	s29 =	simm.s32 $0x9;
	_ =	strace $0x8000004B  }
0xbc: {  	_ =	swait.ge [sflag:s29], $0x1  }
0xbd: {  	[sflag:s29] =	ssyncadd.s32 $0xFFFFFFFF  }
0xbe: {  	_ =	strace $0x9000004B  }
0xbf: {  	_ =	sfence  }
0xc0: {  	s30 =	sld [smem:$0x0];
	_ =	sdelay $0x2  }
0xc1: {  	s31 =	sshll.u32 s1, $0xD;
	s1 =	sshrl.u32 s1, $0x2  }
0xc2: {  	s3 =	sand.u32 $0x4000, s31;
	s1 =	sadd.s32 s1, s30  }
0xc3: {  	s0 =	sor.u32 s3, s0;
	s1 =	sshll.u32 s1, $0x11  }
0xc4: {  	s0 =	sor.u32 s1, s0  }
0xc5: {  	s0 =	sadd.s32 $0x8F2B, s0  }
0xc6: {  	[sflag:s0] =	ssyncadd.remote.s32 $0x1  }
0xc7: {  	_ =	sfence.sel $0xFFFF  }
0xc8: {  	[dreg:$0x0] =	wrdreg $0xFFFFFFFF;
	(pc) =	sbr.abs _section_cstart, $3  }
0xc9: {  	[dreg:$0x1] =	wrdreg $0xFFFFFFFF  }
0xca: {  	_ =	task.clear_ibuf [dreg:s8], $0x2FFFF;
	_ =	strace $0x9FFFFFFF  }
0xcb: {  	(tm) =	ssettm $0x7FFFFFFF  }
tec
execute0_lowered:
.L_overlay_start_1:
0x0: {  	(tag) =	ssettag $0x1  }
0x1: {  	s1 =	rddreg [dreg:$0x0]  }
0x2: {  	s0 =	rddreg [dreg:$0x1]  }
0x3: {  	s2 =	rddreg [dreg:$0x2]  }
0x4: {  	s3 =	rddreg [dreg:$0x3]  }
0x5: {  	s5 =	srdreg.scid;
	s20 =	stileid.u32  }
0x6: {  	s4 =	rddreg [dreg:$0x4];
	s28 =	simm.s32 $0x5280;
	s7 =	smul.u32 $0x14000, s20  }
0x7: {  	s29 =	simm.s32 $0x5300;
	s30 =	simm.s32 $0x7B00;
	s13 =	smul.u32 $0x50000, s20  }
0x8: {  	s31 =	simm.s32 $0x1;
	s9 =	sand.u32 $0x1, s5;
	s26 =	smul.u32 $0x5000, s20  }
0x9: {  	s5 =	simm.s32 $0x0;
	s10 =	sadd.s32 $0x9FAC00, s1;
	s19 =	smul.u32 $0x1400, s20  }
0xa: {  	s11 =	sadd.s32 $0xEDCC00, s1;
	s12 =	sshll.u32 s20, $0x1;
	s21 =	smul.u32 $0x4E20, s20  }
0xb: {  	s25 =	sshll.u32 s20, $0x6;
	s6 =	smul.u32 $0x140000, s9;
	[smem:$0x7FF] =	sst s5  }
0xc: {  	s8 =	ssub.s32 $0x2, s9;
	s12 =	sor.u32 s9, s12;
	s16 =	smul.u32 $0x14000, s9  }
0xd: {  	_ =	strace $0x8000004A;
	s23 =	sshrl.u32 s8, $0x1;
	s15 =	smul.u32 $0x2710, s12  }
0xe: {  	s24 =	sshrl.u32 s13, $0x2;
	s13 =	sshrl.u32 s26, $0x2;
	s12 =	smul.u32 $0x27100, s12  }
0xf: {  	s7 =	sadd.s32 s7, s6;
	s19 =	sadd.s32 s19, s16;
	s16 =	smul.u32 $0x4E200, s20  }
0x10: {  	s14 =	ssub.s32 s8, s23;
	s8 =	sor.u32 $0x1C03, s25;
	s25 =	smul.u32 $0x2710, s9  }
0x11: {  	s6 =	sadd.s32 $0x4800, s1;
	s13 =	sadd.s32 s13, s4;
	s9 =	smul.u32 $0x27100, s9  }
0x12: {  	s7 =	sshrl.u32 s7, $0x3;
	[dreg:$0x8] =	wrdreg s13;
	s15 =	sshrl.u32 s15, $0x3  }
0x13: {  	s13 =	sshrl.u32 s19, $0x3;
	s26 =	sadd.s32 s10, s12;
	s12 =	sadd.s32 s11, s12  }
0x14: {  	s14 =	smax.u32 s14, $0x1;
	s19 =	simm.s32 $0x3;
	s1 =	sadd.s32 s7, s1  }
0x15: {  	s7 =	sadd.s32 s24, s3;
	s24 =	sadd.s32 s6, s15;
	[dreg:$0xb] =	wrdreg s26  }
0x16: {  	s2 =	sadd.s32 s2, s13;
	[dreg:$0xc] =	wrdreg s12;
	s13 =	sadd.s32 s16, s10  }
0x17: {  	[dreg:$0xe] =	wrdreg s14;
	s16 =	sadd.s32 s16, s11;
	s11 =	simm.s32 $0x5200  }
0x18: {  	s12 =	simm.s32 $0x0;
	s17 =	sadd.s32 $0x4000, s7;
	[dreg:$0x7] =	wrdreg s7  }
0x19: {  	s18 =	sadd.s32 $0x8000, s7;
	s22 =	sadd.s32 $0xC000, s7;
	[dreg:$0x9] =	wrdreg s24  }
0x1a: {  	s23 =	sadd.s32 $0x10000, s7;
	[dreg:$0xa] =	wrdreg s2;
	s1 =	sadd.s32 $0xE600, s1  }
0x1b: {  	s2 =	sadd.s32 s25, s21;
	[dreg:$0xd] =	wrdreg s1;
	s1 =	sadd.s32 s9, s13  }
0x1c: {  	s16 =	sadd.s32 s9, s16;
	s17 =	sshrl.u32 s17, $0x3;
	[dreg:$0x6] =	wrdreg s1  }
0x1d: {  	s15 =	sadd.s32 $0x50, s2;
	s24 =	sshrl.u32 s18, $0x3;
	[dreg:$0xf] =	wrdreg s17  }
0x1e: {  	s20 =	sadd.s32 $0xA0, s2;
	s25 =	sshrl.u32 s22, $0x3;
	[dreg:$0x10] =	wrdreg s24  }
0x1f: {  	s26 =	sshrl.u32 s23, $0x3;
	s2 =	simm.s32 $0x80;
	[dreg:$0x11] =	wrdreg s25  }
0x20: {  	s9 =	simm.s32 $0x2;
	s10 =	sshrl.u32 s15, $0x3;
	[dreg:$0x12] =	wrdreg s26  }
0x21: {  	s24 =	simm.s32 $0x100;
	s25 =	simm.s32 $0x180;
	s26 =	simm.s32 $0x2980  }
0x22: {  	s1 =	simm.s32 $0x50;
	s21 =	sadd.s32 s10, s6;
	s10 =	simm.s32 $0x5180  }
.LBB2_1:
0x23: {  	s7 =	rddreg [dreg:$0x7]  }
0x24: {  	s13 =	sshrl.u32 s7, $0x3  }
0x25: {  	[spmem:s13], [sflag:s8] =	dma.local [hbm:s0], $0x800  }
0x26: {  	_ =	swait.ge [sflag:s19], $0x800  }
0x27: {  	[sflag:s19] =	ssyncset.done $0x0  }
0x28: {  	s22 =	rddreg [dreg:$0xf];
	[sflag:s19] =	ssyncadd.s32 $0xFFFFF800  }
0x29: {  	[spmem:s22], [sflag:s8] =	dma.local [hbm:s0], $0x800  }
0x2a: {  	_ =	swait.ge [sflag:s19], $0x800  }
0x2b: {  	[sflag:s19] =	ssyncset.done $0x0  }
0x2c: {  	s23 =	rddreg [dreg:$0x10];
	[sflag:s19] =	ssyncadd.s32 $0xFFFFF800  }
0x2d: {  	[spmem:s23], [sflag:s8] =	dma.local [hbm:s0], $0x800  }
0x2e: {  	_ =	swait.ge [sflag:s19], $0x800  }
0x2f: {  	[sflag:s19] =	ssyncset.done $0x0  }
0x30: {  	s14 =	rddreg [dreg:$0x11];
	[sflag:s19] =	ssyncadd.s32 $0xFFFFF800  }
0x31: {  	[spmem:s14], [sflag:s8] =	dma.local [hbm:s0], $0x800  }
0x32: {  	_ =	swait.ge [sflag:s19], $0x800  }
0x33: {  	[sflag:s19] =	ssyncset.done $0x0  }
0x34: {  	s15 =	rddreg [dreg:$0x12];
	[sflag:s19] =	ssyncadd.s32 $0xFFFFF800  }
0x35: {  	[spmem:s15], [sflag:s8] =	dma.local [hbm:s0], $0x800  }
0x36: {  	_ =	swait.ge [sflag:s19], $0x800  }
0x37: {  	[sflag:s19] =	ssyncset.done $0x0;
	s17 =	rddreg [dreg:$0x8]  }
0x38: {  	[sflag:s19] =	ssyncadd.s32 $0xFFFFF800;
	s14 =	sshrl.u32 s17, $0x3  }
0x39: {  	[spmem:s14], [sflag:s8] =	dma.local [hbm:s0], $0x280  }
0x3a: {  	_ =	swait.ge [sflag:s19], $0x280  }
0x3b: {  	[sflag:s19] =	ssyncset.done $0x0  }
0x3c: {  	[sflag:s19] =	ssyncadd.s32 $0xFFFFFD80  }
0x3d: {  	[bflag:$0x0] =	sbarrier.arrive $0xFFFF  }
0x3e: {  	s18 =	rddreg [dreg:$0x9]  }
0x3f: {  	[tilespmem:s24], [sflag:$0x3] =	stream.linear.gather [hbm4b:s18+s5], $0x50, $0x38;
	[tilespmem:$0x1F700] =	vst v63  }
0x40: {  	_ =	swait.ge [sflag:s19], $0x50  }
0x41: {  	[sflag:s19] =	ssyncset.done $0x0  }
0x42: {  	s22 =	rddreg [dreg:$0xb];
	[sflag:s19] =	ssyncadd.s32 $0xFFFFFFB0  }
0x43: {  	[tilespmem:s25], [sflag:$0x1] =	stream.linear.gather [hbm4b:s22+s5], $0x2800, $0x38;
	[tilespmem:$0x1F700] =	vst v63  }
0x44: {  	s23 =	rddreg [dreg:$0xc]  }
0x45: {  	[tilespmem:s26], [sflag:$0x1] =	stream.linear.gather [hbm4b:s23+s5], $0x2800, $0x38;
	[tilespmem:$0x1F700] =	vst v63  }
0x46: {  	_ = 	snop  }
0x47: {  	[tilespmem:s28], [sflag:$0x3] =	stream.linear.gather [hbm4b:s21+s5], $0x50, $0x38;
	[tilespmem:$0x1F700] =	vst v63  }
0x48: {  	_ =	swait.ge [sflag:s19], $0x50  }
0x49: {  	s15 =	rddreg [dreg:$0x6]  }
0x4a: {  	[sflag:s19] =	ssyncset.done $0x0;
	s15 =	sadd.s32 $0x0, s15  }
0x4b: {  	s18 =	sadd.s32 $0x0, s16;
	[sflag:s19] =	ssyncadd.s32 $0xFFFFFFB0;
	s17 =	sadd.s32 $0x500, s15  }
0x4c: {  	[tilespmem:s29], [sflag:$0x2] =	stream.linear.gather [hbm4b:s17+s5], $0x2800, $0x38;
	[tilespmem:$0x1F700] =	vst v63  }
0x4d: {  	s7 =	sadd.s32 $0x500, s18  }
0x4e: {  	[tilespmem:s30], [sflag:$0x2] =	stream.linear.gather [hbm4b:s7+s5], $0x2800, $0x38;
	[tilespmem:$0x1F700] =	vst v63  }
0x4f: {  	v0 =	vld [tilespmem:$0x140]  }
0x50: {  	v1 =	vld [tilespmem:$0x130];
	_ =	sdelay $0x2  }
0x51: {  	v2 =	vld [tilespmem:$0x110]  }
0x52: {  	v4 =	vshrl.u32 v0, $0xE  }
0x53: {  	v5 =	vld [tilespmem:$0x100];
	v6 =	vshrl.u32 v1, $0xE;
	[tilespmem:$0x40] =	vst v4  }
0x54: {  	v3 =	vld [tilespmem:$0x120];
	v1 =	vshrl.u32 v1, $0x12;
	[tilespmem:$0x30] =	vst v6  }
0x55: {  	v0 =	vshrl.u32 v0, $0x12;
	[tilespmem:$0xB0] =	vst v1  }
0x56: {  	v4 =	vshrl.u32 v2, $0x12;
	[tilespmem:$0xC0] =	vst v0  }
0x57: {  	v2 =	vshrl.u32 v2, $0xE;
	[tilespmem:$0x90] =	vst v4  }
0x58: {  	v1 =	vshrl.u32 v5, $0x12;
	[tilespmem:$0x10] =	vst v2  }
0x59: {  	v4 =	vshrl.u32 v3, $0xE;
	[tilespmem:$0x80] =	vst v1  }
0x5a: {  	v3 =	vshrl.u32 v3, $0x12;
	[tilespmem:$0x20] =	vst v4  }
0x5b: {  	[tilespmem:$0xA0] =	vst v3;
	v3 =	vshrl.u32 v5, $0xE  }
0x5c: {  	[tilespmem:$0x0] =	vst v3  }
0x5d: {  	_ =	swait.ge [sflag:s31], $0x2800  }
0x5e: {  	[sflag:s31] =	ssyncset.done $0x0  }
0x5f: {  	[sflag:s31] =	ssyncadd.s32 $0xFFFFD800  }
0x60: {  	_ =	swait.ge [sflag:s31], $0x2800  }
0x61: {  	[sflag:s31] =	ssyncset.done $0x0  }
0x62: {  	[sflag:s31] =	ssyncadd.s32 $0xFFFFD800  }
0x63: {  	[spmem:s3] =	stream.indirect.scatter.add.f32 [tilespmem:s25], [sflag:$0x1], $0x80, s5, s1, $0xb8;
	[tilespmem:$0x1F700] =	vst v63  }
0x64: {  	_ = 	snop  }
0x65: {  	[spmem:s4] =	stream.indirect.scatter.add.f32 [tilespmem:s26], [sflag:$0x1], $0x80, s2, s1, $0xb8;
	[tilespmem:$0x1F700] =	vst v63  }
0x66: {  	_ =	swait.ge [sflag:s31], $0x2800  }
0x67: {  	[sflag:s31] =	ssyncset.done $0x0  }
0x68: {  	[sflag:s31] =	ssyncadd.s32 $0xFFFFD800  }
0x69: {  	_ =	swait.ge [sflag:s31], $0x2800  }
0x6a: {  	s22 =	sshrl.u32 s20, $0x3;
	[sflag:s31] =	ssyncset.done $0x0  }
0x6b: {  	s17 =	sadd.s32 s6, s22;
	[sflag:s31] =	ssyncadd.s32 $0xFFFFD800  }
0x6c: {  	[tilespmem:s24], [sflag:$0x3] =	stream.linear.gather [hbm4b:s17+s5], $0x50, $0x38;
	[tilespmem:$0x1F700] =	vst v63  }
0x6d: {  	_ =	swait.ge [sflag:s19], $0x50  }
0x6e: {  	[sflag:s19] =	ssyncset.done $0x0  }
0x6f: {  	s15 =	sadd.s32 $0xA00, s15;
	[sflag:s19] =	ssyncadd.s32 $0xFFFFFFB0  }
0x70: {  	[tilespmem:s25], [sflag:$0x1] =	stream.linear.gather [hbm4b:s15+s5], $0x2800, $0x38;
	[tilespmem:$0x1F700] =	vst v63  }
0x71: {  	s23 =	sadd.s32 $0xA00, s18  }
0x72: {  	[tilespmem:s26], [sflag:$0x1] =	stream.linear.gather [hbm4b:s23+s5], $0x2800, $0x38;
	[tilespmem:$0x1F700] =	vst v63  }
0x73: {  	v0 =	vld [tilespmem:$0x52C0]  }
0x74: {  	v1 =	vld [tilespmem:$0x5280]  }
0x75: {  	v2 =	vld [tilespmem:$0x5290]  }
0x76: {  	v3 =	vld [tilespmem:$0x52A0]  }
0x77: {  	v6 =	vld [tilespmem:$0x52B0]  }
0x78: {  	v4 =	vshrl.u32 v0, $0xE  }
0x79: {  	v5 =	vshrl.u32 v1, $0xE;
	[tilespmem:$0x51C0] =	vst v4  }
0x7a: {  	v0 =	vshrl.u32 v0, $0x12;
	v7 =	vshrl.u32 v1, $0x12;
	[tilespmem:$0x5180] =	vst v5  }
0x7b: {  	v1 =	vshrl.u32 v2, $0x12;
	v4 =	vshrl.u32 v2, $0xE;
	v5 =	vshrl.u32 v3, $0xE;
	[tilespmem:$0x5200] =	vst v7  }
0x7c: {  	s18 =	smov.u32 s21;
	s17 =	smov.u32 s20;
	s15 =	simm.s32 $0xA00;
	v2 =	vshrl.u32 v6, $0x12;
	[tilespmem:$0x5190] =	vst v4;
	v4 =	vshrl.u32 v3, $0x12;
	v3 =	vshrl.u32 v6, $0xE  }
.LBB2_2:
0x7d: {  	[tilespmem:$0x51A0] =	vst v5  }
0x7e: {  	[tilespmem:$0x5210] =	vst v1  }
0x7f: {  	[tilespmem:$0x5220] =	vst v4  }
0x80: {  	[tilespmem:$0x5240] =	vst v0  }
0x81: {  	[tilespmem:$0x51B0] =	vst v3  }
0x82: {  	[tilespmem:$0x5230] =	vst v2  }
0x83: {  	_ =	swait.ge [sflag:s9], $0x2800  }
0x84: {  	[sflag:s9] =	ssyncset.done $0x0  }
0x85: {  	[sflag:s9] =	ssyncadd.s32 $0xFFFFD800  }
0x86: {  	_ =	swait.ge [sflag:s9], $0x2800  }
0x87: {  	[sflag:s9] =	ssyncset.done $0x0  }
0x88: {  	[sflag:s9] =	ssyncadd.s32 $0xFFFFD800  }
0x89: {  	[spmem:s3] =	stream.indirect.scatter.add.f32 [tilespmem:s29], [sflag:$0x2], $0x80, s10, s1, $0xb8;
	[tilespmem:$0x1F700] =	vst v63  }
0x8a: {  	_ = 	snop  }
0x8b: {  	[spmem:s4] =	stream.indirect.scatter.add.f32 [tilespmem:s30], [sflag:$0x2], $0x80, s11, s1, $0xb8;
	[tilespmem:$0x1F700] =	vst v63  }
0x8c: {  	_ =	swait.ge [sflag:s9], $0x2800  }
0x8d: {  	[sflag:s9] =	ssyncset.done $0x0  }
0x8e: {  	[sflag:s9] =	ssyncadd.s32 $0xFFFFD800  }
0x8f: {  	_ =	swait.ge [sflag:s9], $0x2800  }
0x90: {  	[sflag:s9] =	ssyncset.done $0x0  }
0x91: {  	s18 =	sadd.s32 $0x14, s18;
	[sflag:s9] =	ssyncadd.s32 $0xFFFFD800  }
0x92: {  	[tilespmem:s28], [sflag:$0x3] =	stream.linear.gather [hbm4b:s18+s5], $0x50, $0x38;
	[tilespmem:$0x1F700] =	vst v63  }
0x93: {  	_ =	swait.ge [sflag:s19], $0x50  }
0x94: {  	s22 =	smov.u32 s15;
	s23 =	rddreg [dreg:$0x6]  }
0x95: {  	[sflag:s19] =	ssyncset.done $0x0;
	s23 =	sadd.s32 s22, s23  }
0x96: {  	[sflag:s19] =	ssyncadd.s32 $0xFFFFFFB0;
	s22 =	sadd.s32 s22, s16;
	s7 =	sadd.s32 $0x500, s23  }
0x97: {  	[tilespmem:s29], [sflag:$0x2] =	stream.linear.gather [hbm4b:s7+s5], $0x2800, $0x38;
	[tilespmem:$0x1F700] =	vst v63  }
0x98: {  	s7 =	sadd.s32 $0x500, s22  }
0x99: {  	[tilespmem:s30], [sflag:$0x2] =	stream.linear.gather [hbm4b:s7+s5], $0x2800, $0x38;
	[tilespmem:$0x1F700] =	vst v63  }
0x9a: {  	v0 =	vld [tilespmem:$0x140]  }
0x9b: {  	v1 =	vld [tilespmem:$0x130];
	_ =	sdelay $0x2  }
0x9c: {  	v2 =	vld [tilespmem:$0x110]  }
0x9d: {  	v5 =	vshrl.u32 v0, $0xE  }
0x9e: {  	v4 =	vld [tilespmem:$0x100];
	v6 =	vshrl.u32 v1, $0xE;
	[tilespmem:$0x40] =	vst v5  }
0x9f: {  	v1 =	vshrl.u32 v1, $0x12;
	[tilespmem:$0x30] =	vst v6  }
0xa0: {  	v3 =	vld [tilespmem:$0x120];
	v0 =	vshrl.u32 v0, $0x12;
	[tilespmem:$0xB0] =	vst v1  }
0xa1: {  	v5 =	vshrl.u32 v2, $0x12;
	[tilespmem:$0xC0] =	vst v0  }
0xa2: {  	v2 =	vshrl.u32 v2, $0xE;
	[tilespmem:$0x90] =	vst v5  }
0xa3: {  	v6 =	vshrl.u32 v4, $0xE;
	[tilespmem:$0x10] =	vst v2  }
0xa4: {  	v1 =	vshrl.u32 v4, $0x12;
	[tilespmem:$0x0] =	vst v6  }
0xa5: {  	v5 =	vshrl.u32 v3, $0xE;
	[tilespmem:$0x80] =	vst v1  }
0xa6: {  	v3 =	vshrl.u32 v3, $0x12;
	[tilespmem:$0x20] =	vst v5  }
0xa7: {  	[tilespmem:$0xA0] =	vst v3  }
0xa8: {  	_ =	swait.ge [sflag:s31], $0x2800  }
0xa9: {  	[sflag:s31] =	ssyncset.done $0x0  }
0xaa: {  	[sflag:s31] =	ssyncadd.s32 $0xFFFFD800  }
0xab: {  	_ =	swait.ge [sflag:s31], $0x2800  }
0xac: {  	[sflag:s31] =	ssyncset.done $0x0  }
0xad: {  	[sflag:s31] =	ssyncadd.s32 $0xFFFFD800  }
0xae: {  	[spmem:s3] =	stream.indirect.scatter.add.f32 [tilespmem:s25], [sflag:$0x1], $0x80, s5, s1, $0xb8;
	[tilespmem:$0x1F700] =	vst v63  }
0xaf: {  	_ = 	snop  }
0xb0: {  	[spmem:s4] =	stream.indirect.scatter.add.f32 [tilespmem:s26], [sflag:$0x1], $0x80, s2, s1, $0xb8;
	[tilespmem:$0x1F700] =	vst v63  }
0xb1: {  	_ =	swait.ge [sflag:s31], $0x2800  }
0xb2: {  	[sflag:s31] =	ssyncset.done $0x0  }
0xb3: {  	[sflag:s31] =	ssyncadd.s32 $0xFFFFD800  }
0xb4: {  	s17 =	sadd.s32 $0xA0, s17;
	_ =	swait.ge [sflag:s31], $0x2800  }
0xb5: {  	s7 =	sshrl.u32 s17, $0x3;
	[sflag:s31] =	ssyncset.done $0x0  }
0xb6: {  	s7 =	sadd.s32 s6, s7;
	[sflag:s31] =	ssyncadd.s32 $0xFFFFD800  }
0xb7: {  	[tilespmem:s24], [sflag:$0x3] =	stream.linear.gather [hbm4b:s7+s5], $0x50, $0x38;
	[tilespmem:$0x1F700] =	vst v63  }
0xb8: {  	_ =	swait.ge [sflag:s19], $0x50  }
0xb9: {  	[sflag:s19] =	ssyncset.done $0x0  }
0xba: {  	s23 =	sadd.s32 $0xA00, s23;
	[sflag:s19] =	ssyncadd.s32 $0xFFFFFFB0  }
0xbb: {  	[tilespmem:s25], [sflag:$0x1] =	stream.linear.gather [hbm4b:s23+s5], $0x2800, $0x38;
	[tilespmem:$0x1F700] =	vst v63  }
0xbc: {  	s23 =	sadd.s32 $0xA00, s22  }
0xbd: {  	[tilespmem:s26], [sflag:$0x1] =	stream.linear.gather [hbm4b:s23+s5], $0x2800, $0x38;
	[tilespmem:$0x1F700] =	vst v63  }
0xbe: {  	v0 =	vld [tilespmem:$0x52C0]  }
0xbf: {  	v1 =	vld [tilespmem:$0x5280]  }
0xc0: {  	v2 =	vld [tilespmem:$0x5290]  }
0xc1: {  	v3 =	vld [tilespmem:$0x52A0]  }
0xc2: {  	p0 =	sne.s32 s15, $0x26200;
	v6 =	vld [tilespmem:$0x52B0]  }
.Ltmp0:
0xc3: {  	v4 =	vshrl.u32 v0, $0xE;
	(pc) =	sbr.rel @p0 .LBB2_2-.Ltmp0, $4  }
0xc4: {  	v5 =	vshrl.u32 v1, $0xE;
	[tilespmem:$0x51C0] =	vst v4  }
0xc5: {  	v0 =	vshrl.u32 v0, $0x12;
	v7 =	vshrl.u32 v1, $0x12;
	[tilespmem:$0x5180] =	vst v5  }
0xc6: {  	v1 =	vshrl.u32 v2, $0x12;
	v4 =	vshrl.u32 v2, $0xE;
	v5 =	vshrl.u32 v3, $0xE;
	[tilespmem:$0x5200] =	vst v7  }
0xc7: {  	s15 =	sadd.s32 $0xA00, s15;
	v2 =	vshrl.u32 v6, $0x12;
	[tilespmem:$0x5190] =	vst v4;
	v4 =	vshrl.u32 v3, $0x12;
	v3 =	vshrl.u32 v6, $0xE  }
0xc8: {  	[tilespmem:$0x51A0] =	vst v5  }
0xc9: {  	[tilespmem:$0x5210] =	vst v1  }
0xca: {  	[tilespmem:$0x5220] =	vst v4  }
0xcb: {  	[tilespmem:$0x5240] =	vst v0  }
0xcc: {  	[tilespmem:$0x51B0] =	vst v3  }
0xcd: {  	[tilespmem:$0x5230] =	vst v2  }
0xce: {  	_ =	swait.ge [sflag:s9], $0x2800  }
0xcf: {  	[sflag:s9] =	ssyncset.done $0x0  }
0xd0: {  	[sflag:s9] =	ssyncadd.s32 $0xFFFFD800  }
0xd1: {  	_ =	swait.ge [sflag:s9], $0x2800  }
0xd2: {  	[sflag:s9] =	ssyncset.done $0x0  }
0xd3: {  	[sflag:s9] =	ssyncadd.s32 $0xFFFFD800  }
0xd4: {  	[spmem:s3] =	stream.indirect.scatter.add.f32 [tilespmem:s29], [sflag:$0x2], $0x80, s10, s1, $0xb8;
	[tilespmem:$0x1F700] =	vst v63  }
0xd5: {  	_ = 	snop  }
0xd6: {  	[spmem:s4] =	stream.indirect.scatter.add.f32 [tilespmem:s30], [sflag:$0x2], $0x80, s11, s1, $0xb8;
	[tilespmem:$0x1F700] =	vst v63  }
0xd7: {  	_ =	swait.ge [sflag:s9], $0x2800  }
0xd8: {  	[sflag:s9] =	ssyncset.done $0x0  }
0xd9: {  	[sflag:s9] =	ssyncadd.s32 $0xFFFFD800  }
0xda: {  	_ =	swait.ge [sflag:s9], $0x2800  }
0xdb: {  	[sflag:s9] =	ssyncset.done $0x0  }
0xdc: {  	[sflag:s9] =	ssyncadd.s32 $0xFFFFD800  }
0xdd: {  	v50 =	vld [tilespmem:$0x100];
	_ =	sdelay $0x1  }
0xde: {  	v51 =	vld [tilespmem:$0x110];
	_ =	sdelay $0x1  }
0xdf: {  	v52 =	vld [tilespmem:$0x120]  }
0xe0: {  	v53 =	vshrl.u32 v50, $0xE  }
0xe1: {  	v54 =	vld [tilespmem:$0x130];
	v0 =	vshrl.u32 v50, $0x12;
	[tilespmem:$0x0] =	vst v53  }
0xe2: {  	v55 =	vshrl.u32 v51, $0xE;
	[tilespmem:$0x80] =	vst v0  }
0xe3: {  	v57 =	vld [tilespmem:$0x140];
	v56 =	vshrl.u32 v51, $0x12;
	[tilespmem:$0x10] =	vst v55  }
0xe4: {  	v58 =	vshrl.u32 v52, $0xE;
	[tilespmem:$0x90] =	vst v56  }
0xe5: {  	v59 =	vshrl.u32 v52, $0x12;
	[tilespmem:$0x20] =	vst v58  }
0xe6: {  	v60 =	vshrl.u32 v54, $0xE;
	[tilespmem:$0xA0] =	vst v59  }
0xe7: {  	v61 =	vshrl.u32 v54, $0x12;
	[tilespmem:$0x30] =	vst v60  }
0xe8: {  	v62 =	vshrl.u32 v57, $0xE;
	[tilespmem:$0xB0] =	vst v61  }
0xe9: {  	v63 =	vshrl.u32 v57, $0x12;
	[tilespmem:$0x40] =	vst v62  }
0xea: {  	[tilespmem:$0xC0] =	vst v63  }
0xeb: {  	_ =	swait.ge [sflag:s31], $0x2800  }
0xec: {  	[sflag:s31] =	ssyncset.done $0x0  }
0xed: {  	[sflag:s31] =	ssyncadd.s32 $0xFFFFD800  }
0xee: {  	_ =	swait.ge [sflag:s31], $0x2800  }
0xef: {  	[sflag:s31] =	ssyncset.done $0x0  }
0xf0: {  	[sflag:s31] =	ssyncadd.s32 $0xFFFFD800  }
0xf1: {  	[spmem:s3] =	stream.indirect.scatter.add.f32 [tilespmem:s25], [sflag:$0x1], $0x80, s5, s1, $0xb8;
	[tilespmem:$0x1F700] =	vst v63  }
0xf2: {  	_ = 	snop  }
0xf3: {  	[spmem:s4] =	stream.indirect.scatter.add.f32 [tilespmem:s26], [sflag:$0x1], $0x80, s2, s1, $0xb8;
	[tilespmem:$0x1F700] =	vst v63  }
0xf4: {  	_ =	swait.ge [sflag:s31], $0x2800  }
0xf5: {  	[sflag:s31] =	ssyncset.done $0x0  }
0xf6: {  	[sflag:s31] =	ssyncadd.s32 $0xFFFFD800  }
0xf7: {  	_ =	swait.ge [sflag:s31], $0x2800  }
0xf8: {  	[sflag:s31] =	ssyncset.done $0x0  }
0xf9: {  	[sflag:s31] =	ssyncadd.s32 $0xFFFFD800  }
0xfa: {  	[bflag:$0x0] =	sbarrier.arrive $0xFFFF  }
0xfb: {  	s7 =	rddreg [dreg:$0xd]  }
0xfc: {  	[hbm:s7], [sflag:s8] =	dma.local [spmem:s13], $0x2800  }
0xfd: {  	_ =	swait.ge [sflag:s19], $0x2800  }
0xfe: {  	[sflag:s19] =	ssyncset.done $0x0  }
0xff: {  	s22 =	rddreg [dreg:$0xa];
	[sflag:s19] =	ssyncadd.s32 $0xFFFFD800  }
0x100: {  	[hbm:s22], [sflag:s8] =	dma.local [spmem:s14], $0x280  }
0x101: {  	_ =	swait.ge [sflag:s19], $0x280  }
0x102: {  	s12 =	sadd.s32 $0x1, s12;
	s23 =	rddreg [dreg:$0xe]  }
0x103: {  	p0 =	sne.s32 s12, s23  }
.Ltmp1:
0x104: {  	_ = 	snop;
	(pc) =	sbr.rel @p0 .LBB2_1-.Ltmp1, $3  }
0x105: {  	_ =	sdelay $0x1  }
0x106: {  	[sflag:s19] =	ssyncset.done $0x0  }
0x107: {  	[sflag:s19] =	ssyncadd.s32 $0xFFFFFD80  }
0x108: {  	_ =	sfence.sel $0x180000  }
0x109: {  	[bflag:$0x0] =	sbarrier.arrive $0xFFFF  }
0x10a: {  	_ =	strace $0x9000004A  }
0x10b: {  	s0 =	stileid.u32;
	[bflag:$0x2] =	sbarrier.arrive $0xFFFF  }
0x10c: {  	p0 =	sne.s32 s0, $0x0;
	s0 =	rddreg [dreg:$0x5]  }
0x10d: {  	s0 =	sadd.s32 @!p0 $0x100000, s0  }
0x10e: {  	[sflag:s0] =	ssyncadd.tile.s32 @!p0 $0x1;
	_ =	shalt  }
.Lfunc_end2:
_tile_overlayer_lowered:
.L_overlay_start_2:
0x10f: {  	(tag) =	ssettag $0x2  }
0x110: {  	s0 =	rddreg [dreg:$0x0];
	s2 =	stileid.u32  }
0x111: {  	s1 =	rddreg [dreg:$0x1];
	p0 =	sne.s32 s2, $0x0  }
0x112: {  	s3 =	rddreg [dreg:$0x2];
	[bflag:$0x3] =	sbarrier.arrive $0xFFFF;
	s2 =	simm.s32 @!p0 $0x1C03  }
0x113: {  	[timem:s3], [sflag:s2] =	dma.local @!p0 [hbm:s0], s1  }
0x114: {  	s0 =	simm.s32 @!p0 $0x3  }
0x115: {  	_ =	swait.ge @!p0 [sflag:s0], s1  }
0x116: {  	s1 =	ssub.s32 @!p0 $0x0, s1;
	[sflag:s0] =	ssyncset.done @!p0 $0x0  }
0x117: {  	[sflag:s0] =	ssyncadd.s32 @!p0 s1  }
0x118: {  	[bflag:$0x3] =	sbarrier.arrive $0xFFFF  }
0x119: {  	_ =	shalt  }

// kernel: kernel.7.cloned.1.call-start
scs
__scs_entry_jumppad:
0x0: {  	(pc) =	sbr.rel $0x88, $3  }
0x1: {  	(tag) =	ssettag $0x0;
	lr =	simm.s32 $0x1  }
0x2: {  	[smem:$0x3F8E] =	sst lr;
	_ =	strace $0xD0000000  }
0x3: {  	_ = 	snop  }
0x4: {  	_ = 	snop  }
0x5: {  	_ = 	snop  }
0x6: {  	_ = 	snop  }
0x7: {  	_ = 	snop  }
__scs_overlays_trampoline_lowered:
0x8: {  	[smem:$0x3F9D] =	sst s0  }
0x9: {  	[smem:$0x3F9E] =	sst s1  }
0xa: {  	[smem:$0x3F9F] =	sst s2  }
0xb: {  	[smem:$0x3FA0] =	sst s3  }
0xc: {  	[smem:$0x3FA1] =	sst s4  }
0xd: {  	[smem:$0x3FA2] =	sst s5  }
0xe: {  	[smem:$0x3FA3] =	sst s6  }
0xf: {  	[smem:$0x3FA4] =	sst s7  }
0x10: {  	[smem:$0x3FA5] =	sst s8  }
0x11: {  	[smem:$0x3FA6] =	sst s9;
	s0 =	simm.s32 @!p0 $0x0  }
0x12: {  	s1 =	sld [smem:$0x3F8C];
	s0 =	simm.s32 @p0 $0x1  }
0x13: {  	[smem:$0x3FA7] =	sst s0;
	s0 =	simm.s32 @!p1 $0x0  }
0x14: {  	s2 =	sld [smem:$0x3F8B];
	s0 =	simm.s32 @p1 $0x1  }
0x15: {  	[smem:$0x3FA8] =	sst s0;
	s0 =	simm.s32 @!p2 $0x0  }
0x16: {  	s3 =	sld [smem:$0x3FDB];
	s0 =	simm.s32 @p2 $0x1  }
0x17: {  	s4 =	simm.s32 $0x1BF5;
	[smem:$0x3FAA] =	sst s0  }
0x18: {  	s0 =	sld [smem:$0x3F8D];
	_ =	swait.ge [sflag:s4], $0x0  }
0x19: {  	s7 =	sld [smem:$0x3F8E]  }
0x1a: {  	s8 =	sadd.s32 $0xFFFFE003, lr  }
0x1b: {  	s9 =	sadd.s32 $0xFFFFFEF7, lr;
	s5 =	simm.s32 $0xFFFFFFFF;
	p2 =	slt.u32 s8, $0xFFFFF086  }
0x1c: {  	p1 =	slt.u32 s9, $0xF7A;
	s5 =	simm.s32 @!p2 $0x0  }
0x1d: {  	s5 =	simm.s32 @p1 $0x1;
	p0 =	seq.s32 s7, s2  }
0x1e: {  	s7 =	smul.u32 @!p0 $0xF7A, s2;
	p2 =	seq.s32 @!p0 s5, $0x0  }
0x1f: {  	s9 =	smul.u32 $0xF7A, s1;
	s8 =	simm.s32 @!p0 $0x1BF5;
	p2 =	por !p2, p0  }
0x20: {  	[sflag:s8] =	ssyncset.s32 @!p0 $0xFFFFF086;
	s6 =	sadd.s32 @!p0 s3, s7;
	s7 =	simm.s32 @!p0 $0x108  }
0x21: {  	s3 =	sadd.s32 s3, s9;
	s6 =	sadd.s32 @!p0 $0x88, s6;
	s7 =	simm.s32 @p2 $0x1082  }
0x22: {  	[simem:s7], [sflag:s8] =	dma.local @!p0 [hbm:s6], $0xF7A  }
0x23: {  	s9 =	sor.u32 $0xD0000000, s2;
	s6 =	simm.s32 $0x108;
	_ =	swait.ge @!p0 [sflag:s8], $0x0  }
0x24: {  	s3 =	sadd.s32 $0x88, s3;
	s6 =	simm.s32 @!p1 $0x1082;
	[sflag:s4] =	ssyncset.s32 $0xFFFFF086  }
0x25: {  	[simem:s6], [sflag:s4] =	dma.local [hbm:s3], $0xF7A  }
0x26: {  	[smem:$0x3F8E] =	sst s1;
	(tag) =	ssettag s2;
	_ =	strace s9  }
0x27: {  	s1 =	sld [smem:$0x3F9E]  }
0x28: {  	s2 =	sld [smem:$0x3F9F]  }
0x29: {  	s4 =	sld [smem:$0x3FA1]  }
0x2a: {  	p0 =	seq.s32 s5, $0x0;
	s5 =	sld [smem:$0x3FA2]  }
0x2b: {  	s6 =	sld [smem:$0x3FA3]  }
0x2c: {  	s7 =	sld [smem:$0x3FA4]  }
0x2d: {  	s3 =	simm.s32 $0x108;
	s8 =	sld [smem:$0x3FA5]  }
0x2e: {  	s3 =	simm.s32 @!p0 $0x1082;
	s9 =	sld [smem:$0x3FA6]  }
0x2f: {  	lr =	sadd.s32 s0, s3;
	s0 =	sld [smem:$0x3F9D]  }
0x30: {  	s3 =	sld [smem:$0x3FA0]  }
0x31: {  	[smem:$0x3FA9] =	sst s10  }
0x32: {  	s10 =	sld [smem:$0x3FA7];
	_ =	sdelay $0x3  }
0x33: {  	p0 =	seq.s32 s10, $0x1;
	s10 =	sld [smem:$0x3FA9];
	_ =	sdelay $0x3  }
0x34: {  	[smem:$0x3FA9] =	sst s10  }
0x35: {  	s10 =	sld [smem:$0x3FA8];
	_ =	sdelay $0x3  }
0x36: {  	p1 =	seq.s32 s10, $0x1;
	s10 =	sld [smem:$0x3FA9];
	_ =	sdelay $0x3  }
0x37: {  	[smem:$0x3FA9] =	sst s10  }
0x38: {  	s10 =	sld [smem:$0x3FAA]  }
0x39: {  	_ = 	snop;
	(pc) =	sbr.ind lr, $3  }
0x3a: {  	_ = 	snop  }
0x3b: {  	_ = 	snop  }
0x3c: {  	p2 =	seq.s32 s10, $0x1;
	s10 =	sld [smem:$0x3FA9]  }
0x3d: {  	_ =	shalt  }
0x3e: {  	_ =	shalt  }
0x3f: {  	_ =	shalt  }
0x40: {  	_ =	shalt  }
0x41: {  	_ =	shalt  }
0x42: {  	_ =	shalt  }
0x43: {  	_ =	shalt  }
0x44: {  	_ =	shalt  }
0x45: {  	_ =	shalt  }
0x46: {  	_ =	shalt  }
0x47: {  	_ =	shalt  }
0x48: {  	_ =	shalt  }
0x49: {  	_ =	shalt  }
0x4a: {  	_ =	shalt  }
0x4b: {  	_ =	shalt  }
0x4c: {  	_ =	shalt  }
0x4d: {  	_ =	shalt  }
0x4e: {  	_ =	shalt  }
0x4f: {  	_ =	shalt  }
0x50: {  	_ =	shalt  }
0x51: {  	_ =	shalt  }
0x52: {  	_ =	shalt  }
0x53: {  	_ =	shalt  }
0x54: {  	_ =	shalt  }
0x55: {  	_ =	shalt  }
0x56: {  	_ =	shalt  }
0x57: {  	_ =	shalt  }
0x58: {  	_ =	shalt  }
0x59: {  	_ =	shalt  }
0x5a: {  	_ =	shalt  }
0x5b: {  	_ =	shalt  }
0x5c: {  	_ =	shalt  }
0x5d: {  	_ =	shalt  }
0x5e: {  	_ =	shalt  }
0x5f: {  	_ =	shalt  }
0x60: {  	_ =	shalt  }
0x61: {  	_ =	shalt  }
0x62: {  	_ =	shalt  }
0x63: {  	_ =	shalt  }
0x64: {  	_ =	shalt  }
0x65: {  	_ =	shalt  }
0x66: {  	_ =	shalt  }
0x67: {  	_ =	shalt  }
0x68: {  	_ =	shalt  }
0x69: {  	_ =	shalt  }
0x6a: {  	_ =	shalt  }
0x6b: {  	_ =	shalt  }
0x6c: {  	_ =	shalt  }
0x6d: {  	_ =	shalt  }
0x6e: {  	_ =	shalt  }
0x6f: {  	_ =	shalt  }
0x70: {  	_ =	shalt  }
0x71: {  	_ =	shalt  }
0x72: {  	_ =	shalt  }
0x73: {  	_ =	shalt  }
0x74: {  	_ =	shalt  }
0x75: {  	_ =	shalt  }
0x76: {  	_ =	shalt  }
0x77: {  	_ =	shalt  }
0x78: {  	_ =	shalt  }
0x79: {  	_ =	shalt  }
0x7a: {  	_ =	shalt  }
0x7b: {  	_ =	shalt  }
0x7c: {  	_ =	shalt  }
0x7d: {  	_ =	shalt  }
0x7e: {  	_ =	shalt  }
0x7f: {  	_ =	shalt  }
0x80: {  	_ =	shalt  }
0x81: {  	_ =	shalt  }
0x82: {  	_ =	shalt  }
0x83: {  	_ =	shalt  }
0x84: {  	_ =	shalt  }
0x85: {  	_ =	shalt  }
0x86: {  	_ =	shalt  }
0x87: {  	_ =	shalt  }
.Lfunc_end0:
.L_simem_size_0:
called_computation_lowered:
.L_overlay_start_0:
0x88: {  	s2 =	sld [smem:$0x3FD9]  }
0x89: {  	s3 =	sld [smem:$0x3FFE];
	_ =	sdelay $0x1  }
0x8a: {  	s1 =	srdreg.scid  }
0x8b: {  	s0 =	sand.u32 $0x1, s1  }
0x8c: {  	s14 =	sshll.u32 s0, $0xA;
	s2 =	sadd.s32 s3, s2  }
0x8d: {  	s2 =	sadd.s32 s2, s14  }
0x8e: {  	[smem:$0x3FB5] =	sst s2  }
0x8f: {  	_ = 	snop  }
0x90: {  	s2 =	sld [smem:$0x3FD0];
	_ =	sdelay $0x2  }
0x91: {  	s15 =	simm.s32 $0xA;
	s4 =	simm.s32 $0x10  }
0x92: {  	[smem:s4], [sflag:s15] =	dma.local [hbm:s2], $0x1  }
0x93: {  	_ =	swait.eq [sflag:s15], $0x1  }
0x94: {  	[sflag:s15] =	ssyncset.done $0x0  }
0x95: {  	[sflag:s15] =	ssyncadd.s32 $0xFFFFFFFF  }
0x96: {  	s16 =	sld [smem:$0x11];
	(tm) =	ssettm $0x1  }
0x97: {  	s17 =	sld [smem:$0x3FFB];
	_ =	sdelay $0x3  }
0x98: {  	_ =	strace s17  }
0x99: {  	s3 =	sld [smem:$0x3FFC];
	_ =	sdelay $0x3  }
0x9a: {  	_ =	strace s3  }
0x9b: {  	s3 =	sld [smem:$0x3FFD];
	_ =	sdelay $0x3  }
0x9c: {  	_ =	strace s3  }
0x9d: {  	_ =	strace $0x8FFFFFFF  }
0x9e: {  	s18 =	sld [smem:$0x3FDB];
	_ =	sdelay $0x1  }
0x9f: {  	s19 =	simm.s32 $_scs_section_size  }
0xa0: {  	s5 =	simm.s32 $_size__tile_overlayer_lowered;
	s6 =	simm.s32 $_tile_overlayer_lowered  }
0xa1: {  	s22 =	simm.s32 $0x1BFF;
	s21 =	sshll.u32 s6, $0x1;
	s3 =	sadd.s32 s19, s18  }
0xa2: {  	s7 =	simm.s32 $0x0;
	s20 =	sshll.u32 s5, $0x1;
	s5 =	sadd.s32 s21, s3  }
0xa3: {  	[timem:s7], [sflag:s22] =	dma.local [hbm:s5], s20  }
0xa4: {  	_ =	swait.ge [sflag:s22], s20  }
0xa5: {  	s4 =	ssub.s32 $0x0, s20;
	[sflag:s22] =	ssyncset.done $0x0  }
0xa6: {  	[sflag:s22] =	ssyncadd.s32 s4;
	_ =	sdelay $0x1  }
0xa7: {  	s23 =	simm.s32 $0x1B8B  }
0xa8: {  	_ =	swait.ge [sflag:s23], $0x1  }
0xa9: {  	[sflag:s23] =	ssyncset.done $0x0  }
0xaa: {  	s25 =	simm.s32 $0x1B8E;
	s24 =	sld [smem:$0x3FFE];
	[sflag:s23] =	ssyncadd.s32 $0xFFFFFFFF  }
0xab: {  	s26 =	simm.s32 $execute0_lowered;
	[smem:$0x3FD2] =	sst s25  }
0xac: {  	s5 =	sshll.u32 s26, $0x1;
	_ =	strace $0x80000046;
	[dreg:$0x1] =	wrdreg $0xFFFFFFFF  }
0xad: {  	s28 =	simm.s32 $_size_execute0_lowered;
	s3 =	sadd.s32 s3, s5;
	[dreg:$0x0] =	wrdreg $0x0  }
0xae: {  	s5 =	sshll.u32 s28, $0x1;
	[dreg:$0x2] =	wrdreg s3  }
0xaf: {  	[dreg:$0x3] =	wrdreg s5  }
0xb0: {  	[dreg:$0x4] =	wrdreg $0xC0  }
0xb1: {  	_ =	task [dreg:s7], $0x5FFFF  }
0xb2: {  	[dreg:$0x1] =	wrdreg $0xFFFFFFFF  }
0xb3: {  	[dreg:$0x0] =	wrdreg $0x60  }
0xb4: {  	[dreg:$0x2] =	wrdreg s16  }
0xb5: {  	[dreg:$0x3] =	wrdreg s24  }
0xb6: {  	[dreg:$0x4] =	wrdreg $0x9  }
0xb7: {  	_ =	task.clear_ibuf [dreg:s7], $0x5FFFF;
	_ =	strace $0x90000046  }
0xb8: {  	s29 =	simm.s32 $0x9;
	_ =	strace $0x80000048  }
0xb9: {  	_ =	swait.ge [sflag:s29], $0x1  }
0xba: {  	[sflag:s29] =	ssyncadd.s32 $0xFFFFFFFF  }
0xbb: {  	_ =	strace $0x90000048  }
0xbc: {  	_ =	sfence  }
0xbd: {  	s30 =	sld [smem:$0x0];
	_ =	sdelay $0x2  }
0xbe: {  	s31 =	sshll.u32 s1, $0xD;
	s1 =	sshrl.u32 s1, $0x2  }
0xbf: {  	s3 =	sand.u32 $0x4000, s31;
	s1 =	sadd.s32 s1, s30  }
0xc0: {  	s0 =	sor.u32 s3, s0;
	s1 =	sshll.u32 s1, $0x11  }
0xc1: {  	s0 =	sor.u32 s1, s0  }
0xc2: {  	s0 =	sadd.s32 $0x8F2B, s0  }
0xc3: {  	[sflag:s0] =	ssyncadd.remote.s32 $0x1  }
0xc4: {  	_ =	sfence.sel $0xFFFF  }
0xc5: {  	[dreg:$0x0] =	wrdreg $0xFFFFFFFF;
	(pc) =	sbr.abs _section_cstart, $3  }
0xc6: {  	[dreg:$0x1] =	wrdreg $0xFFFFFFFF  }
0xc7: {  	_ =	task.clear_ibuf [dreg:s7], $0x2FFFF;
	_ =	strace $0x9FFFFFFF  }
0xc8: {  	(tm) =	ssettm $0x7FFFFFFF  }
0xc9: {  	_ =	shalt  }
tec
execute0_lowered:
.L_overlay_start_1:
0x0: {  	(tag) =	ssettag $0x1  }
0x1: {  	s1 =	rddreg [dreg:$0x0]  }
0x2: {  	s0 =	rddreg [dreg:$0x1]  }
0x3: {  	s5 =	simm.s32 $0x0;
	s2 =	srdreg.scid;
	s3 =	stileid.u32  }
0x4: {  	s16 =	simm.s32 $0xF300;
	s17 =	simm.s32 $0x3;
	s18 =	simm.s32 $0x7900  }
0x5: {  	s19 =	simm.s32 $0x50;
	s20 =	simm.s32 $0x100;
	s21 =	simm.s32 $0x80  }
0x6: {  	s22 =	simm.s32 $0x2900;
	s28 =	simm.s32 $0xA280;
	s29 =	simm.s32 $0x5100  }
0x7: {  	s30 =	simm.s32 $0x1;
	s31 =	simm.s32 $0xCA80;
	[smem:$0x7FF] =	sst s5  }
0x8: {  	s2 =	sand.u32 $0x1, s2;
	s3 =	sshll.u32 s3, $0x1;
	s4 =	sadd.s32 $0xFA00, s0  }
0x9: {  	s6 =	sadd.s32 $0xE600, s0;
	_ =	strace $0x80000047;
	s3 =	sor.u32 s2, s3  }
0xa: {  	[dreg:$0x3] =	wrdreg s6;
	s2 =	ssub.s32 $0x2, s2;
	s6 =	smul.u32 $0x2710, s3  }
0xb: {  	s7 =	sadd.s32 $0x4800, s0;
	s3 =	smul.u32 $0x138800, s3;
	s24 =	sshrl.u32 s2, $0x1  }
0xc: {  	s8 =	sadd.s32 $0x36C00, s0;
	s9 =	sadd.s32 $0x518C00, s0;
	s0 =	ssub.s32 s2, s24  }
0xd: {  	s24 =	simm.s32 $0x7980;
	s25 =	sshrl.u32 s6, $0x3;
	s3 =	sshrl.u32 s3, $0x3  }
0xe: {  	s11 =	sadd.s32 $0x50, s6;
	s12 =	sadd.s32 $0xA0, s6;
	s0 =	smax.u32 s0, $0x1  }
0xf: {  	s2 =	sadd.s32 s7, s25;
	s26 =	sadd.s32 $0x26C00, s3;
	[dreg:$0x7] =	wrdreg s0  }
0x10: {  	s25 =	simm.s32 $0x7A80;
	[dreg:$0x4] =	wrdreg s2;
	s3 =	sadd.s32 s8, s26  }
0x11: {  	v1 =	vlaneseq.u32;
	s0 =	simm.s32 $0x2;
	s2 =	sadd.s32 s9, s26;
	[dreg:$0x5] =	wrdreg s3  }
0x12: {  	v0 =	vimm.f32 $0.0e+00;
	v1 =	vmul.u32 $0x80, v1;
	s26 =	simm.s32 $0x7A00;
	[dreg:$0x6] =	wrdreg s2;
	s3 =	simm.s32 $0x0  }
.LBB2_1:
0x13: {  	[dreg:$0x8] =	wrdreg s3  }
0x14: {  	s2 =	rddreg [dreg:$0x3]  }
0x15: {  	[tilespmem:s16], [sflag:$0x3] =	stream.linear.gather [hbm4b:s2+s5], $0x9C80, $0x38;
	[tilespmem:$0x18F80] =	vst v63  }
0x16: {  	_ =	swait.ge [sflag:s17], $0x9C80  }
0x17: {  	[sflag:s17] =	ssyncset.done $0x0  }
0x18: {  	s2 =	simm.s32 $0x0;
	[sflag:s17] =	ssyncadd.s32 $0xFFFF6380  }
.LBB2_2:
0x19: {  	p0 =	sne.s32 s2, $0x9E00  }
.Ltmp0:
0x1a: {  	_ = 	snop;
	(pc) =	sbr.rel @p0 .LBB2_2-.Ltmp0, $3  }
0x1b: {  	_ =	sdelay $0x1  }
0x1c: {  	s3 =	sshra.s32 s2, $0x2  }
0x1d: {  	s2 =	sadd.s32 $0x200, s2;
	[tilespmem:s3+$0x5100] =	vst v0  }
0x1e: {  	s2 =	simm.s32 $0x200;
	s3 =	simm.s32 $0x0  }
.LBB2_4:
0x1f: {  	p0 =	sne.s32 s2, $0x9E00;
	[tilespmem:s3+$0xCA80] =	vst v0;
	s3 =	smov.u32 s2;
	s2 =	sadd.s32 $0x200, s2  }
.Ltmp1:
0x20: {  	(pc) =	sbr.rel @p0 .LBB2_4-.Ltmp1, $2  }
0x21: {  	_ =	sdelay $0x2  }
0x22: {  	s3 =	sshra.s32 s3, $0x2  }
0x23: {  	[tilespmem:s3+$0xCA80] =	vst v0;
	s5 =	simm.s32 $0x0;
	s2 =	rddreg [dreg:$0x4]  }
0x24: {  	[tilespmem:s18], [sflag:$0x3] =	stream.linear.gather [hbm4b:s2+s5], $0x50, $0x38;
	[tilespmem:$0x18F80] =	vst v63  }
0x25: {  	_ =	swait.ge [sflag:s17], $0x50  }
0x26: {  	[sflag:s17] =	ssyncset.done $0x0  }
0x27: {  	[sflag:s17] =	ssyncadd.s32 $0xFFFFFFB0  }
0x28: {  	v2 =	vld [tilespmem:$0x7900];
	_ =	sdelay $0x1  }
0x29: {  	v3 =	vld [tilespmem:$0x7910];
	_ =	sdelay $0x1  }
0x2a: {  	v4 =	vld [tilespmem:$0x7920]  }
0x2b: {  	v5 =	vshrl.u32 v2, $0xE  }
0x2c: {  	v63 =	vld [tilespmem:$0x7930];
	v2 =	vand.u32 $0x3FFF, v2;
	[tilespmem:$0x0] =	vst v5  }
0x2d: {  	[tilespmem:$0x80] =	vst v2;
	v2 =	vshrl.u32 v3, $0xE  }
0x2e: {  	[tilespmem:$0x10] =	vst v2;
	v2 =	vand.u32 $0x3FFF, v3;
	v3 =	vld [tilespmem:$0x7940]  }
0x2f: {  	[tilespmem:$0x90] =	vst v2;
	v2 =	vshrl.u32 v4, $0xE  }
0x30: {  	[tilespmem:$0x20] =	vst v2;
	v2 =	vand.u32 $0x3FFF, v4  }
0x31: {  	[tilespmem:$0xA0] =	vst v2;
	v2 =	vshrl.u32 v63, $0xE  }
0x32: {  	[tilespmem:$0x30] =	vst v2;
	v2 =	vand.u32 $0x3FFF, v63  }
0x33: {  	[tilespmem:$0xB0] =	vst v2;
	v2 =	vshrl.u32 v3, $0xE  }
0x34: {  	[tilespmem:$0x40] =	vst v2;
	v2 =	vand.u32 $0x3FFF, v3  }
0x35: {  	[tilespmem:$0xC0] =	vst v2  }
0x36: {  	[tilespmem:s20], [sflag:$0x1] =	stream.indirect.gather [hbm4b:s1+s19], $0x80, s5, s19, $0xb8;
	[tilespmem:$0x18F80] =	vst v63  }
0x37: {  	s10 =	simm.s32 $0x0  }
0x38: {  	[tilespmem:s22], [sflag:$0x1] =	stream.indirect.gather [hbm4b:s4+s19], $0x80, s21, s19, $0xb8;
	[tilespmem:$0x18F80] =	vst v63  }
.LBB2_6:
0x39: {  	s14 =	smul.u32 $0xA0, s10;
	_ =	sdelay $0x1  }
0x3a: {  	s13 =	sadd.s32 s14, s11  }
0x3b: {  	s2 =	sshrl.u32 s13, $0x3  }
0x3c: {  	s3 =	simm.s32 $0xF280;
	s2 =	sadd.s32 s7, s2  }
0x3d: {  	[tilespmem:s3], [sflag:$0x3] =	stream.linear.gather [hbm4b:s2+s5], $0x50, $0x38;
	[tilespmem:$0x18F80] =	vst v63  }
0x3e: {  	_ =	swait.ge [sflag:s17], $0x50  }
0x3f: {  	[sflag:s17] =	ssyncset.done $0x0  }
0x40: {  	[sflag:s17] =	ssyncadd.s32 $0xFFFFFFB0  }
0x41: {  	v2 =	vld [tilespmem:$0xF280];
	_ =	sdelay $0x1  }
0x42: {  	v3 =	vld [tilespmem:$0xF290];
	_ =	sdelay $0x1  }
0x43: {  	v4 =	vld [tilespmem:$0xF2A0]  }
0x44: {  	v5 =	vshrl.u32 v2, $0xE  }
0x45: {  	v2 =	vand.u32 $0x3FFF, v2;
	[tilespmem:$0x7980] =	vst v5;
	v5 =	vld [tilespmem:$0xF2B0]  }
0x46: {  	[tilespmem:$0x7A00] =	vst v2;
	v2 =	vshrl.u32 v3, $0xE  }
0x47: {  	[tilespmem:$0x7990] =	vst v2;
	v2 =	vand.u32 $0x3FFF, v3;
	v3 =	vld [tilespmem:$0xF2C0]  }
0x48: {  	[tilespmem:$0x7A10] =	vst v2;
	v2 =	vshrl.u32 v4, $0xE  }
0x49: {  	[tilespmem:$0x79A0] =	vst v2;
	v2 =	vand.u32 $0x3FFF, v4  }
0x4a: {  	[tilespmem:$0x7A20] =	vst v2;
	v2 =	vshrl.u32 v5, $0xE  }
0x4b: {  	[tilespmem:$0x79B0] =	vst v2;
	v2 =	vand.u32 $0x3FFF, v5  }
0x4c: {  	[tilespmem:$0x7A30] =	vst v2;
	v2 =	vshrl.u32 v3, $0xE  }
0x4d: {  	[tilespmem:$0x79C0] =	vst v2;
	v2 =	vand.u32 $0x3FFF, v3  }
0x4e: {  	[tilespmem:$0x7A40] =	vst v2  }
0x4f: {  	[tilespmem:s25], [sflag:$0x2] =	stream.indirect.gather [hbm4b:s1+s19], $0x80, s24, s19, $0xb8;
	[tilespmem:$0x18F80] =	vst v63  }
0x50: {  	_ = 	snop  }
0x51: {  	[tilespmem:s28], [sflag:$0x2] =	stream.indirect.gather [hbm4b:s4+s19], $0x80, s26, s19, $0xb8;
	[tilespmem:$0x18F80] =	vst v63  }
0x52: {  	s15 =	simm.s32 $0x80;
	v2 =	vld [tilespmem:s5+$0x0]  }
0x53: {  	v3 =	vld [tilespmem:s15+$0x0];
	_ =	sdelay $0x3  }
0x54: {  	v4 =	vshll.u32 v2, $0x2  }
0x55: {  	v3 =	vshll.u32 v3, $0x2;
	_ =	sdelay $0x3  }
0x56: {  	v5 =	vld.idx.msk [tilespmem:v4+s16+$0x0], $0xffff  }
0x57: {  	v7 =	vmov s5;
	v6 =	vld.idx.msk [tilespmem:v3+s16+$0x0], $0xffff  }
0x58: {  	v7 =	vshll.u32 v7, $0x7  }
0x59: {  	v7 =	vor.u32 v1, v7  }
0x5a: {  	v8 =	vor.u32 $0x1, v4  }
0x5b: {  	v9 =	vor.u32 $0x1, v3  }
0x5c: {  	v5 =	vsub.f32 v5, v6;
	_ =	sdelay $0x1  }
0x5d: {  	[tilespmem:v7+s29+$0x0] =	vst.idx.msk $0xffff, v5  }
0x5e: {  	v5 =	vld.idx.msk [tilespmem:v8+s16+$0x0], $0xffff  }
0x5f: {  	v6 =	vld.idx.msk [tilespmem:v9+s16+$0x0], $0xffff;
	_ =	sdelay $0x1  }
0x60: {  	v63 =	vor.u32 $0x1, v7  }
0x61: {  	v4 =	vor.u32 $0x2, v4  }
0x62: {  	v3 =	vor.u32 $0x2, v3  }
0x63: {  	v5 =	vsub.f32 v5, v6;
	_ =	sdelay $0x1  }
0x64: {  	[tilespmem:v63+s29+$0x0] =	vst.idx.msk $0xffff, v5  }
0x65: {  	v5 =	vld.idx.msk [tilespmem:v4+s16+$0x0], $0xffff  }
0x66: {  	v6 =	vld.idx.msk [tilespmem:v3+s16+$0x0], $0xffff;
	_ =	sdelay $0x1  }
0x67: {  	v2 =	vshll.u32 v2, $0x3;
	v3 =	vor.u32 $0x2, v7  }
0x68: {  	v4 =	vand.u32 $0x78, v2;
	v2 =	vor.u32 $0x3, v7;
	_ =	sdelay $0x1  }
0x69: {  	s3 =	simm.s32 $0x10;
	s2 =	simm.s32 $0x0;
	v4 =	vcvt.s32.f32 v4;
	v5 =	vsub.f32 v5, v6  }
.LBB2_7:
0x6a: {  	p0 =	sne.s32 s3, $0x40;
	s2 =	sadd.s32 $0x10, s2;
	s15 =	sadd.s32 $0x10, s15  }
0x6b: {  	s23 =	smov.u32 s3;
	s3 =	sadd.s32 $0x10, s3;
	[tilespmem:v3+s29+$0x0] =	vst.idx.msk $0xffff, v5  }
0x6c: {  	[tilespmem:v2+s29+$0x0] =	vst.idx.msk $0xffff, v4  }
0x6d: {  	v2 =	vld [tilespmem:s2+$0x0]  }
0x6e: {  	v3 =	vld [tilespmem:s15+$0x0];
	_ =	sdelay $0x3  }
0x6f: {  	v4 =	vshll.u32 v2, $0x2;
	v2 =	vshll.u32 v2, $0x3  }
0x70: {  	v3 =	vshll.u32 v3, $0x2;
	v5 =	vand.u32 $0x78, v2;
	_ =	sdelay $0x3  }
0x71: {  	v2 =	vld.idx.msk [tilespmem:v4+s16+$0x0], $0xffff  }
0x72: {  	v6 =	vld.idx.msk [tilespmem:v3+s16+$0x0], $0xffff  }
0x73: {  	v7 =	vmov s23  }
0x74: {  	v7 =	vshll.u32 v7, $0x7  }
0x75: {  	v7 =	vor.u32 v1, v7  }
0x76: {  	v8 =	vor.u32 $0x1, v4;
	v9 =	vor.u32 $0x1, v3;
	_ =	sdelay $0x1  }
0x77: {  	v2 =	vsub.f32 v2, v6;
	_ =	sdelay $0x1  }
0x78: {  	[tilespmem:v7+s29+$0x0] =	vst.idx.msk $0xffff, v2  }
0x79: {  	v2 =	vld.idx.msk [tilespmem:v8+s16+$0x0], $0xffff  }
0x7a: {  	v6 =	vld.idx.msk [tilespmem:v9+s16+$0x0], $0xffff;
	_ =	sdelay $0x1  }
0x7b: {  	v8 =	vor.u32 $0x1, v7;
	_ =	sdelay $0x1  }
0x7c: {  	v4 =	vor.u32 $0x2, v4;
	v3 =	vor.u32 $0x2, v3;
	_ =	sdelay $0x1  }
0x7d: {  	v2 =	vsub.f32 v2, v6;
	_ =	sdelay $0x1  }
0x7e: {  	[tilespmem:v8+s29+$0x0] =	vst.idx.msk $0xffff, v2  }
0x7f: {  	v6 =	vld.idx.msk [tilespmem:v4+s16+$0x0], $0xffff  }
0x80: {  	v8 =	vld.idx.msk [tilespmem:v3+s16+$0x0], $0xffff  }
0x81: {  	v3 =	vor.u32 $0x2, v7  }
.Ltmp2:
0x82: {  	v2 =	vor.u32 $0x3, v7;
	(pc) =	sbr.rel @p0 .LBB2_7-.Ltmp2, $3  }
0x83: {  	_ =	sdelay $0x1  }
0x84: {  	v4 =	vcvt.s32.f32 v5  }
0x85: {  	v5 =	vsub.f32 v6, v8  }
0x86: {  	_ =	sdelay $0x3  }
0x87: {  	[tilespmem:v3+s29+$0x0] =	vst.idx.msk $0xffff, v5  }
0x88: {  	[tilespmem:v2+s29+$0x0] =	vst.idx.msk $0xffff, v4  }
0x89: {  	_ =	swait.ge [sflag:s30], $0x2800  }
0x8a: {  	[sflag:s30] =	ssyncset.done $0x0  }
0x8b: {  	[sflag:s30] =	ssyncadd.s32 $0xFFFFD800  }
0x8c: {  	_ =	swait.ge [sflag:s30], $0x2800  }
0x8d: {  	[sflag:s30] =	ssyncset.done $0x0  }
0x8e: {  	s15 =	simm.s32 $0x0;
	[sflag:s30] =	ssyncadd.s32 $0xFFFFD800  }
0x8f: {  	v9 =	vld [tilespmem:s15+$0x2900]  }
0x90: {  	v13 =	vld [tilespmem:s15+$0x2910]  }
0x91: {  	v7 =	vld [tilespmem:s15+$0x2920]  }
0x92: {  	v6 =	vld [tilespmem:s15+$0x2930]  }
0x93: {  	v5 =	vld [tilespmem:s15+$0x2940]  }
0x94: {  	v4 =	vld [tilespmem:s15+$0x2950]  }
0x95: {  	v3 =	vld [tilespmem:s15+$0x2960]  }
0x96: {  	v2 =	vld [tilespmem:s15+$0x2970]  }
0x97: {  	v14 =	vld [tilespmem:s15+$0x100]  }
0x98: {  	v15 =	vld [tilespmem:s15+$0x110]  }
0x99: {  	v12 =	vld [tilespmem:s15+$0x120]  }
0x9a: {  	v11 =	vld [tilespmem:s15+$0x130]  }
0x9b: {  	v10 =	vld [tilespmem:s15+$0x140]  }
0x9c: {  	v8 =	vld [tilespmem:s15+$0x150];
	v14 =	vadd.f32 v9, v14  }
0x9d: {  	s2 =	simm.s32 $0x200;
	v13 =	vadd.f32 v13, v15;
	v9 =	vld [tilespmem:s15+$0x160]  }
.LBB2_9:
0x9e: {  	s3 =	sshra.s32 s2, $0x2;
	p0 =	sne.s32 s2, $0x9E00;
	[tilespmem:s15+$0x100] =	vst v14;
	v7 =	vadd.f32 v7, v12;
	v12 =	vld [tilespmem:s15+$0x170]  }
0x9f: {  	v14 =	vld [tilespmem:s3+$0x2900];
	[tilespmem:s15+$0x110] =	vst v13;
	v6 =	vadd.f32 v6, v11  }
0xa0: {  	v13 =	vld [tilespmem:s3+$0x2910];
	[tilespmem:s15+$0x120] =	vst v7;
	v5 =	vadd.f32 v5, v10  }
0xa1: {  	v7 =	vld [tilespmem:s3+$0x2920];
	[tilespmem:s15+$0x130] =	vst v6;
	v4 =	vadd.f32 v4, v8  }
0xa2: {  	v6 =	vld [tilespmem:s3+$0x2930];
	[tilespmem:s15+$0x140] =	vst v5;
	v3 =	vadd.f32 v3, v9  }
0xa3: {  	v5 =	vld [tilespmem:s3+$0x2940];
	[tilespmem:s15+$0x150] =	vst v4;
	v2 =	vadd.f32 v2, v12  }
0xa4: {  	v4 =	vld [tilespmem:s3+$0x2950];
	[tilespmem:s15+$0x160] =	vst v3  }
0xa5: {  	v3 =	vld [tilespmem:s3+$0x2960];
	[tilespmem:s15+$0x170] =	vst v2;
	s15 =	smov.u32 s3  }
0xa6: {  	v2 =	vld [tilespmem:s15+$0x2970]  }
0xa7: {  	v8 =	vld [tilespmem:s15+$0x100]  }
0xa8: {  	v9 =	vld [tilespmem:s15+$0x110]  }
.Ltmp3:
0xa9: {  	v12 =	vld [tilespmem:s15+$0x120];
	(pc) =	sbr.rel @p0 .LBB2_9-.Ltmp3, $4  }
0xaa: {  	v11 =	vld [tilespmem:s15+$0x130]  }
0xab: {  	v10 =	vld [tilespmem:s15+$0x140]  }
0xac: {  	v14 =	vadd.f32 v14, v8;
	v8 =	vld [tilespmem:s15+$0x150]  }
0xad: {  	s2 =	sadd.s32 $0x200, s2;
	v13 =	vadd.f32 v13, v9;
	v9 =	vld [tilespmem:s15+$0x160]  }
0xae: {  	[tilespmem:s15+$0x100] =	vst v14;
	v7 =	vadd.f32 v7, v12;
	v60 =	vld [tilespmem:s15+$0x170]  }
0xaf: {  	[tilespmem:s15+$0x110] =	vst v13;
	v6 =	vadd.f32 v6, v11  }
0xb0: {  	[tilespmem:s15+$0x120] =	vst v7;
	v5 =	vadd.f32 v5, v10  }
0xb1: {  	[tilespmem:s15+$0x130] =	vst v6;
	v4 =	vadd.f32 v4, v8  }
0xb2: {  	[tilespmem:s15+$0x140] =	vst v5;
	v3 =	vadd.f32 v3, v9  }
0xb3: {  	s2 =	sadd.s32 s6, s14;
	[tilespmem:s15+$0x150] =	vst v4;
	v2 =	vadd.f32 v2, v60  }
0xb4: {  	s2 =	sshll.u32 s2, $0x4;
	[tilespmem:s15+$0x160] =	vst v3  }
0xb5: {  	s23 =	simm.s32 $0x0;
	s3 =	sadd.s32 s8, s2;
	[tilespmem:s15+$0x170] =	vst v2  }
0xb6: {  	[hbm4b:s3+s23] =	stream.linear.scatter [tilespmem:s20], [sflag:$0x1], $0x2800, $0x38;
	[tilespmem:$0x18F80] =	vst v63  }
0xb7: {  	s2 =	sadd.s32 s9, s2  }
0xb8: {  	[hbm4b:s2+s23] =	stream.linear.scatter [tilespmem:s29], [sflag:$0x1], $0x2800, $0x38;
	[tilespmem:$0x18F80] =	vst v63  }
0xb9: {  	_ =	swait.ge [sflag:s30], $0x2800  }
0xba: {  	[sflag:s30] =	ssyncset.done $0x0  }
0xbb: {  	[sflag:s30] =	ssyncadd.s32 $0xFFFFD800  }
0xbc: {  	s15 =	sadd.s32 s14, s12;
	_ =	swait.ge [sflag:s30], $0x2800  }
0xbd: {  	s2 =	sshrl.u32 s15, $0x3;
	[sflag:s30] =	ssyncset.done $0x0  }
0xbe: {  	s2 =	sadd.s32 s7, s2;
	[sflag:s30] =	ssyncadd.s32 $0xFFFFD800  }
0xbf: {  	[tilespmem:s18], [sflag:$0x3] =	stream.linear.gather [hbm4b:s2+s23], $0x50, $0x38;
	[tilespmem:$0x18F80] =	vst v63  }
0xc0: {  	_ =	swait.ge [sflag:s17], $0x50  }
0xc1: {  	[sflag:s17] =	ssyncset.done $0x0  }
0xc2: {  	[sflag:s17] =	ssyncadd.s32 $0xFFFFFFB0  }
0xc3: {  	v2 =	vld [tilespmem:$0x7900];
	_ =	sdelay $0x1  }
0xc4: {  	v3 =	vld [tilespmem:$0x7910];
	_ =	sdelay $0x1  }
0xc5: {  	v4 =	vld [tilespmem:$0x7920]  }
0xc6: {  	v5 =	vshrl.u32 v2, $0xE  }
0xc7: {  	v2 =	vand.u32 $0x3FFF, v2;
	[tilespmem:$0x0] =	vst v5;
	v5 =	vld [tilespmem:$0x7930]  }
0xc8: {  	[tilespmem:$0x80] =	vst v2;
	v2 =	vshrl.u32 v3, $0xE  }
0xc9: {  	[tilespmem:$0x10] =	vst v2;
	v2 =	vand.u32 $0x3FFF, v3;
	v3 =	vld [tilespmem:$0x7940]  }
0xca: {  	[tilespmem:$0x90] =	vst v2;
	v2 =	vshrl.u32 v4, $0xE  }
0xcb: {  	[tilespmem:$0x20] =	vst v2;
	v2 =	vand.u32 $0x3FFF, v4  }
0xcc: {  	[tilespmem:$0xA0] =	vst v2;
	v2 =	vshrl.u32 v5, $0xE  }
0xcd: {  	[tilespmem:$0x30] =	vst v2;
	v2 =	vand.u32 $0x3FFF, v5  }
0xce: {  	[tilespmem:$0xB0] =	vst v2;
	v2 =	vshrl.u32 v3, $0xE  }
0xcf: {  	[tilespmem:$0x40] =	vst v2;
	v2 =	vand.u32 $0x3FFF, v3  }
0xd0: {  	[tilespmem:$0xC0] =	vst v2  }
0xd1: {  	[tilespmem:s20], [sflag:$0x1] =	stream.indirect.gather [hbm4b:s1+s19], $0x80, s23, s19, $0xb8;
	[tilespmem:$0x18F80] =	vst v63  }
0xd2: {  	s14 =	simm.s32 $0x7980  }
0xd3: {  	[tilespmem:s22], [sflag:$0x1] =	stream.indirect.gather [hbm4b:s4+s19], $0x80, s21, s19, $0xb8;
	[tilespmem:$0x18F80] =	vst v63  }
0xd4: {  	s15 =	simm.s32 $0x7A00;
	v2 =	vld [tilespmem:s14+$0x0]  }
0xd5: {  	v3 =	vld [tilespmem:s15+$0x0];
	_ =	sdelay $0x3  }
0xd6: {  	v4 =	vshll.u32 v2, $0x2  }
0xd7: {  	v3 =	vshll.u32 v3, $0x2;
	_ =	sdelay $0x3  }
0xd8: {  	v5 =	vld.idx.msk [tilespmem:v4+s16+$0x0], $0xffff  }
0xd9: {  	v7 =	vmov s23;
	v6 =	vld.idx.msk [tilespmem:v3+s16+$0x0], $0xffff  }
0xda: {  	v7 =	vshll.u32 v7, $0x7  }
0xdb: {  	v7 =	vor.u32 v1, v7  }
0xdc: {  	v61 =	vor.u32 $0x1, v4  }
0xdd: {  	v62 =	vor.u32 $0x1, v3  }
0xde: {  	v5 =	vsub.f32 v5, v6;
	_ =	sdelay $0x1  }
0xdf: {  	[tilespmem:v7+s31+$0x0] =	vst.idx.msk $0xffff, v5  }
0xe0: {  	v5 =	vld.idx.msk [tilespmem:v61+s16+$0x0], $0xffff  }
0xe1: {  	v6 =	vld.idx.msk [tilespmem:v62+s16+$0x0], $0xffff;
	_ =	sdelay $0x1  }
0xe2: {  	v63 =	vor.u32 $0x1, v7  }
0xe3: {  	v4 =	vor.u32 $0x2, v4  }
0xe4: {  	v3 =	vor.u32 $0x2, v3  }
0xe5: {  	v5 =	vsub.f32 v5, v6;
	_ =	sdelay $0x1  }
0xe6: {  	[tilespmem:v63+s31+$0x0] =	vst.idx.msk $0xffff, v5  }
0xe7: {  	v5 =	vld.idx.msk [tilespmem:v4+s16+$0x0], $0xffff  }
0xe8: {  	v6 =	vld.idx.msk [tilespmem:v3+s16+$0x0], $0xffff;
	_ =	sdelay $0x1  }
0xe9: {  	v2 =	vshll.u32 v2, $0x3;
	v3 =	vor.u32 $0x2, v7  }
0xea: {  	v4 =	vand.u32 $0x78, v2;
	v2 =	vor.u32 $0x3, v7;
	_ =	sdelay $0x1  }
0xeb: {  	s3 =	simm.s32 $0x10;
	v4 =	vcvt.s32.f32 v4;
	v5 =	vsub.f32 v5, v6  }
.LBB2_11:
0xec: {  	p0 =	sne.s32 s3, $0x40;
	s14 =	sadd.s32 $0x10, s14;
	s15 =	sadd.s32 $0x10, s15  }
0xed: {  	s2 =	smov.u32 s3;
	s3 =	sadd.s32 $0x10, s3;
	[tilespmem:v3+s31+$0x0] =	vst.idx.msk $0xffff, v5  }
0xee: {  	[tilespmem:v2+s31+$0x0] =	vst.idx.msk $0xffff, v4  }
0xef: {  	v2 =	vld [tilespmem:s14+$0x0]  }
0xf0: {  	v3 =	vld [tilespmem:s15+$0x0];
	_ =	sdelay $0x3  }
0xf1: {  	v4 =	vshll.u32 v2, $0x2;
	v2 =	vshll.u32 v2, $0x3  }
0xf2: {  	v3 =	vshll.u32 v3, $0x2;
	v5 =	vand.u32 $0x78, v2;
	_ =	sdelay $0x3  }
0xf3: {  	v2 =	vld.idx.msk [tilespmem:v4+s16+$0x0], $0xffff  }
0xf4: {  	v6 =	vld.idx.msk [tilespmem:v3+s16+$0x0], $0xffff  }
0xf5: {  	v7 =	vmov s2  }
0xf6: {  	v7 =	vshll.u32 v7, $0x7  }
0xf7: {  	v7 =	vor.u32 v1, v7  }
0xf8: {  	v8 =	vor.u32 $0x1, v4;
	v9 =	vor.u32 $0x1, v3;
	_ =	sdelay $0x1  }
0xf9: {  	v2 =	vsub.f32 v2, v6;
	_ =	sdelay $0x1  }
0xfa: {  	[tilespmem:v7+s31+$0x0] =	vst.idx.msk $0xffff, v2  }
0xfb: {  	v2 =	vld.idx.msk [tilespmem:v8+s16+$0x0], $0xffff  }
0xfc: {  	v6 =	vld.idx.msk [tilespmem:v9+s16+$0x0], $0xffff;
	_ =	sdelay $0x1  }
0xfd: {  	v8 =	vor.u32 $0x1, v7;
	_ =	sdelay $0x1  }
0xfe: {  	v4 =	vor.u32 $0x2, v4;
	v3 =	vor.u32 $0x2, v3;
	_ =	sdelay $0x1  }
0xff: {  	v2 =	vsub.f32 v2, v6;
	_ =	sdelay $0x1  }
0x100: {  	[tilespmem:v8+s31+$0x0] =	vst.idx.msk $0xffff, v2  }
0x101: {  	v6 =	vld.idx.msk [tilespmem:v4+s16+$0x0], $0xffff  }
0x102: {  	v8 =	vld.idx.msk [tilespmem:v3+s16+$0x0], $0xffff  }
0x103: {  	v3 =	vor.u32 $0x2, v7  }
.Ltmp4:
0x104: {  	v2 =	vor.u32 $0x3, v7;
	(pc) =	sbr.rel @p0 .LBB2_11-.Ltmp4, $3  }
0x105: {  	_ =	sdelay $0x1  }
0x106: {  	v4 =	vcvt.s32.f32 v5  }
0x107: {  	v5 =	vsub.f32 v6, v8  }
0x108: {  	_ =	sdelay $0x3  }
0x109: {  	[tilespmem:v3+s31+$0x0] =	vst.idx.msk $0xffff, v5  }
0x10a: {  	[tilespmem:v2+s31+$0x0] =	vst.idx.msk $0xffff, v4  }
0x10b: {  	_ =	swait.ge [sflag:s0], $0x2800  }
0x10c: {  	[sflag:s0] =	ssyncset.done $0x0  }
0x10d: {  	[sflag:s0] =	ssyncadd.s32 $0xFFFFD800  }
0x10e: {  	_ =	swait.ge [sflag:s0], $0x2800  }
0x10f: {  	[sflag:s0] =	ssyncset.done $0x0  }
0x110: {  	s14 =	simm.s32 $0x0;
	[sflag:s0] =	ssyncadd.s32 $0xFFFFD800  }
0x111: {  	v9 =	vld [tilespmem:s14+$0xA280]  }
0x112: {  	v13 =	vld [tilespmem:s14+$0xA290]  }
0x113: {  	v7 =	vld [tilespmem:s14+$0xA2A0]  }
0x114: {  	v6 =	vld [tilespmem:s14+$0xA2B0]  }
0x115: {  	v5 =	vld [tilespmem:s14+$0xA2C0]  }
0x116: {  	v4 =	vld [tilespmem:s14+$0xA2D0]  }
0x117: {  	v3 =	vld [tilespmem:s14+$0xA2E0]  }
0x118: {  	v2 =	vld [tilespmem:s14+$0xA2F0]  }
0x119: {  	v14 =	vld [tilespmem:s14+$0x7A80]  }
0x11a: {  	v15 =	vld [tilespmem:s14+$0x7A90]  }
0x11b: {  	v12 =	vld [tilespmem:s14+$0x7AA0]  }
0x11c: {  	v11 =	vld [tilespmem:s14+$0x7AB0]  }
0x11d: {  	v10 =	vld [tilespmem:s14+$0x7AC0]  }
0x11e: {  	v8 =	vld [tilespmem:s14+$0x7AD0];
	v14 =	vadd.f32 v9, v14  }
0x11f: {  	s2 =	simm.s32 $0x200;
	v13 =	vadd.f32 v13, v15;
	v9 =	vld [tilespmem:s14+$0x7AE0]  }
.LBB2_13:
0x120: {  	s3 =	sshra.s32 s2, $0x2;
	p0 =	sne.s32 s2, $0x9E00;
	[tilespmem:s14+$0x7A80] =	vst v14;
	v7 =	vadd.f32 v7, v12;
	v12 =	vld [tilespmem:s14+$0x7AF0]  }
0x121: {  	v14 =	vld [tilespmem:s3+$0xA280];
	[tilespmem:s14+$0x7A90] =	vst v13;
	v6 =	vadd.f32 v6, v11  }
0x122: {  	v13 =	vld [tilespmem:s3+$0xA290];
	[tilespmem:s14+$0x7AA0] =	vst v7;
	v5 =	vadd.f32 v5, v10  }
0x123: {  	v7 =	vld [tilespmem:s3+$0xA2A0];
	[tilespmem:s14+$0x7AB0] =	vst v6;
	v4 =	vadd.f32 v4, v8  }
0x124: {  	v6 =	vld [tilespmem:s3+$0xA2B0];
	[tilespmem:s14+$0x7AC0] =	vst v5;
	v3 =	vadd.f32 v3, v9  }
0x125: {  	v5 =	vld [tilespmem:s3+$0xA2C0];
	[tilespmem:s14+$0x7AD0] =	vst v4;
	v2 =	vadd.f32 v2, v12  }
0x126: {  	v4 =	vld [tilespmem:s3+$0xA2D0];
	[tilespmem:s14+$0x7AE0] =	vst v3  }
0x127: {  	v3 =	vld [tilespmem:s3+$0xA2E0];
	[tilespmem:s14+$0x7AF0] =	vst v2;
	s14 =	smov.u32 s3  }
0x128: {  	v2 =	vld [tilespmem:s14+$0xA2F0]  }
0x129: {  	v8 =	vld [tilespmem:s14+$0x7A80]  }
0x12a: {  	v9 =	vld [tilespmem:s14+$0x7A90]  }
.Ltmp5:
0x12b: {  	v12 =	vld [tilespmem:s14+$0x7AA0];
	(pc) =	sbr.rel @p0 .LBB2_13-.Ltmp5, $4  }
0x12c: {  	v11 =	vld [tilespmem:s14+$0x7AB0]  }
0x12d: {  	v10 =	vld [tilespmem:s14+$0x7AC0]  }
0x12e: {  	v14 =	vadd.f32 v14, v8;
	v8 =	vld [tilespmem:s14+$0x7AD0]  }
0x12f: {  	s2 =	sadd.s32 $0x200, s2;
	v13 =	vadd.f32 v13, v9;
	v9 =	vld [tilespmem:s14+$0x7AE0]  }
0x130: {  	[tilespmem:s14+$0x7A80] =	vst v14;
	v7 =	vadd.f32 v7, v12;
	v63 =	vld [tilespmem:s14+$0x7AF0]  }
0x131: {  	[tilespmem:s14+$0x7A90] =	vst v13;
	v6 =	vadd.f32 v6, v11  }
0x132: {  	[tilespmem:s14+$0x7AA0] =	vst v7;
	v5 =	vadd.f32 v5, v10  }
0x133: {  	[tilespmem:s14+$0x7AB0] =	vst v6;
	v4 =	vadd.f32 v4, v8  }
0x134: {  	[tilespmem:s14+$0x7AC0] =	vst v5;
	v3 =	vadd.f32 v3, v9  }
0x135: {  	[tilespmem:s14+$0x7AD0] =	vst v4;
	v2 =	vadd.f32 v2, v63  }
0x136: {  	s2 =	sshll.u32 s13, $0x4;
	[tilespmem:s14+$0x7AE0] =	vst v3  }
0x137: {  	s13 =	simm.s32 $0x0;
	s3 =	sadd.s32 s8, s2;
	[tilespmem:s14+$0x7AF0] =	vst v2  }
0x138: {  	[hbm4b:s3+s13] =	stream.linear.scatter [tilespmem:s25], [sflag:$0x2], $0x2800, $0x38;
	[tilespmem:$0x18F80] =	vst v63  }
0x139: {  	s10 =	sadd.s32 $0x1, s10;
	s2 =	sadd.s32 s9, s2  }
0x13a: {  	[hbm4b:s2+s13] =	stream.linear.scatter [tilespmem:s31], [sflag:$0x2], $0x2800, $0x38;
	[tilespmem:$0x18F80] =	vst v63  }
0x13b: {  	p0 =	sne.s32 s10, $0x3E;
	_ =	swait.ge [sflag:s0], $0x2800  }
.Ltmp6:
0x13c: {  	[sflag:s0] =	ssyncset.done $0x0;
	(pc) =	sbr.rel @p0 .LBB2_6-.Ltmp6, $4  }
0x13d: {  	[sflag:s0] =	ssyncadd.s32 $0xFFFFD800  }
0x13e: {  	_ =	swait.ge [sflag:s0], $0x2800  }
0x13f: {  	[sflag:s0] =	ssyncset.done $0x0  }
0x140: {  	[sflag:s0] =	ssyncadd.s32 $0xFFFFD800  }
0x141: {  	s5 =	simm.s32 $0x80;
	v2 =	vld [tilespmem:s13+$0x0]  }
0x142: {  	v3 =	vld [tilespmem:s5+$0x0];
	_ =	sdelay $0x3  }
0x143: {  	v4 =	vshll.u32 v2, $0x2  }
0x144: {  	v3 =	vshll.u32 v3, $0x2;
	_ =	sdelay $0x3  }
0x145: {  	v5 =	vld.idx.msk [tilespmem:v4+s16+$0x0], $0xffff  }
0x146: {  	v7 =	vmov s13;
	v6 =	vld.idx.msk [tilespmem:v3+s16+$0x0], $0xffff  }
0x147: {  	v7 =	vshll.u32 v7, $0x7  }
0x148: {  	v7 =	vor.u32 v1, v7  }
0x149: {  	v8 =	vor.u32 $0x1, v4  }
0x14a: {  	v9 =	vor.u32 $0x1, v3  }
0x14b: {  	v5 =	vsub.f32 v5, v6;
	_ =	sdelay $0x1  }
0x14c: {  	[tilespmem:v7+s29+$0x0] =	vst.idx.msk $0xffff, v5  }
0x14d: {  	v5 =	vld.idx.msk [tilespmem:v8+s16+$0x0], $0xffff  }
0x14e: {  	v6 =	vld.idx.msk [tilespmem:v9+s16+$0x0], $0xffff;
	_ =	sdelay $0x1  }
0x14f: {  	v63 =	vor.u32 $0x1, v7  }
0x150: {  	v4 =	vor.u32 $0x2, v4  }
0x151: {  	v3 =	vor.u32 $0x2, v3  }
0x152: {  	v5 =	vsub.f32 v5, v6;
	_ =	sdelay $0x1  }
0x153: {  	[tilespmem:v63+s29+$0x0] =	vst.idx.msk $0xffff, v5  }
0x154: {  	v5 =	vld.idx.msk [tilespmem:v4+s16+$0x0], $0xffff  }
0x155: {  	v6 =	vld.idx.msk [tilespmem:v3+s16+$0x0], $0xffff;
	_ =	sdelay $0x1  }
0x156: {  	v2 =	vshll.u32 v2, $0x3;
	v3 =	vor.u32 $0x2, v7  }
0x157: {  	v4 =	vand.u32 $0x78, v2;
	v2 =	vor.u32 $0x3, v7;
	_ =	sdelay $0x1  }
0x158: {  	s3 =	simm.s32 $0x10;
	v4 =	vcvt.s32.f32 v4;
	v5 =	vsub.f32 v5, v6  }
.LBB2_16:
0x159: {  	p0 =	sne.s32 s3, $0x40;
	s13 =	sadd.s32 $0x10, s13;
	s5 =	sadd.s32 $0x10, s5  }
0x15a: {  	s2 =	smov.u32 s3;
	s3 =	sadd.s32 $0x10, s3;
	[tilespmem:v3+s29+$0x0] =	vst.idx.msk $0xffff, v5  }
0x15b: {  	[tilespmem:v2+s29+$0x0] =	vst.idx.msk $0xffff, v4  }
0x15c: {  	v2 =	vld [tilespmem:s13+$0x0]  }
0x15d: {  	v3 =	vld [tilespmem:s5+$0x0];
	_ =	sdelay $0x3  }
0x15e: {  	v4 =	vshll.u32 v2, $0x2;
	v2 =	vshll.u32 v2, $0x3  }
0x15f: {  	v3 =	vshll.u32 v3, $0x2;
	v5 =	vand.u32 $0x78, v2;
	_ =	sdelay $0x3  }
0x160: {  	v2 =	vld.idx.msk [tilespmem:v4+s16+$0x0], $0xffff  }
0x161: {  	v6 =	vld.idx.msk [tilespmem:v3+s16+$0x0], $0xffff  }
0x162: {  	v7 =	vmov s2  }
0x163: {  	v7 =	vshll.u32 v7, $0x7  }
0x164: {  	v7 =	vor.u32 v1, v7  }
0x165: {  	v8 =	vor.u32 $0x1, v4;
	v9 =	vor.u32 $0x1, v3;
	_ =	sdelay $0x1  }
0x166: {  	v2 =	vsub.f32 v2, v6;
	_ =	sdelay $0x1  }
0x167: {  	[tilespmem:v7+s29+$0x0] =	vst.idx.msk $0xffff, v2  }
0x168: {  	v2 =	vld.idx.msk [tilespmem:v8+s16+$0x0], $0xffff  }
0x169: {  	v6 =	vld.idx.msk [tilespmem:v9+s16+$0x0], $0xffff;
	_ =	sdelay $0x1  }
0x16a: {  	v8 =	vor.u32 $0x1, v7;
	_ =	sdelay $0x1  }
0x16b: {  	v4 =	vor.u32 $0x2, v4;
	v3 =	vor.u32 $0x2, v3;
	_ =	sdelay $0x1  }
0x16c: {  	v2 =	vsub.f32 v2, v6;
	_ =	sdelay $0x1  }
0x16d: {  	[tilespmem:v8+s29+$0x0] =	vst.idx.msk $0xffff, v2  }
0x16e: {  	v6 =	vld.idx.msk [tilespmem:v4+s16+$0x0], $0xffff  }
0x16f: {  	v8 =	vld.idx.msk [tilespmem:v3+s16+$0x0], $0xffff  }
0x170: {  	v3 =	vor.u32 $0x2, v7  }
.Ltmp7:
0x171: {  	v2 =	vor.u32 $0x3, v7;
	(pc) =	sbr.rel @p0 .LBB2_16-.Ltmp7, $3  }
0x172: {  	_ =	sdelay $0x1  }
0x173: {  	v4 =	vcvt.s32.f32 v5  }
0x174: {  	v5 =	vsub.f32 v6, v8  }
0x175: {  	_ =	sdelay $0x3  }
0x176: {  	[tilespmem:v3+s29+$0x0] =	vst.idx.msk $0xffff, v5  }
0x177: {  	[tilespmem:v2+s29+$0x0] =	vst.idx.msk $0xffff, v4  }
0x178: {  	_ =	swait.ge [sflag:s30], $0x2800  }
0x179: {  	[sflag:s30] =	ssyncset.done $0x0  }
0x17a: {  	[sflag:s30] =	ssyncadd.s32 $0xFFFFD800  }
0x17b: {  	_ =	swait.ge [sflag:s30], $0x2800  }
0x17c: {  	[sflag:s30] =	ssyncset.done $0x0  }
0x17d: {  	s5 =	simm.s32 $0x0;
	[sflag:s30] =	ssyncadd.s32 $0xFFFFD800  }
0x17e: {  	v9 =	vld [tilespmem:s5+$0x2900]  }
0x17f: {  	v13 =	vld [tilespmem:s5+$0x2910]  }
0x180: {  	v7 =	vld [tilespmem:s5+$0x2920]  }
0x181: {  	v6 =	vld [tilespmem:s5+$0x2930]  }
0x182: {  	v5 =	vld [tilespmem:s5+$0x2940]  }
0x183: {  	v4 =	vld [tilespmem:s5+$0x2950]  }
0x184: {  	v3 =	vld [tilespmem:s5+$0x2960]  }
0x185: {  	v2 =	vld [tilespmem:s5+$0x2970]  }
0x186: {  	v14 =	vld [tilespmem:s5+$0x100]  }
0x187: {  	v15 =	vld [tilespmem:s5+$0x110]  }
0x188: {  	v12 =	vld [tilespmem:s5+$0x120]  }
0x189: {  	v11 =	vld [tilespmem:s5+$0x130]  }
0x18a: {  	v10 =	vld [tilespmem:s5+$0x140]  }
0x18b: {  	v8 =	vld [tilespmem:s5+$0x150];
	v14 =	vadd.f32 v9, v14  }
0x18c: {  	s2 =	simm.s32 $0x200;
	v13 =	vadd.f32 v13, v15;
	v9 =	vld [tilespmem:s5+$0x160]  }
.LBB2_18:
0x18d: {  	s3 =	sshra.s32 s2, $0x2;
	p0 =	sne.s32 s2, $0x9E00;
	[tilespmem:s5+$0x100] =	vst v14;
	v7 =	vadd.f32 v7, v12;
	v12 =	vld [tilespmem:s5+$0x170]  }
0x18e: {  	v14 =	vld [tilespmem:s3+$0x2900];
	[tilespmem:s5+$0x110] =	vst v13;
	v6 =	vadd.f32 v6, v11  }
0x18f: {  	v13 =	vld [tilespmem:s3+$0x2910];
	[tilespmem:s5+$0x120] =	vst v7;
	v5 =	vadd.f32 v5, v10  }
0x190: {  	v7 =	vld [tilespmem:s3+$0x2920];
	[tilespmem:s5+$0x130] =	vst v6;
	v4 =	vadd.f32 v4, v8  }
0x191: {  	v6 =	vld [tilespmem:s3+$0x2930];
	[tilespmem:s5+$0x140] =	vst v5;
	v3 =	vadd.f32 v3, v9  }
0x192: {  	v5 =	vld [tilespmem:s3+$0x2940];
	[tilespmem:s5+$0x150] =	vst v4;
	v2 =	vadd.f32 v2, v12  }
0x193: {  	v4 =	vld [tilespmem:s3+$0x2950];
	[tilespmem:s5+$0x160] =	vst v3  }
0x194: {  	v3 =	vld [tilespmem:s3+$0x2960];
	[tilespmem:s5+$0x170] =	vst v2;
	s5 =	smov.u32 s3  }
0x195: {  	v2 =	vld [tilespmem:s5+$0x2970]  }
0x196: {  	v8 =	vld [tilespmem:s5+$0x100]  }
0x197: {  	v9 =	vld [tilespmem:s5+$0x110]  }
.Ltmp8:
0x198: {  	v12 =	vld [tilespmem:s5+$0x120];
	(pc) =	sbr.rel @p0 .LBB2_18-.Ltmp8, $4  }
0x199: {  	v11 =	vld [tilespmem:s5+$0x130]  }
0x19a: {  	v10 =	vld [tilespmem:s5+$0x140]  }
0x19b: {  	v14 =	vadd.f32 v14, v8;
	v8 =	vld [tilespmem:s5+$0x150]  }
0x19c: {  	s2 =	sadd.s32 $0x200, s2;
	v13 =	vadd.f32 v13, v9;
	v9 =	vld [tilespmem:s5+$0x160]  }
0x19d: {  	[tilespmem:s5+$0x100] =	vst v14;
	v7 =	vadd.f32 v7, v12;
	v63 =	vld [tilespmem:s5+$0x170]  }
0x19e: {  	[tilespmem:s5+$0x110] =	vst v13;
	v6 =	vadd.f32 v6, v11  }
0x19f: {  	[tilespmem:s5+$0x120] =	vst v7;
	v5 =	vadd.f32 v5, v10  }
0x1a0: {  	[tilespmem:s5+$0x130] =	vst v6;
	v4 =	vadd.f32 v4, v8  }
0x1a1: {  	[tilespmem:s5+$0x140] =	vst v5;
	v3 =	vadd.f32 v3, v9  }
0x1a2: {  	[tilespmem:s5+$0x150] =	vst v4;
	v2 =	vadd.f32 v2, v63  }
0x1a3: {  	[tilespmem:s5+$0x160] =	vst v3  }
0x1a4: {  	s2 =	rddreg [dreg:$0x5];
	[tilespmem:s5+$0x170] =	vst v2;
	s5 =	simm.s32 $0x0  }
0x1a5: {  	[hbm4b:s2+s5] =	stream.linear.scatter [tilespmem:s20], [sflag:$0x1], $0x2800, $0x38;
	[tilespmem:$0x18F80] =	vst v63  }
0x1a6: {  	s15 =	rddreg [dreg:$0x6]  }
0x1a7: {  	[hbm4b:s15+s5] =	stream.linear.scatter [tilespmem:s29], [sflag:$0x1], $0x2800, $0x38;
	[tilespmem:$0x18F80] =	vst v63  }
0x1a8: {  	_ =	swait.ge [sflag:s30], $0x2800  }
0x1a9: {  	[sflag:s30] =	ssyncset.done $0x0  }
0x1aa: {  	[sflag:s30] =	ssyncadd.s32 $0xFFFFD800  }
0x1ab: {  	_ =	swait.ge [sflag:s30], $0x2800  }
0x1ac: {  	s3 =	rddreg [dreg:$0x8]  }
0x1ad: {  	s23 =	rddreg [dreg:$0x7];
	s3 =	sadd.s32 $0x1, s3  }
0x1ae: {  	p0 =	sne.s32 s3, s23  }
.Ltmp9:
0x1af: {  	_ = 	snop;
	(pc) =	sbr.rel @p0 .LBB2_1-.Ltmp9, $3  }
0x1b0: {  	_ =	sdelay $0x1  }
0x1b1: {  	[sflag:s30] =	ssyncset.done $0x0  }
0x1b2: {  	[sflag:s30] =	ssyncadd.s32 $0xFFFFD800  }
0x1b3: {  	_ =	sfence.sel $0x180000  }
0x1b4: {  	[bflag:$0x0] =	sbarrier.arrive $0xFFFF  }
0x1b5: {  	_ =	strace $0x90000047  }
0x1b6: {  	s0 =	stileid.u32;
	[bflag:$0x2] =	sbarrier.arrive $0xFFFF  }
0x1b7: {  	p0 =	sne.s32 s0, $0x0;
	s0 =	rddreg [dreg:$0x2]  }
0x1b8: {  	s0 =	sadd.s32 @!p0 $0x100000, s0  }
0x1b9: {  	[sflag:s0] =	ssyncadd.tile.s32 @!p0 $0x1;
	_ =	shalt  }
.Lfunc_end2:
_tile_overlayer_lowered:
.L_overlay_start_2:
0x1ba: {  	(tag) =	ssettag $0x2  }
0x1bb: {  	s0 =	rddreg [dreg:$0x0];
	s2 =	stileid.u32  }
0x1bc: {  	s1 =	rddreg [dreg:$0x1];
	p0 =	sne.s32 s2, $0x0  }
0x1bd: {  	s3 =	rddreg [dreg:$0x2];
	[bflag:$0x3] =	sbarrier.arrive $0xFFFF;
	s2 =	simm.s32 @!p0 $0x1C03  }
0x1be: {  	[timem:s3], [sflag:s2] =	dma.local @!p0 [hbm:s0], s1  }
0x1bf: {  	s0 =	simm.s32 @!p0 $0x3  }
0x1c0: {  	_ =	swait.ge @!p0 [sflag:s0], s1  }
0x1c1: {  	s1 =	ssub.s32 @!p0 $0x0, s1;
	[sflag:s0] =	ssyncset.done @!p0 $0x0  }
0x1c2: {  	[sflag:s0] =	ssyncadd.s32 @!p0 s1  }
0x1c3: {  	[bflag:$0x3] =	sbarrier.arrive $0xFFFF  }
0x1c4: {  	_ =	shalt  }

</sc_bundles>
